<compile_context>
chip_gen: v7x
topology: tpu7x:2x2x1
jax: 0.10.2.dev20260603
libtpu: 0.0.44.dev20260713+nightly
codegen_flags: <defaults>
</compile_context>

<pallas_src>
import jax
import jax.numpy as jnp
from jax import lax
from jax.experimental import pallas as pl
from jax.experimental.pallas import tpu as pltpu
from jax.experimental.pallas import tpu_sc as plsc

_N = 512
_L = 16
_G = 8
_NB = _N // _L
_QC = _N // (_L * _G)
_NW = 32
_TPB = 2


def _lane_gather(vec, sel):
    dnums = lax.GatherDimensionNumbers(
        offset_dims=(), collapsed_slice_dims=(0,), start_index_map=(0,))
    return lax.gather(vec, sel[:, None], dnums, (1,),
                      mode=lax.GatherScatterMode.PROMISE_IN_BOUNDS)


def _sl1v(a, b):
    d = a - b
    ad = jnp.abs(d)
    return jnp.where(ad < 1.0, 0.5 * d * d, ad - 0.5)


def _sc_body(x_hbm, t_hbm, w_hbm, out_hbm,
             xall, tall, k2x, k2y, k2z, cc, wbuf, outv, semx, semt):
    c = lax.axis_index("c")
    s = lax.axis_index("s")
    wid = s * 2 + c
    part = wid
    cpx = pltpu.async_copy(x_hbm.at[part], xall, semx)
    cpt = pltpu.async_copy(t_hbm.at[part], tall, semt)
    pltpu.sync_copy(w_hbm, wbuf)
    iota = lax.iota(jnp.int32, _L)
    cpx.wait()
    cpt.wait()

    def setup(i, _):
        tx = tall[pl.ds(i * _L, _L)]
        ty = tall[pl.ds(_N + i * _L, _L)]
        tz = tall[pl.ds(2 * _N + i * _L, _L)]
        k2x[pl.ds(i * _L, _L)] = tx * (-2.0)
        k2y[pl.ds(i * _L, _L)] = ty * (-2.0)
        k2z[pl.ds(i * _L, _L)] = tz * (-2.0)
        cc[pl.ds(i * _L, _L)] = tx * tx + ty * ty + tz * tz
        return 0

    lax.fori_loop(0, _NB, setup, 0)

    def chunk_body(qc, acc):
        qbase = qc * (_L * _G)
        qxs = tuple(xall[pl.ds(qbase + g * _L, _L)] for g in range(_G))
        qys = tuple(xall[pl.ds(_N + qbase + g * _L, _L)] for g in range(_G))
        qzs = tuple(xall[pl.ds(2 * _N + qbase + g * _L, _L)]
                    for g in range(_G))
        dmin0 = tuple(jnp.full((_L,), jnp.inf, jnp.float32)
                      for _ in range(_G))
        imin0 = tuple(jnp.zeros((_L,), jnp.int32) for _ in range(_G))

        def key_body(kb, dc):
            dmins, imins = dc
            dmins = list(dmins)
            imins = list(imins)
            base = kb * _L
            txv = k2x[pl.ds(base, _L)]
            tyv = k2y[pl.ds(base, _L)]
            tzv = k2z[pl.ds(base, _L)]
            tcv = cc[pl.ds(base, _L)]
            kbase = jnp.full((_L,), base, jnp.int32)
            for j in range(_L):
                sel = jnp.full((_L,), j, jnp.int32)
                bx = _lane_gather(txv, sel)
                by = _lane_gather(tyv, sel)
                bz = _lane_gather(tzv, sel)
                bc = _lane_gather(tcv, sel)
                idxv = kbase + j
                for g in range(_G):
                    d = qxs[g] * bx + qys[g] * by + qzs[g] * bz + bc
                    m = d < dmins[g]
                    dmins[g] = jnp.minimum(d, dmins[g])
                    imins[g] = jnp.where(m, idxv, imins[g])
            return (tuple(dmins), tuple(imins))

        _, imins = lax.fori_loop(0, _NB, key_body, (dmin0, imin0))

        for g in range(_G):
            im = imins[g]
            gx = plsc.load_gather(tall, [im])
            gy = plsc.load_gather(tall, [im + _N])
            gz = plsc.load_gather(tall, [im + 2 * _N])
            acc = (acc + _sl1v(qxs[g], gx) + _sl1v(qys[g], gy)
                   + _sl1v(qzs[g], gz))
        return acc

    acc = lax.fori_loop(0, _QC, chunk_body, jnp.zeros((_L,), jnp.float32))
    wsp = plsc.load_gather(wbuf, [jnp.full((_L,), part, jnp.int32)])
    grand = acc * wsp

    def cent(i, c6):
        sx, sy, sz, tx_, ty_, tz_ = c6
        sx = sx + xall[pl.ds(i * _L, _L)]
        sy = sy + xall[pl.ds(_N + i * _L, _L)]
        sz = sz + xall[pl.ds(2 * _N + i * _L, _L)]
        tx_ = tx_ + tall[pl.ds(i * _L, _L)]
        ty_ = ty_ + tall[pl.ds(_N + i * _L, _L)]
        tz_ = tz_ + tall[pl.ds(2 * _N + i * _L, _L)]
        return (sx, sy, sz, tx_, ty_, tz_)

    z = jnp.zeros((_L,), jnp.float32)
    sx, sy, sz, tcx, tcy, tcz = lax.fori_loop(0, _NB, cent,
                                              (z, z, z, z, z, z))
    inv = 1.0 / _N
    dx = (jnp.sum(sx) - jnp.sum(tcx)) * inv
    dy = (jnp.sum(sy) - jnp.sum(tcy)) * inv
    dz = (jnp.sum(sz) - jnp.sum(tcz)) * inv
    cdiff = jnp.where(iota == 0, dx,
                      jnp.where(iota == 1, dy,
                                jnp.where(iota == 2, dz, 0.0)))
    lossc_acc = _sl1v(cdiff, jnp.zeros((_L,), jnp.float32))
    loss_p = jnp.sum(grand) * (1.0 / (_N * 3.0 * 4.0))
    lossc_p = jnp.sum(lossc_acc) * (1.0 / 12.0)
    outv[...] = jnp.where(iota == 0, loss_p,
                          jnp.where(iota == 1, lossc_p, 0.0))
    pltpu.sync_copy(outv, out_hbm.at[wid])


def _tc_nn_sl1_sum(xT, tT):
    N = xT.shape[1]
    M = tT.shape[1]
    G = jax.lax.dot_general(xT, tT, (((0,), (0,)), ((), ())),
                            preferred_element_type=jnp.float32)
    c = jnp.sum(tT * tT, axis=0)
    D = c[None, :] - (G + G)
    minD = jnp.min(D, axis=1)
    iota_f = jax.lax.broadcasted_iota(jnp.int32, (N, M), 1
                                      ).astype(jnp.float32)
    matches = D <= minD[:, None]
    idx_f = jnp.min(jnp.where(matches, iota_f, jnp.float32(M)), axis=1)
    ohT = (jax.lax.broadcasted_iota(jnp.int32, (M, N), 0
                                    ).astype(jnp.float32)
           == idx_f[None, :]).astype(jnp.float32)
    tagpT = jax.lax.dot_general(tT, ohT, (((1,), (0,)), ((), ())),
                                preferred_element_type=jnp.float32)
    return jnp.sum(_sl1v(xT, tagpT))


def _tc_body(xT_ref, tT_ref, w_ref, loss_ref, lossc_ref):
    i = pl.program_id(0)
    part_loss = jnp.float32(0.0)
    part_lossc = jnp.float32(0.0)
    for j in range(_TPB):
        xT = xT_ref[j]
        tT = tT_ref[j]
        N = xT.shape[1]
        M = tT.shape[1]
        w = w_ref[j, 0, 0]
        part_loss += _tc_nn_sl1_sum(xT, tT) / (_N * 3.0) * w / 4.0
        sx = jnp.sum(xT, axis=1) / N
        st = jnp.sum(tT, axis=1) / M
        part_lossc += jnp.sum(_sl1v(sx, st)) / 12.0

    @pl.when(i == 0)
    def _():
        loss_ref[...] = jnp.zeros((1, 1), jnp.float32)
        lossc_ref[...] = jnp.zeros((1, 1), jnp.float32)

    loss_ref[...] = loss_ref[...] + part_loss
    lossc_ref[...] = lossc_ref[...] + part_lossc


def kernel(X_v, target_X_v, weights):
    B, K, N, D = X_v.shape
    P = B * K
    xT3 = jnp.transpose(X_v, (0, 1, 3, 2)).reshape(P, D, N)
    tT3 = jnp.transpose(target_X_v, (0, 1, 3, 2)).reshape(P, D, N)
    w = weights.reshape(P)
    S = _NW
    R = P - S
    xT = xT3.reshape(P, D * N)
    tT = tT3.reshape(P, D * N)
    mesh = plsc.VectorSubcoreMesh(core_axis_name="c", subcore_axis_name="s")
    sc_call = pl.kernel(
        _sc_body,
        out_type=jax.ShapeDtypeStruct((_NW, _L), jnp.float32),
        mesh=mesh,
        scratch_types=[
            pltpu.VMEM((D * N,), jnp.float32),
            pltpu.VMEM((D * N,), jnp.float32),
            pltpu.VMEM((N,), jnp.float32),
            pltpu.VMEM((N,), jnp.float32),
            pltpu.VMEM((N,), jnp.float32),
            pltpu.VMEM((N,), jnp.float32),
            pltpu.VMEM((S,), jnp.float32),
            pltpu.VMEM((_L,), jnp.float32),
            pltpu.SemaphoreType.DMA,
            pltpu.SemaphoreType.DMA,
        ],
        compiler_params=pltpu.CompilerParams(needs_layout_passes=False),
    )
    lr, lcr = pl.pallas_call(
        _tc_body,
        grid=(R // _TPB,),
        in_specs=[
            pl.BlockSpec((_TPB, D, N), lambda i: (i, 0, 0)),
            pl.BlockSpec((_TPB, D, N), lambda i: (i, 0, 0)),
            pl.BlockSpec((_TPB, 1, 1), lambda i: (i, 0, 0)),
        ],
        out_specs=[
            pl.BlockSpec((1, 1), lambda i: (0, 0)),
            pl.BlockSpec((1, 1), lambda i: (0, 0)),
        ],
        out_shape=[
            jax.ShapeDtypeStruct((1, 1), jnp.float32),
            jax.ShapeDtypeStruct((1, 1), jnp.float32),
        ],
        compiler_params=pltpu.CompilerParams(
            dimension_semantics=("arbitrary",),
        ),
    )(xT3[S:], tT3[S:], w[S:].reshape(R, 1, 1))
    partials = sc_call(xT[:S], tT[:S], w[:S])
    loss = jnp.sum(partials[:, 0]) + lr[0, 0]
    lossc = jnp.sum(partials[:, 1]) + lcr[0, 0]
    return loss, lossc

# --- scband reference (transcript-rebuilt; emitter-appended) ---
"""Pipeline reference for scband-geometric-reconstruction-loss-67070209294708 (READ-ONLY COPY).

The authoritative reference and input builder live on the scoring server;
editing this copy changes nothing except your own understanding.
"""

import jax, jax.numpy as jnp
import numpy as np


def _smooth_l1(pred, tgt):
    d = pred - tgt
    ad = jnp.abs(d)
    return jnp.where(ad < 1.0, 0.5 * d * d, ad - 0.5)


def setup_inputs(seed: int = 0) -> dict:
    key = jax.random.key(seed)
    k1, k2, k3 = jax.random.split(key, 3)
    X_v = jax.random.normal(k1, (4, 16, 512, 3), dtype=jnp.float32)
    target_X_v = jax.random.normal(k2, (4, 16, 512, 3), dtype=jnp.float32)
    weights = jax.random.uniform(k3, (4, 16), dtype=jnp.float32)
    return {"X_v": X_v, "target_X_v": target_X_v, "weights": weights}


def reference(X_v, target_X_v, weights):
    # Pairwise squared L2 distances between pred and target points, per (batch, part).
    # pred_: [B,K,N,1,3], tag_: [B,K,1,M,3] -> diff: [B,K,N,M]
    diff = jnp.sum((X_v[:, :, :, None, :] - target_X_v[:, :, None, :, :]) ** 2, axis=-1)
    # Nearest target point index for every predicted point (argmin over M).
    minv = jnp.argmin(diff, axis=-1)  # [B,K,N]
    # Gather nearest target points: tagp[b,k,n,:] = target_X_v[b,k,minv[b,k,n],:]
    tagp = jnp.take_along_axis(target_X_v, minv[..., None], axis=2)  # [B,K,N,3]
    # smooth_l1_loss(pred, tagp, reduction='mean') per (b, k)
    per_part = jnp.mean(_smooth_l1(X_v, tagp), axis=(2, 3))  # [B,K]
    loss = jnp.sum(per_part * weights)
    # Centroid losses
    prec = jnp.mean(X_v, axis=2)          # [B,K,3]
    tarc = jnp.mean(target_X_v, axis=2)   # [B,K,3]
    lossc = jnp.sum(_smooth_l1(prec, tarc)) / (prec.shape[0] * 3)
    # losstc computed in original but not returned; compute for faithfulness
    losstc = jnp.mean(_smooth_l1(jnp.mean(prec, axis=1), jnp.mean(tarc, axis=1)))
    del losstc
    loss = loss / target_X_v.shape[0]
    return (loss, lossc)

if __name__ == "__main__":
    import jax
    _d = setup_inputs()
    print(jax.jit(kernel)(*tuple(_d.values())))

</pallas_src>

<mosaic_0001>
#map = affine_map<(d0, d1) -> (0, 0)>
#map1 = affine_map<(d0, d1) -> (0)>
module attributes {stable_mosaic.version = 14 : i64} {
  func.func @_sc_body(%arg0: i32, %arg1: i32, %arg2: memref<32x1536xf32, #tpu.memory_space<hbm>>, %arg3: memref<32x1536xf32, #tpu.memory_space<hbm>>, %arg4: memref<32xf32, #tpu.memory_space<hbm>>, %arg5: memref<32x16xf32, #tpu.memory_space<hbm>>, %arg6: memref<1536xf32, #tpu.memory_space<vmem>>, %arg7: memref<1536xf32, #tpu.memory_space<vmem>>, %arg8: memref<512xf32, #tpu.memory_space<vmem>>, %arg9: memref<512xf32, #tpu.memory_space<vmem>>, %arg10: memref<512xf32, #tpu.memory_space<vmem>>, %arg11: memref<512xf32, #tpu.memory_space<vmem>>, %arg12: memref<32xf32, #tpu.memory_space<vmem>>, %arg13: memref<16xf32, #tpu.memory_space<vmem>>, %arg14: memref<!tpu.dma_semaphore, #tpu.memory_space<semaphore_mem>>, %arg15: memref<!tpu.dma_semaphore, #tpu.memory_space<semaphore_mem>>) attributes {dimension_semantics = [#tpu.dimension_semantics<core_parallel>, #tpu.dimension_semantics<subcore_parallel>], iteration_bounds = array<i64: 2, 16>, scalar_prefetch = 0 : i64, scratch_operands = 10 : i64, tpu.core_type = #tpu.core_type<sc_vector_subcore>, window_params = [{transform_indices = #map}, {transform_indices = #map}, {transform_indices = #map1}, {transform_indices = #map}]} {
    %mul3A = arith.constant 2 : i32
    %mul3A_0 = arith.muli %arg1, %mul3A : i32
    %add3A = arith.addi %mul3A_0, %arg0 : i32
    %dma_start3A = arith.constant 0 : i32
    %dma_start3A_1 = tpu.memref_slice %arg2[%add3A, %dma_start3A] : memref<32x1536xf32, #tpu.memory_space<hbm>> -> memref<1x1536xf32, #tpu.memory_space<hbm>>
    %dma_start3A_2 = tpu.memref_squeeze %dma_start3A_1 : memref<1x1536xf32, #tpu.memory_space<hbm>> -> memref<1536xf32, #tpu.memory_space<hbm>>
    %dma_start3A_3 = arith.constant 0 : i32
    %dma_start3A_4 = tpu.memref_slice %arg2[%add3A, %dma_start3A_3] : memref<32x1536xf32, #tpu.memory_space<hbm>> -> memref<1x1536xf32, #tpu.memory_space<hbm>>
    %dma_start3A_5 = tpu.memref_squeeze %dma_start3A_4 : memref<1x1536xf32, #tpu.memory_space<hbm>> -> memref<1536xf32, #tpu.memory_space<hbm>>
    tpu.enqueue_dma source(%dma_start3A_5 : memref<1536xf32, #tpu.memory_space<hbm>>) target(%arg6 : memref<1536xf32, #tpu.memory_space<vmem>>) target_semaphore(%arg14 : memref<!tpu.dma_semaphore, #tpu.memory_space<semaphore_mem>>)
    %dma_start3A_6 = arith.constant 0 : i32
    %dma_start3A_7 = tpu.memref_slice %arg3[%add3A, %dma_start3A_6] : memref<32x1536xf32, #tpu.memory_space<hbm>> -> memref<1x1536xf32, #tpu.memory_space<hbm>>
    %dma_start3A_8 = tpu.memref_squeeze %dma_start3A_7 : memref<1x1536xf32, #tpu.memory_space<hbm>> -> memref<1536xf32, #tpu.memory_space<hbm>>
    %dma_start3A_9 = arith.constant 0 : i32
    %dma_start3A_10 = tpu.memref_slice %arg3[%add3A, %dma_start3A_9] : memref<32x1536xf32, #tpu.memory_space<hbm>> -> memref<1x1536xf32, #tpu.memory_space<hbm>>
    %dma_start3A_11 = tpu.memref_squeeze %dma_start3A_10 : memref<1x1536xf32, #tpu.memory_space<hbm>> -> memref<1536xf32, #tpu.memory_space<hbm>>
    tpu.enqueue_dma source(%dma_start3A_11 : memref<1536xf32, #tpu.memory_space<hbm>>) target(%arg7 : memref<1536xf32, #tpu.memory_space<vmem>>) target_semaphore(%arg15 : memref<!tpu.dma_semaphore, #tpu.memory_space<semaphore_mem>>)
    "tpu.region"() ({
      %run_scoped3A = tpu.sem_alloc : memref<!tpu.dma_semaphore, #tpu.memory_space<semaphore_mem>>
      tpu.enqueue_dma source(%arg4 : memref<32xf32, #tpu.memory_space<hbm>>) target(%arg12 : memref<32xf32, #tpu.memory_space<vmem>>) target_semaphore(%run_scoped3A : memref<!tpu.dma_semaphore, #tpu.memory_space<semaphore_mem>>)
      tpu.wait_dma2 semaphore(%run_scoped3A : memref<!tpu.dma_semaphore, #tpu.memory_space<semaphore_mem>>) src(%arg4 : memref<32xf32, #tpu.memory_space<hbm>>) dst(%arg12 : memref<32xf32, #tpu.memory_space<vmem>>)
      tpu.yield
    }) : () -> ()
    %iota3A = tpu.iota {dimensions = array<i32: 0>} : vector<16xi32>
    %dma_wait3A = arith.constant 0 : i32
    %dma_wait3A_12 = tpu.memref_slice %arg2[%add3A, %dma_wait3A] : memref<32x1536xf32, #tpu.memory_space<hbm>> -> memref<1x1536xf32, #tpu.memory_space<hbm>>
    %dma_wait3A_13 = tpu.memref_squeeze %dma_wait3A_12 : memref<1x1536xf32, #tpu.memory_space<hbm>> -> memref<1536xf32, #tpu.memory_space<hbm>>
    %dma_wait3A_14 = arith.constant 0 : i32
    %dma_wait3A_15 = tpu.memref_slice %arg2[%add3A, %dma_wait3A_14] : memref<32x1536xf32, #tpu.memory_space<hbm>> -> memref<1x1536xf32, #tpu.memory_space<hbm>>
    %dma_wait3A_16 = tpu.memref_squeeze %dma_wait3A_15 : memref<1x1536xf32, #tpu.memory_space<hbm>> -> memref<1536xf32, #tpu.memory_space<hbm>>
    tpu.wait_dma2 semaphore(%arg14 : memref<!tpu.dma_semaphore, #tpu.memory_space<semaphore_mem>>) src(%dma_wait3A_16 : memref<1536xf32, #tpu.memory_space<hbm>>) dst(%arg6 : memref<1536xf32, #tpu.memory_space<vmem>>)
    %dma_wait3A_17 = arith.constant 0 : i32
    %dma_wait3A_18 = tpu.memref_slice %arg3[%add3A, %dma_wait3A_17] : memref<32x1536xf32, #tpu.memory_space<hbm>> -> memref<1x1536xf32, #tpu.memory_space<hbm>>
    %dma_wait3A_19 = tpu.memref_squeeze %dma_wait3A_18 : memref<1x1536xf32, #tpu.memory_space<hbm>> -> memref<1536xf32, #tpu.memory_space<hbm>>
    %dma_wait3A_20 = arith.constant 0 : i32
    %dma_wait3A_21 = tpu.memref_slice %arg3[%add3A, %dma_wait3A_20] : memref<32x1536xf32, #tpu.memory_space<hbm>> -> memref<1x1536xf32, #tpu.memory_space<hbm>>
    %dma_wait3A_22 = tpu.memref_squeeze %dma_wait3A_21 : memref<1x1536xf32, #tpu.memory_space<hbm>> -> memref<1536xf32, #tpu.memory_space<hbm>>
    tpu.wait_dma2 semaphore(%arg15 : memref<!tpu.dma_semaphore, #tpu.memory_space<semaphore_mem>>) src(%dma_wait3A_22 : memref<1536xf32, #tpu.memory_space<hbm>>) dst(%arg7 : memref<1536xf32, #tpu.memory_space<vmem>>)
    %scan3A = arith.constant 0 : i32
    %scan3A_23 = arith.constant 0 : i32
    %scan3A_24 = arith.constant 32 : i32
    %scan3A_25 = arith.addi %scan3A_23, %scan3A_24 : i32
    %scan3A_26 = arith.constant 1 : i32
    %scan3A_27 = scf.for %scan3A_129 = %scan3A_23 to %scan3A_25 step %scan3A_26 iter_args(%scan3A_130 = %scan3A) -> (i32)  : i32 {
      %mul3A_131 = arith.constant 16 : i32
      %mul3A_132 = arith.muli %scan3A_129, %mul3A_131 : i32
      %get3A = arith.index_cast %mul3A_132 : i32 to index
      %get3A_133 = tpu.vector_load %arg7[%get3A] {strides = array<i32>} : memref<1536xf32, #tpu.memory_space<vmem>>, vector<16xf32>,
      %mul3A_134 = arith.constant 16 : i32
      %mul3A_135 = arith.muli %scan3A_129, %mul3A_134 : i32
      %add3A_136 = arith.constant 512 : i32
      %add3A_137 = arith.addi %add3A_136, %mul3A_135 : i32
      %get3A_138 = arith.index_cast %add3A_137 : i32 to index
      %get3A_139 = tpu.vector_load %arg7[%get3A_138] {strides = array<i32>} : memref<1536xf32, #tpu.memory_space<vmem>>, vector<16xf32>,
      %mul3A_140 = arith.constant 16 : i32
      %mul3A_141 = arith.muli %scan3A_129, %mul3A_140 : i32
      %add3A_142 = arith.constant 1024 : i32
      %add3A_143 = arith.addi %add3A_142, %mul3A_141 : i32
      %get3A_144 = arith.index_cast %add3A_143 : i32 to index
      %get3A_145 = tpu.vector_load %arg7[%get3A_144] {strides = array<i32>} : memref<1536xf32, #tpu.memory_space<vmem>>, vector<16xf32>,
      %mul3A_146 = arith.constant -2.000000e+00 : f32
      %mul3A_147 = vector.broadcast %mul3A_146 : f32 to vector<16xf32>
      %mul3A_148 = arith.mulf %get3A_133, %mul3A_147 : vector<16xf32>
      %mul3A_149 = arith.constant 16 : i32
      %mul3A_150 = arith.muli %scan3A_129, %mul3A_149 : i32
      %swap3A_151 = arith.index_cast %mul3A_150 : i32 to index
      %swap3A_152 = tpu.vector_load %arg8[%swap3A_151] {strides = array<i32>} : memref<512xf32, #tpu.memory_space<vmem>>, vector<16xf32>,
      tpu.vector_store %arg8[%swap3A_151], %mul3A_148 {strides = array<i32>} : memref<512xf32, #tpu.memory_space<vmem>>, vector<16xf32>,
      %mul3A_153 = arith.constant -2.000000e+00 : f32
      %mul3A_154 = vector.broadcast %mul3A_153 : f32 to vector<16xf32>
      %mul3A_155 = arith.mulf %get3A_139, %mul3A_154 : vector<16xf32>
      %mul3A_156 = arith.constant 16 : i32
      %mul3A_157 = arith.muli %scan3A_129, %mul3A_156 : i32
      %swap3A_158 = arith.index_cast %mul3A_157 : i32 to index
      %swap3A_159 = tpu.vector_load %arg9[%swap3A_158] {strides = array<i32>} : memref<512xf32, #tpu.memory_space<vmem>>, vector<16xf32>,
      tpu.vector_store %arg9[%swap3A_158], %mul3A_155 {strides = array<i32>} : memref<512xf32, #tpu.memory_space<vmem>>, vector<16xf32>,
      %mul3A_160 = arith.constant -2.000000e+00 : f32
      %mul3A_161 = vector.broadcast %mul3A_160 : f32 to vector<16xf32>
      %mul3A_162 = arith.mulf %get3A_145, %mul3A_161 : vector<16xf32>
      %mul3A_163 = arith.constant 16 : i32
      %mul3A_164 = arith.muli %scan3A_129, %mul3A_163 : i32
      %swap3A_165 = arith.index_cast %mul3A_164 : i32 to index
      %swap3A_166 = tpu.vector_load %arg10[%swap3A_165] {strides = array<i32>} : memref<512xf32, #tpu.memory_space<vmem>>, vector<16xf32>,
      tpu.vector_store %arg10[%swap3A_165], %mul3A_162 {strides = array<i32>} : memref<512xf32, #tpu.memory_space<vmem>>, vector<16xf32>,
      %mul3A_167 = arith.mulf %get3A_133, %get3A_133 : vector<16xf32>
      %mul3A_168 = arith.mulf %get3A_139, %get3A_139 : vector<16xf32>
      %add3A_169 = arith.addf %mul3A_167, %mul3A_168 : vector<16xf32>
      %mul3A_170 = arith.mulf %get3A_145, %get3A_145 : vector<16xf32>
      %add3A_171 = arith.addf %add3A_169, %mul3A_170 : vector<16xf32>
      %mul3A_172 = arith.constant 16 : i32
      %mul3A_173 = arith.muli %scan3A_129, %mul3A_172 : i32
      %swap3A_174 = arith.index_cast %mul3A_173 : i32 to index
      %swap3A_175 = tpu.vector_load %arg11[%swap3A_174] {strides = array<i32>} : memref<512xf32, #tpu.memory_space<vmem>>, vector<16xf32>,
      tpu.vector_store %arg11[%swap3A_174], %add3A_171 {strides = array<i32>} : memref<512xf32, #tpu.memory_space<vmem>>, vector<16xf32>,
      %scan3A_176 = arith.constant 0 : i32
      scf.yield %scan3A_176 : i32
    }
    %scan3A_28 = arith.constant 32 : i32
    %broadcast_in_dim3A = arith.constant 0.000000e+00 : f32
    %broadcast_in_dim3A_29 = vector.broadcast %broadcast_in_dim3A : f32 to vector<16xf32>
    %scan3A_30 = arith.constant 0 : i32
    %scan3A_31 = arith.constant 4 : i32
    %scan3A_32 = arith.addi %scan3A_30, %scan3A_31 : i32
    %scan3A_33 = arith.constant 1 : i32
    %scan3A_34 = scf.for %scan3A_129 = %scan3A_30 to %scan3A_32 step %scan3A_33 iter_args(%scan3A_130 = %broadcast_in_dim3A_29) -> (vector<16xf32>)  : i32 {
      %mul3A_131 = arith.constant 128 : i32
      %mul3A_132 = arith.muli %scan3A_129, %mul3A_131 : i32
      %add3A_133 = arith.constant 0 : i32
      %add3A_134 = arith.addi %mul3A_132, %add3A_133 : i32
      %get3A = arith.index_cast %add3A_134 : i32 to index
      %get3A_135 = tpu.vector_load %arg6[%get3A] {strides = array<i32>} : memref<1536xf32, #tpu.memory_space<vmem>>, vector<16xf32>,
      %add3A_136 = arith.constant 16 : i32
      %add3A_137 = arith.addi %mul3A_132, %add3A_136 : i32
      %get3A_138 = arith.index_cast %add3A_137 : i32 to index
      %get3A_139 = tpu.vector_load %arg6[%get3A_138] {strides = array<i32>} : memref<1536xf32, #tpu.memory_space<vmem>>, vector<16xf32>,
      %add3A_140 = arith.constant 32 : i32
      %add3A_141 = arith.addi %mul3A_132, %add3A_140 : i32
      %get3A_142 = arith.index_cast %add3A_141 : i32 to index
      %get3A_143 = tpu.vector_load %arg6[%get3A_142] {strides = array<i32>} : memref<1536xf32, #tpu.memory_space<vmem>>, vector<16xf32>,
      %add3A_144 = arith.constant 48 : i32
      %add3A_145 = arith.addi %mul3A_132, %add3A_144 : i32
      %get3A_146 = arith.index_cast %add3A_145 : i32 to index
      %get3A_147 = tpu.vector_load %arg6[%get3A_146] {strides = array<i32>} : memref<1536xf32, #tpu.memory_space<vmem>>, vector<16xf32>,
      %add3A_148 = arith.constant 64 : i32
      %add3A_149 = arith.addi %mul3A_132, %add3A_148 : i32
      %get3A_150 = arith.index_cast %add3A_149 : i32 to index
      %get3A_151 = tpu.vector_load %arg6[%get3A_150] {strides = array<i32>} : memref<1536xf32, #tpu.memory_space<vmem>>, vector<16xf32>,
      %add3A_152 = arith.constant 80 : i32
      %add3A_153 = arith.addi %mul3A_132, %add3A_152 : i32
      %get3A_154 = arith.index_cast %add3A_153 : i32 to index
      %get3A_155 = tpu.vector_load %arg6[%get3A_154] {strides = array<i32>} : memref<1536xf32, #tpu.memory_space<vmem>>, vector<16xf32>,
      %add3A_156 = arith.constant 96 : i32
      %add3A_157 = arith.addi %mul3A_132, %add3A_156 : i32
      %get3A_158 = arith.index_cast %add3A_157 : i32 to index
      %get3A_159 = tpu.vector_load %arg6[%get3A_158] {strides = array<i32>} : memref<1536xf32, #tpu.memory_space<vmem>>, vector<16xf32>,
      %add3A_160 = arith.constant 112 : i32
      %add3A_161 = arith.addi %mul3A_132, %add3A_160 : i32
      %get3A_162 = arith.index_cast %add3A_161 : i32 to index
      %get3A_163 = tpu.vector_load %arg6[%get3A_162] {strides = array<i32>} : memref<1536xf32, #tpu.memory_space<vmem>>, vector<16xf32>,
      %add3A_164 = arith.constant 512 : i32
      %add3A_165 = arith.addi %add3A_164, %mul3A_132 : i32
      %add3A_166 = arith.constant 0 : i32
      %add3A_167 = arith.addi %add3A_165, %add3A_166 : i32
      %get3A_168 = arith.index_cast %add3A_167 : i32 to index
      %get3A_169 = tpu.vector_load %arg6[%get3A_168] {strides = array<i32>} : memref<1536xf32, #tpu.memory_space<vmem>>, vector<16xf32>,
      %add3A_170 = arith.constant 512 : i32
      %add3A_171 = arith.addi %add3A_170, %mul3A_132 : i32
      %add3A_172 = arith.constant 16 : i32
      %add3A_173 = arith.addi %add3A_171, %add3A_172 : i32
      %get3A_174 = arith.index_cast %add3A_173 : i32 to index
      %get3A_175 = tpu.vector_load %arg6[%get3A_174] {strides = array<i32>} : memref<1536xf32, #tpu.memory_space<vmem>>, vector<16xf32>,
      %add3A_176 = arith.constant 512 : i32
      %add3A_177 = arith.addi %add3A_176, %mul3A_132 : i32
      %add3A_178 = arith.constant 32 : i32
      %add3A_179 = arith.addi %add3A_177, %add3A_178 : i32
      %get3A_180 = arith.index_cast %add3A_179 : i32 to index
      %get3A_181 = tpu.vector_load %arg6[%get3A_180] {strides = array<i32>} : memref<1536xf32, #tpu.memory_space<vmem>>, vector<16xf32>,
      %add3A_182 = arith.constant 512 : i32
      %add3A_183 = arith.addi %add3A_182, %mul3A_132 : i32
      %add3A_184 = arith.constant 48 : i32
      %add3A_185 = arith.addi %add3A_183, %add3A_184 : i32
      %get3A_186 = arith.index_cast %add3A_185 : i32 to index
      %get3A_187 = tpu.vector_load %arg6[%get3A_186] {strides = array<i32>} : memref<1536xf32, #tpu.memory_space<vmem>>, vector<16xf32>,
      %add3A_188 = arith.constant 512 : i32
      %add3A_189 = arith.addi %add3A_188, %mul3A_132 : i32
      %add3A_190 = arith.constant 64 : i32
      %add3A_191 = arith.addi %add3A_189, %add3A_190 : i32
      %get3A_192 = arith.index_cast %add3A_191 : i32 to index
      %get3A_193 = tpu.vector_load %arg6[%get3A_192] {strides = array<i32>} : memref<1536xf32, #tpu.memory_space<vmem>>, vector<16xf32>,
      %add3A_194 = arith.constant 512 : i32
      %add3A_195 = arith.addi %add3A_194, %mul3A_132 : i32
      %add3A_196 = arith.constant 80 : i32
      %add3A_197 = arith.addi %add3A_195, %add3A_196 : i32
      %get3A_198 = arith.index_cast %add3A_197 : i32 to index
      %get3A_199 = tpu.vector_load %arg6[%get3A_198] {strides = array<i32>} : memref<1536xf32, #tpu.memory_space<vmem>>, vector<16xf32>,
      %add3A_200 = arith.constant 512 : i32
      %add3A_201 = arith.addi %add3A_200, %mul3A_132 : i32
      %add3A_202 = arith.constant 96 : i32
      %add3A_203 = arith.addi %add3A_201, %add3A_202 : i32
      %get3A_204 = arith.index_cast %add3A_203 : i32 to index
      %get3A_205 = tpu.vector_load %arg6[%get3A_204] {strides = array<i32>} : memref<1536xf32, #tpu.memory_space<vmem>>, vector<16xf32>,
      %add3A_206 = arith.constant 512 : i32
      %add3A_207 = arith.addi %add3A_206, %mul3A_132 : i32
      %add3A_208 = arith.constant 112 : i32
      %add3A_209 = arith.addi %add3A_207, %add3A_208 : i32
      %get3A_210 = arith.index_cast %add3A_209 : i32 to index
      %get3A_211 = tpu.vector_load %arg6[%get3A_210] {strides = array<i32>} : memref<1536xf32, #tpu.memory_space<vmem>>, vector<16xf32>,
      %add3A_212 = arith.constant 1024 : i32
      %add3A_213 = arith.addi %add3A_212, %mul3A_132 : i32
      %add3A_214 = arith.constant 0 : i32
      %add3A_215 = arith.addi %add3A_213, %add3A_214 : i32
      %get3A_216 = arith.index_cast %add3A_215 : i32 to index
      %get3A_217 = tpu.vector_load %arg6[%get3A_216] {strides = array<i32>} : memref<1536xf32, #tpu.memory_space<vmem>>, vector<16xf32>,
      %add3A_218 = arith.constant 1024 : i32
      %add3A_219 = arith.addi %add3A_218, %mul3A_132 : i32
      %add3A_220 = arith.constant 16 : i32
      %add3A_221 = arith.addi %add3A_219, %add3A_220 : i32
      %get3A_222 = arith.index_cast %add3A_221 : i32 to index
      %get3A_223 = tpu.vector_load %arg6[%get3A_222] {strides = array<i32>} : memref<1536xf32, #tpu.memory_space<vmem>>, vector<16xf32>,
      %add3A_224 = arith.constant 1024 : i32
      %add3A_225 = arith.addi %add3A_224, %mul3A_132 : i32
      %add3A_226 = arith.constant 32 : i32
      %add3A_227 = arith.addi %add3A_225, %add3A_226 : i32
      %get3A_228 = arith.index_cast %add3A_227 : i32 to index
      %get3A_229 = tpu.vector_load %arg6[%get3A_228] {strides = array<i32>} : memref<1536xf32, #tpu.memory_space<vmem>>, vector<16xf32>,
      %add3A_230 = arith.constant 1024 : i32
      %add3A_231 = arith.addi %add3A_230, %mul3A_132 : i32
      %add3A_232 = arith.constant 48 : i32
      %add3A_233 = arith.addi %add3A_231, %add3A_232 : i32
      %get3A_234 = arith.index_cast %add3A_233 : i32 to index
      %get3A_235 = tpu.vector_load %arg6[%get3A_234] {strides = array<i32>} : memref<1536xf32, #tpu.memory_space<vmem>>, vector<16xf32>,
      %add3A_236 = arith.constant 1024 : i32
      %add3A_237 = arith.addi %add3A_236, %mul3A_132 : i32
      %add3A_238 = arith.constant 64 : i32
      %add3A_239 = arith.addi %add3A_237, %add3A_238 : i32
      %get3A_240 = arith.index_cast %add3A_239 : i32 to index
      %get3A_241 = tpu.vector_load %arg6[%get3A_240] {strides = array<i32>} : memref<1536xf32, #tpu.memory_space<vmem>>, vector<16xf32>,
      %add3A_242 = arith.constant 1024 : i32
      %add3A_243 = arith.addi %add3A_242, %mul3A_132 : i32
      %add3A_244 = arith.constant 80 : i32
      %add3A_245 = arith.addi %add3A_243, %add3A_244 : i32
      %get3A_246 = arith.index_cast %add3A_245 : i32 to index
      %get3A_247 = tpu.vector_load %arg6[%get3A_246] {strides = array<i32>} : memref<1536xf32, #tpu.memory_space<vmem>>, vector<16xf32>,
      %add3A_248 = arith.constant 1024 : i32
      %add3A_249 = arith.addi %add3A_248, %mul3A_132 : i32
      %add3A_250 = arith.constant 96 : i32
      %add3A_251 = arith.addi %add3A_249, %add3A_250 : i32
      %get3A_252 = arith.index_cast %add3A_251 : i32 to index
      %get3A_253 = tpu.vector_load %arg6[%get3A_252] {strides = array<i32>} : memref<1536xf32, #tpu.memory_space<vmem>>, vector<16xf32>,
      %add3A_254 = arith.constant 1024 : i32
      %add3A_255 = arith.addi %add3A_254, %mul3A_132 : i32
      %add3A_256 = arith.constant 112 : i32
      %add3A_257 = arith.addi %add3A_255, %add3A_256 : i32
      %get3A_258 = arith.index_cast %add3A_257 : i32 to index
      %get3A_259 = tpu.vector_load %arg6[%get3A_258] {strides = array<i32>} : memref<1536xf32, #tpu.memory_space<vmem>>, vector<16xf32>,
      %broadcast_in_dim3A_260 = arith.constant 0x7F800000 : f32
      %broadcast_in_dim3A_261 = vector.broadcast %broadcast_in_dim3A_260 : f32 to vector<16xf32>
      %broadcast_in_dim3A_262 = arith.constant 0x7F800000 : f32
      %broadcast_in_dim3A_263 = vector.broadcast %broadcast_in_dim3A_262 : f32 to vector<16xf32>
      %broadcast_in_dim3A_264 = arith.constant 0x7F800000 : f32
      %broadcast_in_dim3A_265 = vector.broadcast %broadcast_in_dim3A_264 : f32 to vector<16xf32>
      %broadcast_in_dim3A_266 = arith.constant 0x7F800000 : f32
      %broadcast_in_dim3A_267 = vector.broadcast %broadcast_in_dim3A_266 : f32 to vector<16xf32>
      %broadcast_in_dim3A_268 = arith.constant 0x7F800000 : f32
      %broadcast_in_dim3A_269 = vector.broadcast %broadcast_in_dim3A_268 : f32 to vector<16xf32>
      %broadcast_in_dim3A_270 = arith.constant 0x7F800000 : f32
      %broadcast_in_dim3A_271 = vector.broadcast %broadcast_in_dim3A_270 : f32 to vector<16xf32>
      %broadcast_in_dim3A_272 = arith.constant 0x7F800000 : f32
      %broadcast_in_dim3A_273 = vector.broadcast %broadcast_in_dim3A_272 : f32 to vector<16xf32>
      %broadcast_in_dim3A_274 = arith.constant 0x7F800000 : f32
      %broadcast_in_dim3A_275 = vector.broadcast %broadcast_in_dim3A_274 : f32 to vector<16xf32>
      %broadcast_in_dim3A_276 = arith.constant 0 : i32
      %broadcast_in_dim3A_277 = vector.broadcast %broadcast_in_dim3A_276 : i32 to vector<16xi32>
      %broadcast_in_dim3A_278 = arith.constant 0 : i32
      %broadcast_in_dim3A_279 = vector.broadcast %broadcast_in_dim3A_278 : i32 to vector<16xi32>
      %broadcast_in_dim3A_280 = arith.constant 0 : i32
      %broadcast_in_dim3A_281 = vector.broadcast %broadcast_in_dim3A_280 : i32 to vector<16xi32>
      %broadcast_in_dim3A_282 = arith.constant 0 : i32
      %broadcast_in_dim3A_283 = vector.broadcast %broadcast_in_dim3A_282 : i32 to vector<16xi32>
      %broadcast_in_dim3A_284 = arith.constant 0 : i32
      %broadcast_in_dim3A_285 = vector.broadcast %broadcast_in_dim3A_284 : i32 to vector<16xi32>
      %broadcast_in_dim3A_286 = arith.constant 0 : i32
      %broadcast_in_dim3A_287 = vector.broadcast %broadcast_in_dim3A_286 : i32 to vector<16xi32>
      %broadcast_in_dim3A_288 = arith.constant 0 : i32
      %broadcast_in_dim3A_289 = vector.broadcast %broadcast_in_dim3A_288 : i32 to vector<16xi32>
      %broadcast_in_dim3A_290 = arith.constant 0 : i32
      %broadcast_in_dim3A_291 = vector.broadcast %broadcast_in_dim3A_290 : i32 to vector<16xi32>
      %scan3A_292 = arith.constant 0 : i32
      %scan3A_293 = arith.constant 32 : i32
      %scan3A_294 = arith.addi %scan3A_292, %scan3A_293 : i32
      %scan3A_295 = arith.constant 1 : i32
      %scan3A_296:16 = scf.for %scan3A_706 = %scan3A_292 to %scan3A_294 step %scan3A_295 iter_args(%scan3A_707 = %broadcast_in_dim3A_261, %scan3A_708 = %broadcast_in_dim3A_263, %scan3A_709 = %broadcast_in_dim3A_265, %scan3A_710 = %broadcast_in_dim3A_267, %scan3A_711 = %broadcast_in_dim3A_269, %scan3A_712 = %broadcast_in_dim3A_271, %scan3A_713 = %broadcast_in_dim3A_273, %scan3A_714 = %broadcast_in_dim3A_275, %scan3A_715 = %broadcast_in_dim3A_277, %scan3A_716 = %broadcast_in_dim3A_279, %scan3A_717 = %broadcast_in_dim3A_281, %scan3A_718 = %broadcast_in_dim3A_283, %scan3A_719 = %broadcast_in_dim3A_285, %scan3A_720 = %broadcast_in_dim3A_287, %scan3A_721 = %broadcast_in_dim3A_289, %scan3A_722 = %broadcast_in_dim3A_291) -> (vector<16xf32>, vector<16xf32>, vector<16xf32>, vector<16xf32>, vector<16xf32>, vector<16xf32>, vector<16xf32>, vector<16xf32>, vector<16xi32>, vector<16xi32>, vector<16xi32>, vector<16xi32>, vector<16xi32>, vector<16xi32>, vector<16xi32>, vector<16xi32>)  : i32 {
        %mul3A_723 = arith.constant 16 : i32
        %mul3A_724 = arith.muli %scan3A_706, %mul3A_723 : i32
        %get3A_725 = arith.index_cast %mul3A_724 : i32 to index
        %get3A_726 = tpu.vector_load %arg8[%get3A_725] {strides = array<i32>} : memref<512xf32, #tpu.memory_space<vmem>>, vector<16xf32>,
        %get3A_727 = arith.index_cast %mul3A_724 : i32 to index
        %get3A_728 = tpu.vector_load %arg9[%get3A_727] {strides = array<i32>} : memref<512xf32, #tpu.memory_space<vmem>>, vector<16xf32>,
        %get3A_729 = arith.index_cast %mul3A_724 : i32 to index
        %get3A_730 = tpu.vector_load %arg10[%get3A_729] {strides = array<i32>} : memref<512xf32, #tpu.memory_space<vmem>>, vector<16xf32>,
        %get3A_731 = arith.index_cast %mul3A_724 : i32 to index
        %get3A_732 = tpu.vector_load %arg11[%get3A_731] {strides = array<i32>} : memref<512xf32, #tpu.memory_space<vmem>>, vector<16xf32>,
        %broadcast_in_dim3A_733 = vector.broadcast %mul3A_724 : i32 to vector<16xi32>
        %broadcast_in_dim3A_734 = arith.constant 0 : i32
        %broadcast_in_dim3A_735 = vector.broadcast %broadcast_in_dim3A_734 : i32 to vector<16xi32>
        %broadcast_in_dim3A_736 = vector.shape_cast %broadcast_in_dim3A_735 : vector<16xi32> to vector<16x1xi32>
        %gather3A_737 = vector.shape_cast %broadcast_in_dim3A_736 : vector<16x1xi32> to vector<16xi32>
        %gather3A_738 = tpu.dynamic_gather %get3A_726[%gather3A_737] in [0] : vector<16xf32>, vector<16xi32> -> vector<16xf32>
        %broadcast_in_dim3A_739 = vector.shape_cast %broadcast_in_dim3A_735 : vector<16xi32> to vector<16x1xi32>
        %gather3A_740 = vector.shape_cast %broadcast_in_dim3A_739 : vector<16x1xi32> to vector<16xi32>
        %gather3A_741 = tpu.dynamic_gather %get3A_728[%gather3A_740] in [0] : vector<16xf32>, vector<16xi32> -> vector<16xf32>
        %broadcast_in_dim3A_742 = vector.shape_cast %broadcast_in_dim3A_735 : vector<16xi32> to vector<16x1xi32>
        %gather3A_743 = vector.shape_cast %broadcast_in_dim3A_742 : vector<16x1xi32> to vector<16xi32>
        %gather3A_744 = tpu.dynamic_gather %get3A_730[%gather3A_743] in [0] : vector<16xf32>, vector<16xi32> -> vector<16xf32>
        %broadcast_in_dim3A_745 = vector.shape_cast %broadcast_in_dim3A_735 : vector<16xi32> to vector<16x1xi32>
        %gather3A_746 = vector.shape_cast %broadcast_in_dim3A_745 : vector<16x1xi32> to vector<16xi32>
        %gather3A_747 = tpu.dynamic_gather %get3A_732[%gather3A_746] in [0] : vector<16xf32>, vector<16xi32> -> vector<16xf32>
        %add3A_748 = arith.constant 0 : i32
        %add3A_749 = vector.broadcast %add3A_748 : i32 to vector<16xi32>
        %add3A_750 = arith.addi %broadcast_in_dim3A_733, %add3A_749 : vector<16xi32>
        %mul3A_751 = arith.mulf %get3A_135, %gather3A_738 : vector<16xf32>
        %mul3A_752 = arith.mulf %get3A_169, %gather3A_741 : vector<16xf32>
        %add3A_753 = arith.addf %mul3A_751, %mul3A_752 : vector<16xf32>
        %mul3A_754 = arith.mulf %get3A_217, %gather3A_744 : vector<16xf32>
        %add3A_755 = arith.addf %add3A_753, %mul3A_754 : vector<16xf32>
        %add3A_756 = arith.addf %add3A_755, %gather3A_747 : vector<16xf32>
        %lt3A_757 = arith.cmpf olt, %add3A_756, %scan3A_707 : vector<16xf32>
        %min3A = arith.minimumf %add3A_756, %scan3A_707 : vector<16xf32>
        %select_n3A_758 = arith.select %lt3A_757, %add3A_750, %scan3A_715 : vector<16xi1>, vector<16xi32>
        %mul3A_759 = arith.mulf %get3A_139, %gather3A_738 : vector<16xf32>
        %mul3A_760 = arith.mulf %get3A_175, %gather3A_741 : vector<16xf32>
        %add3A_761 = arith.addf %mul3A_759, %mul3A_760 : vector<16xf32>
        %mul3A_762 = arith.mulf %get3A_223, %gather3A_744 : vector<16xf32>
        %add3A_763 = arith.addf %add3A_761, %mul3A_762 : vector<16xf32>
        %add3A_764 = arith.addf %add3A_763, %gather3A_747 : vector<16xf32>
        %lt3A_765 = arith.cmpf olt, %add3A_764, %scan3A_708 : vector<16xf32>
        %min3A_766 = arith.minimumf %add3A_764, %scan3A_708 : vector<16xf32>
        %select_n3A_767 = arith.select %lt3A_765, %add3A_750, %scan3A_716 : vector<16xi1>, vector<16xi32>
        %mul3A_768 = arith.mulf %get3A_143, %gather3A_738 : vector<16xf32>
        %mul3A_769 = arith.mulf %get3A_181, %gather3A_741 : vector<16xf32>
        %add3A_770 = arith.addf %mul3A_768, %mul3A_769 : vector<16xf32>
        %mul3A_771 = arith.mulf %get3A_229, %gather3A_744 : vector<16xf32>
        %add3A_772 = arith.addf %add3A_770, %mul3A_771 : vector<16xf32>
        %add3A_773 = arith.addf %add3A_772, %gather3A_747 : vector<16xf32>
        %lt3A_774 = arith.cmpf olt, %add3A_773, %scan3A_709 : vector<16xf32>
        %min3A_775 = arith.minimumf %add3A_773, %scan3A_709 : vector<16xf32>
        %select_n3A_776 = arith.select %lt3A_774, %add3A_750, %scan3A_717 : vector<16xi1>, vector<16xi32>
        %mul3A_777 = arith.mulf %get3A_147, %gather3A_738 : vector<16xf32>
        %mul3A_778 = arith.mulf %get3A_187, %gather3A_741 : vector<16xf32>
        %add3A_779 = arith.addf %mul3A_777, %mul3A_778 : vector<16xf32>
        %mul3A_780 = arith.mulf %get3A_235, %gather3A_744 : vector<16xf32>
        %add3A_781 = arith.addf %add3A_779, %mul3A_780 : vector<16xf32>
        %add3A_782 = arith.addf %add3A_781, %gather3A_747 : vector<16xf32>
        %lt3A_783 = arith.cmpf olt, %add3A_782, %scan3A_710 : vector<16xf32>
        %min3A_784 = arith.minimumf %add3A_782, %scan3A_710 : vector<16xf32>
        %select_n3A_785 = arith.select %lt3A_783, %add3A_750, %scan3A_718 : vector<16xi1>, vector<16xi32>
        %mul3A_786 = arith.mulf %get3A_151, %gather3A_738 : vector<16xf32>
        %mul3A_787 = arith.mulf %get3A_193, %gather3A_741 : vector<16xf32>
        %add3A_788 = arith.addf %mul3A_786, %mul3A_787 : vector<16xf32>
        %mul3A_789 = arith.mulf %get3A_241, %gather3A_744 : vector<16xf32>
        %add3A_790 = arith.addf %add3A_788, %mul3A_789 : vector<16xf32>
        %add3A_791 = arith.addf %add3A_790, %gather3A_747 : vector<16xf32>
        %lt3A_792 = arith.cmpf olt, %add3A_791, %scan3A_711 : vector<16xf32>
        %min3A_793 = arith.minimumf %add3A_791, %scan3A_711 : vector<16xf32>
        %select_n3A_794 = arith.select %lt3A_792, %add3A_750, %scan3A_719 : vector<16xi1>, vector<16xi32>
        %mul3A_795 = arith.mulf %get3A_155, %gather3A_738 : vector<16xf32>
        %mul3A_796 = arith.mulf %get3A_199, %gather3A_741 : vector<16xf32>
        %add3A_797 = arith.addf %mul3A_795, %mul3A_796 : vector<16xf32>
        %mul3A_798 = arith.mulf %get3A_247, %gather3A_744 : vector<16xf32>
        %add3A_799 = arith.addf %add3A_797, %mul3A_798 : vector<16xf32>
        %add3A_800 = arith.addf %add3A_799, %gather3A_747 : vector<16xf32>
        %lt3A_801 = arith.cmpf olt, %add3A_800, %scan3A_712 : vector<16xf32>
        %min3A_802 = arith.minimumf %add3A_800, %scan3A_712 : vector<16xf32>
        %select_n3A_803 = arith.select %lt3A_801, %add3A_750, %scan3A_720 : vector<16xi1>, vector<16xi32>
        %mul3A_804 = arith.mulf %get3A_159, %gather3A_738 : vector<16xf32>
        %mul3A_805 = arith.mulf %get3A_205, %gather3A_741 : vector<16xf32>
        %add3A_806 = arith.addf %mul3A_804, %mul3A_805 : vector<16xf32>
        %mul3A_807 = arith.mulf %get3A_253, %gather3A_744 : vector<16xf32>
        %add3A_808 = arith.addf %add3A_806, %mul3A_807 : vector<16xf32>
        %add3A_809 = arith.addf %add3A_808, %gather3A_747 : vector<16xf32>
        %lt3A_810 = arith.cmpf olt, %add3A_809, %scan3A_713 : vector<16xf32>
        %min3A_811 = arith.minimumf %add3A_809, %scan3A_713 : vector<16xf32>
        %select_n3A_812 = arith.select %lt3A_810, %add3A_750, %scan3A_721 : vector<16xi1>, vector<16xi32>
        %mul3A_813 = arith.mulf %get3A_163, %gather3A_738 : vector<16xf32>
        %mul3A_814 = arith.mulf %get3A_211, %gather3A_741 : vector<16xf32>
        %add3A_815 = arith.addf %mul3A_813, %mul3A_814 : vector<16xf32>
        %mul3A_816 = arith.mulf %get3A_259, %gather3A_744 : vector<16xf32>
        %add3A_817 = arith.addf %add3A_815, %mul3A_816 : vector<16xf32>
        %add3A_818 = arith.addf %add3A_817, %gather3A_747 : vector<16xf32>
        %lt3A_819 = arith.cmpf olt, %add3A_818, %scan3A_714 : vector<16xf32>
        %min3A_820 = arith.minimumf %add3A_818, %scan3A_714 : vector<16xf32>
        %select_n3A_821 = arith.select %lt3A_819, %add3A_750, %scan3A_722 : vector<16xi1>, vector<16xi32>
        %broadcast_in_dim3A_822 = arith.constant 1 : i32
        %broadcast_in_dim3A_823 = vector.broadcast %broadcast_in_dim3A_822 : i32 to vector<16xi32>
        %broadcast_in_dim3A_824 = vector.shape_cast %broadcast_in_dim3A_823 : vector<16xi32> to vector<16x1xi32>
        %gather3A_825 = vector.shape_cast %broadcast_in_dim3A_824 : vector<16x1xi32> to vector<16xi32>
        %gather3A_826 = tpu.dynamic_gather %get3A_726[%gather3A_825] in [0] : vector<16xf32>, vector<16xi32> -> vector<16xf32>
        %broadcast_in_dim3A_827 = vector.shape_cast %broadcast_in_dim3A_823 : vector<16xi32> to vector<16x1xi32>
        %gather3A_828 = vector.shape_cast %broadcast_in_dim3A_827 : vector<16x1xi32> to vector<16xi32>
        %gather3A_829 = tpu.dynamic_gather %get3A_728[%gather3A_828] in [0] : vector<16xf32>, vector<16xi32> -> vector<16xf32>
        %broadcast_in_dim3A_830 = vector.shape_cast %broadcast_in_dim3A_823 : vector<16xi32> to vector<16x1xi32>
        %gather3A_831 = vector.shape_cast %broadcast_in_dim3A_830 : vector<16x1xi32> to vector<16xi32>
        %gather3A_832 = tpu.dynamic_gather %get3A_730[%gather3A_831] in [0] : vector<16xf32>, vector<16xi32> -> vector<16xf32>
        %broadcast_in_dim3A_833 = vector.shape_cast %broadcast_in_dim3A_823 : vector<16xi32> to vector<16x1xi32>
        %gather3A_834 = vector.shape_cast %broadcast_in_dim3A_833 : vector<16x1xi32> to vector<16xi32>
        %gather3A_835 = tpu.dynamic_gather %get3A_732[%gather3A_834] in [0] : vector<16xf32>, vector<16xi32> -> vector<16xf32>
        %add3A_836 = arith.constant 1 : i32
        %add3A_837 = vector.broadcast %add3A_836 : i32 to vector<16xi32>
        %add3A_838 = arith.addi %broadcast_in_dim3A_733, %add3A_837 : vector<16xi32>
        %mul3A_839 = arith.mulf %get3A_135, %gather3A_826 : vector<16xf32>
        %mul3A_840 = arith.mulf %get3A_169, %gather3A_829 : vector<16xf32>
        %add3A_841 = arith.addf %mul3A_839, %mul3A_840 : vector<16xf32>
        %mul3A_842 = arith.mulf %get3A_217, %gather3A_832 : vector<16xf32>
        %add3A_843 = arith.addf %add3A_841, %mul3A_842 : vector<16xf32>
        %add3A_844 = arith.addf %add3A_843, %gather3A_835 : vector<16xf32>
        %lt3A_845 = arith.cmpf olt, %add3A_844, %min3A : vector<16xf32>
        %min3A_846 = arith.minimumf %add3A_844, %min3A : vector<16xf32>
        %select_n3A_847 = arith.select %lt3A_845, %add3A_838, %select_n3A_758 : vector<16xi1>, vector<16xi32>
        %mul3A_848 = arith.mulf %get3A_139, %gather3A_826 : vector<16xf32>
        %mul3A_849 = arith.mulf %get3A_175, %gather3A_829 : vector<16xf32>
        %add3A_850 = arith.addf %mul3A_848, %mul3A_849 : vector<16xf32>
        %mul3A_851 = arith.mulf %get3A_223, %gather3A_832 : vector<16xf32>
        %add3A_852 = arith.addf %add3A_850, %mul3A_851 : vector<16xf32>
        %add3A_853 = arith.addf %add3A_852, %gather3A_835 : vector<16xf32>
        %lt3A_854 = arith.cmpf olt, %add3A_853, %min3A_766 : vector<16xf32>
        %min3A_855 = arith.minimumf %add3A_853, %min3A_766 : vector<16xf32>
        %select_n3A_856 = arith.select %lt3A_854, %add3A_838, %select_n3A_767 : vector<16xi1>, vector<16xi32>
        %mul3A_857 = arith.mulf %get3A_143, %gather3A_826 : vector<16xf32>
        %mul3A_858 = arith.mulf %get3A_181, %gather3A_829 : vector<16xf32>
        %add3A_859 = arith.addf %mul3A_857, %mul3A_858 : vector<16xf32>
        %mul3A_860 = arith.mulf %get3A_229, %gather3A_832 : vector<16xf32>
        %add3A_861 = arith.addf %add3A_859, %mul3A_860 : vector<16xf32>
        %add3A_862 = arith.addf %add3A_861, %gather3A_835 : vector<16xf32>
        %lt3A_863 = arith.cmpf olt, %add3A_862, %min3A_775 : vector<16xf32>
        %min3A_864 = arith.minimumf %add3A_862, %min3A_775 : vector<16xf32>
        %select_n3A_865 = arith.select %lt3A_863, %add3A_838, %select_n3A_776 : vector<16xi1>, vector<16xi32>
        %mul3A_866 = arith.mulf %get3A_147, %gather3A_826 : vector<16xf32>
        %mul3A_867 = arith.mulf %get3A_187, %gather3A_829 : vector<16xf32>
        %add3A_868 = arith.addf %mul3A_866, %mul3A_867 : vector<16xf32>
        %mul3A_869 = arith.mulf %get3A_235, %gather3A_832 : vector<16xf32>
        %add3A_870 = arith.addf %add3A_868, %mul3A_869 : vector<16xf32>
        %add3A_871 = arith.addf %add3A_870, %gather3A_835 : vector<16xf32>
        %lt3A_872 = arith.cmpf olt, %add3A_871, %min3A_784 : vector<16xf32>
        %min3A_873 = arith.minimumf %add3A_871, %min3A_784 : vector<16xf32>
        %select_n3A_874 = arith.select %lt3A_872, %add3A_838, %select_n3A_785 : vector<16xi1>, vector<16xi32>
        %mul3A_875 = arith.mulf %get3A_151, %gather3A_826 : vector<16xf32>
        %mul3A_876 = arith.mulf %get3A_193, %gather3A_829 : vector<16xf32>
        %add3A_877 = arith.addf %mul3A_875, %mul3A_876 : vector<16xf32>
        %mul3A_878 = arith.mulf %get3A_241, %gather3A_832 : vector<16xf32>
        %add3A_879 = arith.addf %add3A_877, %mul3A_878 : vector<16xf32>
        %add3A_880 = arith.addf %add3A_879, %gather3A_835 : vector<16xf32>
        %lt3A_881 = arith.cmpf olt, %add3A_880, %min3A_793 : vector<16xf32>
        %min3A_882 = arith.minimumf %add3A_880, %min3A_793 : vector<16xf32>
        %select_n3A_883 = arith.select %lt3A_881, %add3A_838, %select_n3A_794 : vector<16xi1>, vector<16xi32>
        %mul3A_884 = arith.mulf %get3A_155, %gather3A_826 : vector<16xf32>
        %mul3A_885 = arith.mulf %get3A_199, %gather3A_829 : vector<16xf32>
        %add3A_886 = arith.addf %mul3A_884, %mul3A_885 : vector<16xf32>
        %mul3A_887 = arith.mulf %get3A_247, %gather3A_832 : vector<16xf32>
        %add3A_888 = arith.addf %add3A_886, %mul3A_887 : vector<16xf32>
        %add3A_889 = arith.addf %add3A_888, %gather3A_835 : vector<16xf32>
        %lt3A_890 = arith.cmpf olt, %add3A_889, %min3A_802 : vector<16xf32>
        %min3A_891 = arith.minimumf %add3A_889, %min3A_802 : vector<16xf32>
        %select_n3A_892 = arith.select %lt3A_890, %add3A_838, %select_n3A_803 : vector<16xi1>, vector<16xi32>
        %mul3A_893 = arith.mulf %get3A_159, %gather3A_826 : vector<16xf32>
        %mul3A_894 = arith.mulf %get3A_205, %gather3A_829 : vector<16xf32>
        %add3A_895 = arith.addf %mul3A_893, %mul3A_894 : vector<16xf32>
        %mul3A_896 = arith.mulf %get3A_253, %gather3A_832 : vector<16xf32>
        %add3A_897 = arith.addf %add3A_895, %mul3A_896 : vector<16xf32>
        %add3A_898 = arith.addf %add3A_897, %gather3A_835 : vector<16xf32>
        %lt3A_899 = arith.cmpf olt, %add3A_898, %min3A_811 : vector<16xf32>
        %min3A_900 = arith.minimumf %add3A_898, %min3A_811 : vector<16xf32>
        %select_n3A_901 = arith.select %lt3A_899, %add3A_838, %select_n3A_812 : vector<16xi1>, vector<16xi32>
        %mul3A_902 = arith.mulf %get3A_163, %gather3A_826 : vector<16xf32>
        %mul3A_903 = arith.mulf %get3A_211, %gather3A_829 : vector<16xf32>
        %add3A_904 = arith.addf %mul3A_902, %mul3A_903 : vector<16xf32>
        %mul3A_905 = arith.mulf %get3A_259, %gather3A_832 : vector<16xf32>
        %add3A_906 = arith.addf %add3A_904, %mul3A_905 : vector<16xf32>
        %add3A_907 = arith.addf %add3A_906, %gather3A_835 : vector<16xf32>
        %lt3A_908 = arith.cmpf olt, %add3A_907, %min3A_820 : vector<16xf32>
        %min3A_909 = arith.minimumf %add3A_907, %min3A_820 : vector<16xf32>
        %select_n3A_910 = arith.select %lt3A_908, %add3A_838, %select_n3A_821 : vector<16xi1>, vector<16xi32>
        %broadcast_in_dim3A_911 = arith.constant 2 : i32
        %broadcast_in_dim3A_912 = vector.broadcast %broadcast_in_dim3A_911 : i32 to vector<16xi32>
        %broadcast_in_dim3A_913 = vector.shape_cast %broadcast_in_dim3A_912 : vector<16xi32> to vector<16x1xi32>
        %gather3A_914 = vector.shape_cast %broadcast_in_dim3A_913 : vector<16x1xi32> to vector<16xi32>
        %gather3A_915 = tpu.dynamic_gather %get3A_726[%gather3A_914] in [0] : vector<16xf32>, vector<16xi32> -> vector<16xf32>
        %broadcast_in_dim3A_916 = vector.shape_cast %broadcast_in_dim3A_912 : vector<16xi32> to vector<16x1xi32>
        %gather3A_917 = vector.shape_cast %broadcast_in_dim3A_916 : vector<16x1xi32> to vector<16xi32>
        %gather3A_918 = tpu.dynamic_gather %get3A_728[%gather3A_917] in [0] : vector<16xf32>, vector<16xi32> -> vector<16xf32>
        %broadcast_in_dim3A_919 = vector.shape_cast %broadcast_in_dim3A_912 : vector<16xi32> to vector<16x1xi32>
        %gather3A_920 = vector.shape_cast %broadcast_in_dim3A_919 : vector<16x1xi32> to vector<16xi32>
        %gather3A_921 = tpu.dynamic_gather %get3A_730[%gather3A_920] in [0] : vector<16xf32>, vector<16xi32> -> vector<16xf32>
        %broadcast_in_dim3A_922 = vector.shape_cast %broadcast_in_dim3A_912 : vector<16xi32> to vector<16x1xi32>
        %gather3A_923 = vector.shape_cast %broadcast_in_dim3A_922 : vector<16x1xi32> to vector<16xi32>
        %gather3A_924 = tpu.dynamic_gather %get3A_732[%gather3A_923] in [0] : vector<16xf32>, vector<16xi32> -> vector<16xf32>
        %add3A_925 = arith.constant 2 : i32
        %add3A_926 = vector.broadcast %add3A_925 : i32 to vector<16xi32>
        %add3A_927 = arith.addi %broadcast_in_dim3A_733, %add3A_926 : vector<16xi32>
        %mul3A_928 = arith.mulf %get3A_135, %gather3A_915 : vector<16xf32>
        %mul3A_929 = arith.mulf %get3A_169, %gather3A_918 : vector<16xf32>
        %add3A_930 = arith.addf %mul3A_928, %mul3A_929 : vector<16xf32>
        %mul3A_931 = arith.mulf %get3A_217, %gather3A_921 : vector<16xf32>
        %add3A_932 = arith.addf %add3A_930, %mul3A_931 : vector<16xf32>
        %add3A_933 = arith.addf %add3A_932, %gather3A_924 : vector<16xf32>
        %lt3A_934 = arith.cmpf olt, %add3A_933, %min3A_846 : vector<16xf32>
        %min3A_935 = arith.minimumf %add3A_933, %min3A_846 : vector<16xf32>
        %select_n3A_936 = arith.select %lt3A_934, %add3A_927, %select_n3A_847 : vector<16xi1>, vector<16xi32>
        %mul3A_937 = arith.mulf %get3A_139, %gather3A_915 : vector<16xf32>
        %mul3A_938 = arith.mulf %get3A_175, %gather3A_918 : vector<16xf32>
        %add3A_939 = arith.addf %mul3A_937, %mul3A_938 : vector<16xf32>
        %mul3A_940 = arith.mulf %get3A_223, %gather3A_921 : vector<16xf32>
        %add3A_941 = arith.addf %add3A_939, %mul3A_940 : vector<16xf32>
        %add3A_942 = arith.addf %add3A_941, %gather3A_924 : vector<16xf32>
        %lt3A_943 = arith.cmpf olt, %add3A_942, %min3A_855 : vector<16xf32>
        %min3A_944 = arith.minimumf %add3A_942, %min3A_855 : vector<16xf32>
        %select_n3A_945 = arith.select %lt3A_943, %add3A_927, %select_n3A_856 : vector<16xi1>, vector<16xi32>
        %mul3A_946 = arith.mulf %get3A_143, %gather3A_915 : vector<16xf32>
        %mul3A_947 = arith.mulf %get3A_181, %gather3A_918 : vector<16xf32>
        %add3A_948 = arith.addf %mul3A_946, %mul3A_947 : vector<16xf32>
        %mul3A_949 = arith.mulf %get3A_229, %gather3A_921 : vector<16xf32>
        %add3A_950 = arith.addf %add3A_948, %mul3A_949 : vector<16xf32>
        %add3A_951 = arith.addf %add3A_950, %gather3A_924 : vector<16xf32>
        %lt3A_952 = arith.cmpf olt, %add3A_951, %min3A_864 : vector<16xf32>
        %min3A_953 = arith.minimumf %add3A_951, %min3A_864 : vector<16xf32>
        %select_n3A_954 = arith.select %lt3A_952, %add3A_927, %select_n3A_865 : vector<16xi1>, vector<16xi32>
        %mul3A_955 = arith.mulf %get3A_147, %gather3A_915 : vector<16xf32>
        %mul3A_956 = arith.mulf %get3A_187, %gather3A_918 : vector<16xf32>
        %add3A_957 = arith.addf %mul3A_955, %mul3A_956 : vector<16xf32>
        %mul3A_958 = arith.mulf %get3A_235, %gather3A_921 : vector<16xf32>
        %add3A_959 = arith.addf %add3A_957, %mul3A_958 : vector<16xf32>
        %add3A_960 = arith.addf %add3A_959, %gather3A_924 : vector<16xf32>
        %lt3A_961 = arith.cmpf olt, %add3A_960, %min3A_873 : vector<16xf32>
        %min3A_962 = arith.minimumf %add3A_960, %min3A_873 : vector<16xf32>
        %select_n3A_963 = arith.select %lt3A_961, %add3A_927, %select_n3A_874 : vector<16xi1>, vector<16xi32>
        %mul3A_964 = arith.mulf %get3A_151, %gather3A_915 : vector<16xf32>
        %mul3A_965 = arith.mulf %get3A_193, %gather3A_918 : vector<16xf32>
        %add3A_966 = arith.addf %mul3A_964, %mul3A_965 : vector<16xf32>
        %mul3A_967 = arith.mulf %get3A_241, %gather3A_921 : vector<16xf32>
        %add3A_968 = arith.addf %add3A_966, %mul3A_967 : vector<16xf32>
        %add3A_969 = arith.addf %add3A_968, %gather3A_924 : vector<16xf32>
        %lt3A_970 = arith.cmpf olt, %add3A_969, %min3A_882 : vector<16xf32>
        %min3A_971 = arith.minimumf %add3A_969, %min3A_882 : vector<16xf32>
        %select_n3A_972 = arith.select %lt3A_970, %add3A_927, %select_n3A_883 : vector<16xi1>, vector<16xi32>
        %mul3A_973 = arith.mulf %get3A_155, %gather3A_915 : vector<16xf32>
        %mul3A_974 = arith.mulf %get3A_199, %gather3A_918 : vector<16xf32>
        %add3A_975 = arith.addf %mul3A_973, %mul3A_974 : vector<16xf32>
        %mul3A_976 = arith.mulf %get3A_247, %gather3A_921 : vector<16xf32>
        %add3A_977 = arith.addf %add3A_975, %mul3A_976 : vector<16xf32>
        %add3A_978 = arith.addf %add3A_977, %gather3A_924 : vector<16xf32>
        %lt3A_979 = arith.cmpf olt, %add3A_978, %min3A_891 : vector<16xf32>
        %min3A_980 = arith.minimumf %add3A_978, %min3A_891 : vector<16xf32>
        %select_n3A_981 = arith.select %lt3A_979, %add3A_927, %select_n3A_892 : vector<16xi1>, vector<16xi32>
        %mul3A_982 = arith.mulf %get3A_159, %gather3A_915 : vector<16xf32>
        %mul3A_983 = arith.mulf %get3A_205, %gather3A_918 : vector<16xf32>
        %add3A_984 = arith.addf %mul3A_982, %mul3A_983 : vector<16xf32>
        %mul3A_985 = arith.mulf %get3A_253, %gather3A_921 : vector<16xf32>
        %add3A_986 = arith.addf %add3A_984, %mul3A_985 : vector<16xf32>
        %add3A_987 = arith.addf %add3A_986, %gather3A_924 : vector<16xf32>
        %lt3A_988 = arith.cmpf olt, %add3A_987, %min3A_900 : vector<16xf32>
        %min3A_989 = arith.minimumf %add3A_987, %min3A_900 : vector<16xf32>
        %select_n3A_990 = arith.select %lt3A_988, %add3A_927, %select_n3A_901 : vector<16xi1>, vector<16xi32>
        %mul3A_991 = arith.mulf %get3A_163, %gather3A_915 : vector<16xf32>
        %mul3A_992 = arith.mulf %get3A_211, %gather3A_918 : vector<16xf32>
        %add3A_993 = arith.addf %mul3A_991, %mul3A_992 : vector<16xf32>
        %mul3A_994 = arith.mulf %get3A_259, %gather3A_921 : vector<16xf32>
        %add3A_995 = arith.addf %add3A_993, %mul3A_994 : vector<16xf32>
        %add3A_996 = arith.addf %add3A_995, %gather3A_924 : vector<16xf32>
        %lt3A_997 = arith.cmpf olt, %add3A_996, %min3A_909 : vector<16xf32>
        %min3A_998 = arith.minimumf %add3A_996, %min3A_909 : vector<16xf32>
        %select_n3A_999 = arith.select %lt3A_997, %add3A_927, %select_n3A_910 : vector<16xi1>, vector<16xi32>
        %broadcast_in_dim3A_1000 = arith.constant 3 : i32
        %broadcast_in_dim3A_1001 = vector.broadcast %broadcast_in_dim3A_1000 : i32 to vector<16xi32>
        %broadcast_in_dim3A_1002 = vector.shape_cast %broadcast_in_dim3A_1001 : vector<16xi32> to vector<16x1xi32>
        %gather3A_1003 = vector.shape_cast %broadcast_in_dim3A_1002 : vector<16x1xi32> to vector<16xi32>
        %gather3A_1004 = tpu.dynamic_gather %get3A_726[%gather3A_1003] in [0] : vector<16xf32>, vector<16xi32> -> vector<16xf32>
        %broadcast_in_dim3A_1005 = vector.shape_cast %broadcast_in_dim3A_1001 : vector<16xi32> to vector<16x1xi32>
        %gather3A_1006 = vector.shape_cast %broadcast_in_dim3A_1005 : vector<16x1xi32> to vector<16xi32>
        %gather3A_1007 = tpu.dynamic_gather %get3A_728[%gather3A_1006] in [0] : vector<16xf32>, vector<16xi32> -> vector<16xf32>
        %broadcast_in_dim3A_1008 = vector.shape_cast %broadcast_in_dim3A_1001 : vector<16xi32> to vector<16x1xi32>
        %gather3A_1009 = vector.shape_cast %broadcast_in_dim3A_1008 : vector<16x1xi32> to vector<16xi32>
        %gather3A_1010 = tpu.dynamic_gather %get3A_730[%gather3A_1009] in [0] : vector<16xf32>, vector<16xi32> -> vector<16xf32>
        %broadcast_in_dim3A_1011 = vector.shape_cast %broadcast_in_dim3A_1001 : vector<16xi32> to vector<16x1xi32>
        %gather3A_1012 = vector.shape_cast %broadcast_in_dim3A_1011 : vector<16x1xi32> to vector<16xi32>
        %gather3A_1013 = tpu.dynamic_gather %get3A_732[%gather3A_1012] in [0] : vector<16xf32>, vector<16xi32> -> vector<16xf32>
        %add3A_1014 = arith.constant 3 : i32
        %add3A_1015 = vector.broadcast %add3A_1014 : i32 to vector<16xi32>
        %add3A_1016 = arith.addi %broadcast_in_dim3A_733, %add3A_1015 : vector<16xi32>
        %mul3A_1017 = arith.mulf %get3A_135, %gather3A_1004 : vector<16xf32>
        %mul3A_1018 = arith.mulf %get3A_169, %gather3A_1007 : vector<16xf32>
        %add3A_1019 = arith.addf %mul3A_1017, %mul3A_1018 : vector<16xf32>
        %mul3A_1020 = arith.mulf %get3A_217, %gather3A_1010 : vector<16xf32>
        %add3A_1021 = arith.addf %add3A_1019, %mul3A_1020 : vector<16xf32>
        %add3A_1022 = arith.addf %add3A_1021, %gather3A_1013 : vector<16xf32>
        %lt3A_1023 = arith.cmpf olt, %add3A_1022, %min3A_935 : vector<16xf32>
        %min3A_1024 = arith.minimumf %add3A_1022, %min3A_935 : vector<16xf32>
        %select_n3A_1025 = arith.select %lt3A_1023, %add3A_1016, %select_n3A_936 : vector<16xi1>, vector<16xi32>
        %mul3A_1026 = arith.mulf %get3A_139, %gather3A_1004 : vector<16xf32>
        %mul3A_1027 = arith.mulf %get3A_175, %gather3A_1007 : vector<16xf32>
        %add3A_1028 = arith.addf %mul3A_1026, %mul3A_1027 : vector<16xf32>
        %mul3A_1029 = arith.mulf %get3A_223, %gather3A_1010 : vector<16xf32>
        %add3A_1030 = arith.addf %add3A_1028, %mul3A_1029 : vector<16xf32>
        %add3A_1031 = arith.addf %add3A_1030, %gather3A_1013 : vector<16xf32>
        %lt3A_1032 = arith.cmpf olt, %add3A_1031, %min3A_944 : vector<16xf32>
        %min3A_1033 = arith.minimumf %add3A_1031, %min3A_944 : vector<16xf32>
        %select_n3A_1034 = arith.select %lt3A_1032, %add3A_1016, %select_n3A_945 : vector<16xi1>, vector<16xi32>
        %mul3A_1035 = arith.mulf %get3A_143, %gather3A_1004 : vector<16xf32>
        %mul3A_1036 = arith.mulf %get3A_181, %gather3A_1007 : vector<16xf32>
        %add3A_1037 = arith.addf %mul3A_1035, %mul3A_1036 : vector<16xf32>
        %mul3A_1038 = arith.mulf %get3A_229, %gather3A_1010 : vector<16xf32>
        %add3A_1039 = arith.addf %add3A_1037, %mul3A_1038 : vector<16xf32>
        %add3A_1040 = arith.addf %add3A_1039, %gather3A_1013 : vector<16xf32>
        %lt3A_1041 = arith.cmpf olt, %add3A_1040, %min3A_953 : vector<16xf32>
        %min3A_1042 = arith.minimumf %add3A_1040, %min3A_953 : vector<16xf32>
        %select_n3A_1043 = arith.select %lt3A_1041, %add3A_1016, %select_n3A_954 : vector<16xi1>, vector<16xi32>
        %mul3A_1044 = arith.mulf %get3A_147, %gather3A_1004 : vector<16xf32>
        %mul3A_1045 = arith.mulf %get3A_187, %gather3A_1007 : vector<16xf32>
        %add3A_1046 = arith.addf %mul3A_1044, %mul3A_1045 : vector<16xf32>
        %mul3A_1047 = arith.mulf %get3A_235, %gather3A_1010 : vector<16xf32>
        %add3A_1048 = arith.addf %add3A_1046, %mul3A_1047 : vector<16xf32>
        %add3A_1049 = arith.addf %add3A_1048, %gather3A_1013 : vector<16xf32>
        %lt3A_1050 = arith.cmpf olt, %add3A_1049, %min3A_962 : vector<16xf32>
        %min3A_1051 = arith.minimumf %add3A_1049, %min3A_962 : vector<16xf32>
        %select_n3A_1052 = arith.select %lt3A_1050, %add3A_1016, %select_n3A_963 : vector<16xi1>, vector<16xi32>
        %mul3A_1053 = arith.mulf %get3A_151, %gather3A_1004 : vector<16xf32>
        %mul3A_1054 = arith.mulf %get3A_193, %gather3A_1007 : vector<16xf32>
        %add3A_1055 = arith.addf %mul3A_1053, %mul3A_1054 : vector<16xf32>
        %mul3A_1056 = arith.mulf %get3A_241, %gather3A_1010 : vector<16xf32>
        %add3A_1057 = arith.addf %add3A_1055, %mul3A_1056 : vector<16xf32>
        %add3A_1058 = arith.addf %add3A_1057, %gather3A_1013 : vector<16xf32>
        %lt3A_1059 = arith.cmpf olt, %add3A_1058, %min3A_971 : vector<16xf32>
        %min3A_1060 = arith.minimumf %add3A_1058, %min3A_971 : vector<16xf32>
        %select_n3A_1061 = arith.select %lt3A_1059, %add3A_1016, %select_n3A_972 : vector<16xi1>, vector<16xi32>
        %mul3A_1062 = arith.mulf %get3A_155, %gather3A_1004 : vector<16xf32>
        %mul3A_1063 = arith.mulf %get3A_199, %gather3A_1007 : vector<16xf32>
        %add3A_1064 = arith.addf %mul3A_1062, %mul3A_1063 : vector<16xf32>
        %mul3A_1065 = arith.mulf %get3A_247, %gather3A_1010 : vector<16xf32>
        %add3A_1066 = arith.addf %add3A_1064, %mul3A_1065 : vector<16xf32>
        %add3A_1067 = arith.addf %add3A_1066, %gather3A_1013 : vector<16xf32>
        %lt3A_1068 = arith.cmpf olt, %add3A_1067, %min3A_980 : vector<16xf32>
        %min3A_1069 = arith.minimumf %add3A_1067, %min3A_980 : vector<16xf32>
        %select_n3A_1070 = arith.select %lt3A_1068, %add3A_1016, %select_n3A_981 : vector<16xi1>, vector<16xi32>
        %mul3A_1071 = arith.mulf %get3A_159, %gather3A_1004 : vector<16xf32>
        %mul3A_1072 = arith.mulf %get3A_205, %gather3A_1007 : vector<16xf32>
        %add3A_1073 = arith.addf %mul3A_1071, %mul3A_1072 : vector<16xf32>
        %mul3A_1074 = arith.mulf %get3A_253, %gather3A_1010 : vector<16xf32>
        %add3A_1075 = arith.addf %add3A_1073, %mul3A_1074 : vector<16xf32>
        %add3A_1076 = arith.addf %add3A_1075, %gather3A_1013 : vector<16xf32>
        %lt3A_1077 = arith.cmpf olt, %add3A_1076, %min3A_989 : vector<16xf32>
        %min3A_1078 = arith.minimumf %add3A_1076, %min3A_989 : vector<16xf32>
        %select_n3A_1079 = arith.select %lt3A_1077, %add3A_1016, %select_n3A_990 : vector<16xi1>, vector<16xi32>
        %mul3A_1080 = arith.mulf %get3A_163, %gather3A_1004 : vector<16xf32>
        %mul3A_1081 = arith.mulf %get3A_211, %gather3A_1007 : vector<16xf32>
        %add3A_1082 = arith.addf %mul3A_1080, %mul3A_1081 : vector<16xf32>
        %mul3A_1083 = arith.mulf %get3A_259, %gather3A_1010 : vector<16xf32>
        %add3A_1084 = arith.addf %add3A_1082, %mul3A_1083 : vector<16xf32>
        %add3A_1085 = arith.addf %add3A_1084, %gather3A_1013 : vector<16xf32>
        %lt3A_1086 = arith.cmpf olt, %add3A_1085, %min3A_998 : vector<16xf32>
        %min3A_1087 = arith.minimumf %add3A_1085, %min3A_998 : vector<16xf32>
        %select_n3A_1088 = arith.select %lt3A_1086, %add3A_1016, %select_n3A_999 : vector<16xi1>, vector<16xi32>
        %broadcast_in_dim3A_1089 = arith.constant 4 : i32
        %broadcast_in_dim3A_1090 = vector.broadcast %broadcast_in_dim3A_1089 : i32 to vector<16xi32>
        %broadcast_in_dim3A_1091 = vector.shape_cast %broadcast_in_dim3A_1090 : vector<16xi32> to vector<16x1xi32>
        %gather3A_1092 = vector.shape_cast %broadcast_in_dim3A_1091 : vector<16x1xi32> to vector<16xi32>
        %gather3A_1093 = tpu.dynamic_gather %get3A_726[%gather3A_1092] in [0] : vector<16xf32>, vector<16xi32> -> vector<16xf32>
        %broadcast_in_dim3A_1094 = vector.shape_cast %broadcast_in_dim3A_1090 : vector<16xi32> to vector<16x1xi32>
        %gather3A_1095 = vector.shape_cast %broadcast_in_dim3A_1094 : vector<16x1xi32> to vector<16xi32>
        %gather3A_1096 = tpu.dynamic_gather %get3A_728[%gather3A_1095] in [0] : vector<16xf32>, vector<16xi32> -> vector<16xf32>
        %broadcast_in_dim3A_1097 = vector.shape_cast %broadcast_in_dim3A_1090 : vector<16xi32> to vector<16x1xi32>
        %gather3A_1098 = vector.shape_cast %broadcast_in_dim3A_1097 : vector<16x1xi32> to vector<16xi32>
        %gather3A_1099 = tpu.dynamic_gather %get3A_730[%gather3A_1098] in [0] : vector<16xf32>, vector<16xi32> -> vector<16xf32>
        %broadcast_in_dim3A_1100 = vector.shape_cast %broadcast_in_dim3A_1090 : vector<16xi32> to vector<16x1xi32>
        %gather3A_1101 = vector.shape_cast %broadcast_in_dim3A_1100 : vector<16x1xi32> to vector<16xi32>
        %gather3A_1102 = tpu.dynamic_gather %get3A_732[%gather3A_1101] in [0] : vector<16xf32>, vector<16xi32> -> vector<16xf32>
        %add3A_1103 = arith.constant 4 : i32
        %add3A_1104 = vector.broadcast %add3A_1103 : i32 to vector<16xi32>
        %add3A_1105 = arith.addi %broadcast_in_dim3A_733, %add3A_1104 : vector<16xi32>
        %mul3A_1106 = arith.mulf %get3A_135, %gather3A_1093 : vector<16xf32>
        %mul3A_1107 = arith.mulf %get3A_169, %gather3A_1096 : vector<16xf32>
        %add3A_1108 = arith.addf %mul3A_1106, %mul3A_1107 : vector<16xf32>
        %mul3A_1109 = arith.mulf %get3A_217, %gather3A_1099 : vector<16xf32>
        %add3A_1110 = arith.addf %add3A_1108, %mul3A_1109 : vector<16xf32>
        %add3A_1111 = arith.addf %add3A_1110, %gather3A_1102 : vector<16xf32>
        %lt3A_1112 = arith.cmpf olt, %add3A_1111, %min3A_1024 : vector<16xf32>
        %min3A_1113 = arith.minimumf %add3A_1111, %min3A_1024 : vector<16xf32>
        %select_n3A_1114 = arith.select %lt3A_1112, %add3A_1105, %select_n3A_1025 : vector<16xi1>, vector<16xi32>
        %mul3A_1115 = arith.mulf %get3A_139, %gather3A_1093 : vector<16xf32>
        %mul3A_1116 = arith.mulf %get3A_175, %gather3A_1096 : vector<16xf32>
        %add3A_1117 = arith.addf %mul3A_1115, %mul3A_1116 : vector<16xf32>
        %mul3A_1118 = arith.mulf %get3A_223, %gather3A_1099 : vector<16xf32>
        %add3A_1119 = arith.addf %add3A_1117, %mul3A_1118 : vector<16xf32>
        %add3A_1120 = arith.addf %add3A_1119, %gather3A_1102 : vector<16xf32>
        %lt3A_1121 = arith.cmpf olt, %add3A_1120, %min3A_1033 : vector<16xf32>
        %min3A_1122 = arith.minimumf %add3A_1120, %min3A_1033 : vector<16xf32>
        %select_n3A_1123 = arith.select %lt3A_1121, %add3A_1105, %select_n3A_1034 : vector<16xi1>, vector<16xi32>
        %mul3A_1124 = arith.mulf %get3A_143, %gather3A_1093 : vector<16xf32>
        %mul3A_1125 = arith.mulf %get3A_181, %gather3A_1096 : vector<16xf32>
        %add3A_1126 = arith.addf %mul3A_1124, %mul3A_1125 : vector<16xf32>
        %mul3A_1127 = arith.mulf %get3A_229, %gather3A_1099 : vector<16xf32>
        %add3A_1128 = arith.addf %add3A_1126, %mul3A_1127 : vector<16xf32>
        %add3A_1129 = arith.addf %add3A_1128, %gather3A_1102 : vector<16xf32>
        %lt3A_1130 = arith.cmpf olt, %add3A_1129, %min3A_1042 : vector<16xf32>
        %min3A_1131 = arith.minimumf %add3A_1129, %min3A_1042 : vector<16xf32>
        %select_n3A_1132 = arith.select %lt3A_1130, %add3A_1105, %select_n3A_1043 : vector<16xi1>, vector<16xi32>
        %mul3A_1133 = arith.mulf %get3A_147, %gather3A_1093 : vector<16xf32>
        %mul3A_1134 = arith.mulf %get3A_187, %gather3A_1096 : vector<16xf32>
        %add3A_1135 = arith.addf %mul3A_1133, %mul3A_1134 : vector<16xf32>
        %mul3A_1136 = arith.mulf %get3A_235, %gather3A_1099 : vector<16xf32>
        %add3A_1137 = arith.addf %add3A_1135, %mul3A_1136 : vector<16xf32>
        %add3A_1138 = arith.addf %add3A_1137, %gather3A_1102 : vector<16xf32>
        %lt3A_1139 = arith.cmpf olt, %add3A_1138, %min3A_1051 : vector<16xf32>
        %min3A_1140 = arith.minimumf %add3A_1138, %min3A_1051 : vector<16xf32>
        %select_n3A_1141 = arith.select %lt3A_1139, %add3A_1105, %select_n3A_1052 : vector<16xi1>, vector<16xi32>
        %mul3A_1142 = arith.mulf %get3A_151, %gather3A_1093 : vector<16xf32>
        %mul3A_1143 = arith.mulf %get3A_193, %gather3A_1096 : vector<16xf32>
        %add3A_1144 = arith.addf %mul3A_1142, %mul3A_1143 : vector<16xf32>
        %mul3A_1145 = arith.mulf %get3A_241, %gather3A_1099 : vector<16xf32>
        %add3A_1146 = arith.addf %add3A_1144, %mul3A_1145 : vector<16xf32>
        %add3A_1147 = arith.addf %add3A_1146, %gather3A_1102 : vector<16xf32>
        %lt3A_1148 = arith.cmpf olt, %add3A_1147, %min3A_1060 : vector<16xf32>
        %min3A_1149 = arith.minimumf %add3A_1147, %min3A_1060 : vector<16xf32>
        %select_n3A_1150 = arith.select %lt3A_1148, %add3A_1105, %select_n3A_1061 : vector<16xi1>, vector<16xi32>
        %mul3A_1151 = arith.mulf %get3A_155, %gather3A_1093 : vector<16xf32>
        %mul3A_1152 = arith.mulf %get3A_199, %gather3A_1096 : vector<16xf32>
        %add3A_1153 = arith.addf %mul3A_1151, %mul3A_1152 : vector<16xf32>
        %mul3A_1154 = arith.mulf %get3A_247, %gather3A_1099 : vector<16xf32>
        %add3A_1155 = arith.addf %add3A_1153, %mul3A_1154 : vector<16xf32>
        %add3A_1156 = arith.addf %add3A_1155, %gather3A_1102 : vector<16xf32>
        %lt3A_1157 = arith.cmpf olt, %add3A_1156, %min3A_1069 : vector<16xf32>
        %min3A_1158 = arith.minimumf %add3A_1156, %min3A_1069 : vector<16xf32>
        %select_n3A_1159 = arith.select %lt3A_1157, %add3A_1105, %select_n3A_1070 : vector<16xi1>, vector<16xi32>
        %mul3A_1160 = arith.mulf %get3A_159, %gather3A_1093 : vector<16xf32>
        %mul3A_1161 = arith.mulf %get3A_205, %gather3A_1096 : vector<16xf32>
        %add3A_1162 = arith.addf %mul3A_1160, %mul3A_1161 : vector<16xf32>
        %mul3A_1163 = arith.mulf %get3A_253, %gather3A_1099 : vector<16xf32>
        %add3A_1164 = arith.addf %add3A_1162, %mul3A_1163 : vector<16xf32>
        %add3A_1165 = arith.addf %add3A_1164, %gather3A_1102 : vector<16xf32>
        %lt3A_1166 = arith.cmpf olt, %add3A_1165, %min3A_1078 : vector<16xf32>
        %min3A_1167 = arith.minimumf %add3A_1165, %min3A_1078 : vector<16xf32>
        %select_n3A_1168 = arith.select %lt3A_1166, %add3A_1105, %select_n3A_1079 : vector<16xi1>, vector<16xi32>
        %mul3A_1169 = arith.mulf %get3A_163, %gather3A_1093 : vector<16xf32>
        %mul3A_1170 = arith.mulf %get3A_211, %gather3A_1096 : vector<16xf32>
        %add3A_1171 = arith.addf %mul3A_1169, %mul3A_1170 : vector<16xf32>
        %mul3A_1172 = arith.mulf %get3A_259, %gather3A_1099 : vector<16xf32>
        %add3A_1173 = arith.addf %add3A_1171, %mul3A_1172 : vector<16xf32>
        %add3A_1174 = arith.addf %add3A_1173, %gather3A_1102 : vector<16xf32>
        %lt3A_1175 = arith.cmpf olt, %add3A_1174, %min3A_1087 : vector<16xf32>
        %min3A_1176 = arith.minimumf %add3A_1174, %min3A_1087 : vector<16xf32>
        %select_n3A_1177 = arith.select %lt3A_1175, %add3A_1105, %select_n3A_1088 : vector<16xi1>, vector<16xi32>
        %broadcast_in_dim3A_1178 = arith.constant 5 : i32
        %broadcast_in_dim3A_1179 = vector.broadcast %broadcast_in_dim3A_1178 : i32 to vector<16xi32>
        %broadcast_in_dim3A_1180 = vector.shape_cast %broadcast_in_dim3A_1179 : vector<16xi32> to vector<16x1xi32>
        %gather3A_1181 = vector.shape_cast %broadcast_in_dim3A_1180 : vector<16x1xi32> to vector<16xi32>
        %gather3A_1182 = tpu.dynamic_gather %get3A_726[%gather3A_1181] in [0] : vector<16xf32>, vector<16xi32> -> vector<16xf32>
        %broadcast_in_dim3A_1183 = vector.shape_cast %broadcast_in_dim3A_1179 : vector<16xi32> to vector<16x1xi32>
        %gather3A_1184 = vector.shape_cast %broadcast_in_dim3A_1183 : vector<16x1xi32> to vector<16xi32>
        %gather3A_1185 = tpu.dynamic_gather %get3A_728[%gather3A_1184] in [0] : vector<16xf32>, vector<16xi32> -> vector<16xf32>
        %broadcast_in_dim3A_1186 = vector.shape_cast %broadcast_in_dim3A_1179 : vector<16xi32> to vector<16x1xi32>
        %gather3A_1187 = vector.shape_cast %broadcast_in_dim3A_1186 : vector<16x1xi32> to vector<16xi32>
        %gather3A_1188 = tpu.dynamic_gather %get3A_730[%gather3A_1187] in [0] : vector<16xf32>, vector<16xi32> -> vector<16xf32>
        %broadcast_in_dim3A_1189 = vector.shape_cast %broadcast_in_dim3A_1179 : vector<16xi32> to vector<16x1xi32>
        %gather3A_1190 = vector.shape_cast %broadcast_in_dim3A_1189 : vector<16x1xi32> to vector<16xi32>
        %gather3A_1191 = tpu.dynamic_gather %get3A_732[%gather3A_1190] in [0] : vector<16xf32>, vector<16xi32> -> vector<16xf32>
        %add3A_1192 = arith.constant 5 : i32
        %add3A_1193 = vector.broadcast %add3A_1192 : i32 to vector<16xi32>
        %add3A_1194 = arith.addi %broadcast_in_dim3A_733, %add3A_1193 : vector<16xi32>
        %mul3A_1195 = arith.mulf %get3A_135, %gather3A_1182 : vector<16xf32>
        %mul3A_1196 = arith.mulf %get3A_169, %gather3A_1185 : vector<16xf32>
        %add3A_1197 = arith.addf %mul3A_1195, %mul3A_1196 : vector<16xf32>
        %mul3A_1198 = arith.mulf %get3A_217, %gather3A_1188 : vector<16xf32>
        %add3A_1199 = arith.addf %add3A_1197, %mul3A_1198 : vector<16xf32>
        %add3A_1200 = arith.addf %add3A_1199, %gather3A_1191 : vector<16xf32>
        %lt3A_1201 = arith.cmpf olt, %add3A_1200, %min3A_1113 : vector<16xf32>
        %min3A_1202 = arith.minimumf %add3A_1200, %min3A_1113 : vector<16xf32>
        %select_n3A_1203 = arith.select %lt3A_1201, %add3A_1194, %select_n3A_1114 : vector<16xi1>, vector<16xi32>
        %mul3A_1204 = arith.mulf %get3A_139, %gather3A_1182 : vector<16xf32>
        %mul3A_1205 = arith.mulf %get3A_175, %gather3A_1185 : vector<16xf32>
        %add3A_1206 = arith.addf %mul3A_1204, %mul3A_1205 : vector<16xf32>
        %mul3A_1207 = arith.mulf %get3A_223, %gather3A_1188 : vector<16xf32>
        %add3A_1208 = arith.addf %add3A_1206, %mul3A_1207 : vector<16xf32>
        %add3A_1209 = arith.addf %add3A_1208, %gather3A_1191 : vector<16xf32>
        %lt3A_1210 = arith.cmpf olt, %add3A_1209, %min3A_1122 : vector<16xf32>
        %min3A_1211 = arith.minimumf %add3A_1209, %min3A_1122 : vector<16xf32>
        %select_n3A_1212 = arith.select %lt3A_1210, %add3A_1194, %select_n3A_1123 : vector<16xi1>, vector<16xi32>
        %mul3A_1213 = arith.mulf %get3A_143, %gather3A_1182 : vector<16xf32>
        %mul3A_1214 = arith.mulf %get3A_181, %gather3A_1185 : vector<16xf32>
        %add3A_1215 = arith.addf %mul3A_1213, %mul3A_1214 : vector<16xf32>
        %mul3A_1216 = arith.mulf %get3A_229, %gather3A_1188 : vector<16xf32>
        %add3A_1217 = arith.addf %add3A_1215, %mul3A_1216 : vector<16xf32>
        %add3A_1218 = arith.addf %add3A_1217, %gather3A_1191 : vector<16xf32>
        %lt3A_1219 = arith.cmpf olt, %add3A_1218, %min3A_1131 : vector<16xf32>
        %min3A_1220 = arith.minimumf %add3A_1218, %min3A_1131 : vector<16xf32>
        %select_n3A_1221 = arith.select %lt3A_1219, %add3A_1194, %select_n3A_1132 : vector<16xi1>, vector<16xi32>
        %mul3A_1222 = arith.mulf %get3A_147, %gather3A_1182 : vector<16xf32>
        %mul3A_1223 = arith.mulf %get3A_187, %gather3A_1185 : vector<16xf32>
        %add3A_1224 = arith.addf %mul3A_1222, %mul3A_1223 : vector<16xf32>
        %mul3A_1225 = arith.mulf %get3A_235, %gather3A_1188 : vector<16xf32>
        %add3A_1226 = arith.addf %add3A_1224, %mul3A_1225 : vector<16xf32>
        %add3A_1227 = arith.addf %add3A_1226, %gather3A_1191 : vector<16xf32>
        %lt3A_1228 = arith.cmpf olt, %add3A_1227, %min3A_1140 : vector<16xf32>
        %min3A_1229 = arith.minimumf %add3A_1227, %min3A_1140 : vector<16xf32>
        %select_n3A_1230 = arith.select %lt3A_1228, %add3A_1194, %select_n3A_1141 : vector<16xi1>, vector<16xi32>
        %mul3A_1231 = arith.mulf %get3A_151, %gather3A_1182 : vector<16xf32>
        %mul3A_1232 = arith.mulf %get3A_193, %gather3A_1185 : vector<16xf32>
        %add3A_1233 = arith.addf %mul3A_1231, %mul3A_1232 : vector<16xf32>
        %mul3A_1234 = arith.mulf %get3A_241, %gather3A_1188 : vector<16xf32>
        %add3A_1235 = arith.addf %add3A_1233, %mul3A_1234 : vector<16xf32>
        %add3A_1236 = arith.addf %add3A_1235, %gather3A_1191 : vector<16xf32>
        %lt3A_1237 = arith.cmpf olt, %add3A_1236, %min3A_1149 : vector<16xf32>
        %min3A_1238 = arith.minimumf %add3A_1236, %min3A_1149 : vector<16xf32>
        %select_n3A_1239 = arith.select %lt3A_1237, %add3A_1194, %select_n3A_1150 : vector<16xi1>, vector<16xi32>
        %mul3A_1240 = arith.mulf %get3A_155, %gather3A_1182 : vector<16xf32>
        %mul3A_1241 = arith.mulf %get3A_199, %gather3A_1185 : vector<16xf32>
        %add3A_1242 = arith.addf %mul3A_1240, %mul3A_1241 : vector<16xf32>
        %mul3A_1243 = arith.mulf %get3A_247, %gather3A_1188 : vector<16xf32>
        %add3A_1244 = arith.addf %add3A_1242, %mul3A_1243 : vector<16xf32>
        %add3A_1245 = arith.addf %add3A_1244, %gather3A_1191 : vector<16xf32>
        %lt3A_1246 = arith.cmpf olt, %add3A_1245, %min3A_1158 : vector<16xf32>
        %min3A_1247 = arith.minimumf %add3A_1245, %min3A_1158 : vector<16xf32>
        %select_n3A_1248 = arith.select %lt3A_1246, %add3A_1194, %select_n3A_1159 : vector<16xi1>, vector<16xi32>
        %mul3A_1249 = arith.mulf %get3A_159, %gather3A_1182 : vector<16xf32>
        %mul3A_1250 = arith.mulf %get3A_205, %gather3A_1185 : vector<16xf32>
        %add3A_1251 = arith.addf %mul3A_1249, %mul3A_1250 : vector<16xf32>
        %mul3A_1252 = arith.mulf %get3A_253, %gather3A_1188 : vector<16xf32>
        %add3A_1253 = arith.addf %add3A_1251, %mul3A_1252 : vector<16xf32>
        %add3A_1254 = arith.addf %add3A_1253, %gather3A_1191 : vector<16xf32>
        %lt3A_1255 = arith.cmpf olt, %add3A_1254, %min3A_1167 : vector<16xf32>
        %min3A_1256 = arith.minimumf %add3A_1254, %min3A_1167 : vector<16xf32>
        %select_n3A_1257 = arith.select %lt3A_1255, %add3A_1194, %select_n3A_1168 : vector<16xi1>, vector<16xi32>
        %mul3A_1258 = arith.mulf %get3A_163, %gather3A_1182 : vector<16xf32>
        %mul3A_1259 = arith.mulf %get3A_211, %gather3A_1185 : vector<16xf32>
        %add3A_1260 = arith.addf %mul3A_1258, %mul3A_1259 : vector<16xf32>
        %mul3A_1261 = arith.mulf %get3A_259, %gather3A_1188 : vector<16xf32>
        %add3A_1262 = arith.addf %add3A_1260, %mul3A_1261 : vector<16xf32>
        %add3A_1263 = arith.addf %add3A_1262, %gather3A_1191 : vector<16xf32>
        %lt3A_1264 = arith.cmpf olt, %add3A_1263, %min3A_1176 : vector<16xf32>
        %min3A_1265 = arith.minimumf %add3A_1263, %min3A_1176 : vector<16xf32>
        %select_n3A_1266 = arith.select %lt3A_1264, %add3A_1194, %select_n3A_1177 : vector<16xi1>, vector<16xi32>
        %broadcast_in_dim3A_1267 = arith.constant 6 : i32
        %broadcast_in_dim3A_1268 = vector.broadcast %broadcast_in_dim3A_1267 : i32 to vector<16xi32>
        %broadcast_in_dim3A_1269 = vector.shape_cast %broadcast_in_dim3A_1268 : vector<16xi32> to vector<16x1xi32>
        %gather3A_1270 = vector.shape_cast %broadcast_in_dim3A_1269 : vector<16x1xi32> to vector<16xi32>
        %gather3A_1271 = tpu.dynamic_gather %get3A_726[%gather3A_1270] in [0] : vector<16xf32>, vector<16xi32> -> vector<16xf32>
        %broadcast_in_dim3A_1272 = vector.shape_cast %broadcast_in_dim3A_1268 : vector<16xi32> to vector<16x1xi32>
        %gather3A_1273 = vector.shape_cast %broadcast_in_dim3A_1272 : vector<16x1xi32> to vector<16xi32>
        %gather3A_1274 = tpu.dynamic_gather %get3A_728[%gather3A_1273] in [0] : vector<16xf32>, vector<16xi32> -> vector<16xf32>
        %broadcast_in_dim3A_1275 = vector.shape_cast %broadcast_in_dim3A_1268 : vector<16xi32> to vector<16x1xi32>
        %gather3A_1276 = vector.shape_cast %broadcast_in_dim3A_1275 : vector<16x1xi32> to vector<16xi32>
        %gather3A_1277 = tpu.dynamic_gather %get3A_730[%gather3A_1276] in [0] : vector<16xf32>, vector<16xi32> -> vector<16xf32>
        %broadcast_in_dim3A_1278 = vector.shape_cast %broadcast_in_dim3A_1268 : vector<16xi32> to vector<16x1xi32>
        %gather3A_1279 = vector.shape_cast %broadcast_in_dim3A_1278 : vector<16x1xi32> to vector<16xi32>
        %gather3A_1280 = tpu.dynamic_gather %get3A_732[%gather3A_1279] in [0] : vector<16xf32>, vector<16xi32> -> vector<16xf32>
        %add3A_1281 = arith.constant 6 : i32
        %add3A_1282 = vector.broadcast %add3A_1281 : i32 to vector<16xi32>
        %add3A_1283 = arith.addi %broadcast_in_dim3A_733, %add3A_1282 : vector<16xi32>
        %mul3A_1284 = arith.mulf %get3A_135, %gather3A_1271 : vector<16xf32>
        %mul3A_1285 = arith.mulf %get3A_169, %gather3A_1274 : vector<16xf32>
        %add3A_1286 = arith.addf %mul3A_1284, %mul3A_1285 : vector<16xf32>
        %mul3A_1287 = arith.mulf %get3A_217, %gather3A_1277 : vector<16xf32>
        %add3A_1288 = arith.addf %add3A_1286, %mul3A_1287 : vector<16xf32>
        %add3A_1289 = arith.addf %add3A_1288, %gather3A_1280 : vector<16xf32>
        %lt3A_1290 = arith.cmpf olt, %add3A_1289, %min3A_1202 : vector<16xf32>
        %min3A_1291 = arith.minimumf %add3A_1289, %min3A_1202 : vector<16xf32>
        %select_n3A_1292 = arith.select %lt3A_1290, %add3A_1283, %select_n3A_1203 : vector<16xi1>, vector<16xi32>
        %mul3A_1293 = arith.mulf %get3A_139, %gather3A_1271 : vector<16xf32>
        %mul3A_1294 = arith.mulf %get3A_175, %gather3A_1274 : vector<16xf32>
        %add3A_1295 = arith.addf %mul3A_1293, %mul3A_1294 : vector<16xf32>
        %mul3A_1296 = arith.mulf %get3A_223, %gather3A_1277 : vector<16xf32>
        %add3A_1297 = arith.addf %add3A_1295, %mul3A_1296 : vector<16xf32>
        %add3A_1298 = arith.addf %add3A_1297, %gather3A_1280 : vector<16xf32>
        %lt3A_1299 = arith.cmpf olt, %add3A_1298, %min3A_1211 : vector<16xf32>
        %min3A_1300 = arith.minimumf %add3A_1298, %min3A_1211 : vector<16xf32>
        %select_n3A_1301 = arith.select %lt3A_1299, %add3A_1283, %select_n3A_1212 : vector<16xi1>, vector<16xi32>
        %mul3A_1302 = arith.mulf %get3A_143, %gather3A_1271 : vector<16xf32>
        %mul3A_1303 = arith.mulf %get3A_181, %gather3A_1274 : vector<16xf32>
        %add3A_1304 = arith.addf %mul3A_1302, %mul3A_1303 : vector<16xf32>
        %mul3A_1305 = arith.mulf %get3A_229, %gather3A_1277 : vector<16xf32>
        %add3A_1306 = arith.addf %add3A_1304, %mul3A_1305 : vector<16xf32>
        %add3A_1307 = arith.addf %add3A_1306, %gather3A_1280 : vector<16xf32>
        %lt3A_1308 = arith.cmpf olt, %add3A_1307, %min3A_1220 : vector<16xf32>
        %min3A_1309 = arith.minimumf %add3A_1307, %min3A_1220 : vector<16xf32>
        %select_n3A_1310 = arith.select %lt3A_1308, %add3A_1283, %select_n3A_1221 : vector<16xi1>, vector<16xi32>
        %mul3A_1311 = arith.mulf %get3A_147, %gather3A_1271 : vector<16xf32>
        %mul3A_1312 = arith.mulf %get3A_187, %gather3A_1274 : vector<16xf32>
        %add3A_1313 = arith.addf %mul3A_1311, %mul3A_1312 : vector<16xf32>
        %mul3A_1314 = arith.mulf %get3A_235, %gather3A_1277 : vector<16xf32>
        %add3A_1315 = arith.addf %add3A_1313, %mul3A_1314 : vector<16xf32>
        %add3A_1316 = arith.addf %add3A_1315, %gather3A_1280 : vector<16xf32>
        %lt3A_1317 = arith.cmpf olt, %add3A_1316, %min3A_1229 : vector<16xf32>
        %min3A_1318 = arith.minimumf %add3A_1316, %min3A_1229 : vector<16xf32>
        %select_n3A_1319 = arith.select %lt3A_1317, %add3A_1283, %select_n3A_1230 : vector<16xi1>, vector<16xi32>
        %mul3A_1320 = arith.mulf %get3A_151, %gather3A_1271 : vector<16xf32>
        %mul3A_1321 = arith.mulf %get3A_193, %gather3A_1274 : vector<16xf32>
        %add3A_1322 = arith.addf %mul3A_1320, %mul3A_1321 : vector<16xf32>
        %mul3A_1323 = arith.mulf %get3A_241, %gather3A_1277 : vector<16xf32>
        %add3A_1324 = arith.addf %add3A_1322, %mul3A_1323 : vector<16xf32>
        %add3A_1325 = arith.addf %add3A_1324, %gather3A_1280 : vector<16xf32>
        %lt3A_1326 = arith.cmpf olt, %add3A_1325, %min3A_1238 : vector<16xf32>
        %min3A_1327 = arith.minimumf %add3A_1325, %min3A_1238 : vector<16xf32>
        %select_n3A_1328 = arith.select %lt3A_1326, %add3A_1283, %select_n3A_1239 : vector<16xi1>, vector<16xi32>
        %mul3A_1329 = arith.mulf %get3A_155, %gather3A_1271 : vector<16xf32>
        %mul3A_1330 = arith.mulf %get3A_199, %gather3A_1274 : vector<16xf32>
        %add3A_1331 = arith.addf %mul3A_1329, %mul3A_1330 : vector<16xf32>
        %mul3A_1332 = arith.mulf %get3A_247, %gather3A_1277 : vector<16xf32>
        %add3A_1333 = arith.addf %add3A_1331, %mul3A_1332 : vector<16xf32>
        %add3A_1334 = arith.addf %add3A_1333, %gather3A_1280 : vector<16xf32>
        %lt3A_1335 = arith.cmpf olt, %add3A_1334, %min3A_1247 : vector<16xf32>
        %min3A_1336 = arith.minimumf %add3A_1334, %min3A_1247 : vector<16xf32>
        %select_n3A_1337 = arith.select %lt3A_1335, %add3A_1283, %select_n3A_1248 : vector<16xi1>, vector<16xi32>
        %mul3A_1338 = arith.mulf %get3A_159, %gather3A_1271 : vector<16xf32>
        %mul3A_1339 = arith.mulf %get3A_205, %gather3A_1274 : vector<16xf32>
        %add3A_1340 = arith.addf %mul3A_1338, %mul3A_1339 : vector<16xf32>
        %mul3A_1341 = arith.mulf %get3A_253, %gather3A_1277 : vector<16xf32>
        %add3A_1342 = arith.addf %add3A_1340, %mul3A_1341 : vector<16xf32>
        %add3A_1343 = arith.addf %add3A_1342, %gather3A_1280 : vector<16xf32>
        %lt3A_1344 = arith.cmpf olt, %add3A_1343, %min3A_1256 : vector<16xf32>
        %min3A_1345 = arith.minimumf %add3A_1343, %min3A_1256 : vector<16xf32>
        %select_n3A_1346 = arith.select %lt3A_1344, %add3A_1283, %select_n3A_1257 : vector<16xi1>, vector<16xi32>
        %mul3A_1347 = arith.mulf %get3A_163, %gather3A_1271 : vector<16xf32>
        %mul3A_1348 = arith.mulf %get3A_211, %gather3A_1274 : vector<16xf32>
        %add3A_1349 = arith.addf %mul3A_1347, %mul3A_1348 : vector<16xf32>
        %mul3A_1350 = arith.mulf %get3A_259, %gather3A_1277 : vector<16xf32>
        %add3A_1351 = arith.addf %add3A_1349, %mul3A_1350 : vector<16xf32>
        %add3A_1352 = arith.addf %add3A_1351, %gather3A_1280 : vector<16xf32>
        %lt3A_1353 = arith.cmpf olt, %add3A_1352, %min3A_1265 : vector<16xf32>
        %min3A_1354 = arith.minimumf %add3A_1352, %min3A_1265 : vector<16xf32>
        %select_n3A_1355 = arith.select %lt3A_1353, %add3A_1283, %select_n3A_1266 : vector<16xi1>, vector<16xi32>
        %broadcast_in_dim3A_1356 = arith.constant 7 : i32
        %broadcast_in_dim3A_1357 = vector.broadcast %broadcast_in_dim3A_1356 : i32 to vector<16xi32>
        %broadcast_in_dim3A_1358 = vector.shape_cast %broadcast_in_dim3A_1357 : vector<16xi32> to vector<16x1xi32>
        %gather3A_1359 = vector.shape_cast %broadcast_in_dim3A_1358 : vector<16x1xi32> to vector<16xi32>
        %gather3A_1360 = tpu.dynamic_gather %get3A_726[%gather3A_1359] in [0] : vector<16xf32>, vector<16xi32> -> vector<16xf32>
        %broadcast_in_dim3A_1361 = vector.shape_cast %broadcast_in_dim3A_1357 : vector<16xi32> to vector<16x1xi32>
        %gather3A_1362 = vector.shape_cast %broadcast_in_dim3A_1361 : vector<16x1xi32> to vector<16xi32>
        %gather3A_1363 = tpu.dynamic_gather %get3A_728[%gather3A_1362] in [0] : vector<16xf32>, vector<16xi32> -> vector<16xf32>
        %broadcast_in_dim3A_1364 = vector.shape_cast %broadcast_in_dim3A_1357 : vector<16xi32> to vector<16x1xi32>
        %gather3A_1365 = vector.shape_cast %broadcast_in_dim3A_1364 : vector<16x1xi32> to vector<16xi32>
        %gather3A_1366 = tpu.dynamic_gather %get3A_730[%gather3A_1365] in [0] : vector<16xf32>, vector<16xi32> -> vector<16xf32>
        %broadcast_in_dim3A_1367 = vector.shape_cast %broadcast_in_dim3A_1357 : vector<16xi32> to vector<16x1xi32>
        %gather3A_1368 = vector.shape_cast %broadcast_in_dim3A_1367 : vector<16x1xi32> to vector<16xi32>
        %gather3A_1369 = tpu.dynamic_gather %get3A_732[%gather3A_1368] in [0] : vector<16xf32>, vector<16xi32> -> vector<16xf32>
        %add3A_1370 = arith.constant 7 : i32
        %add3A_1371 = vector.broadcast %add3A_1370 : i32 to vector<16xi32>
        %add3A_1372 = arith.addi %broadcast_in_dim3A_733, %add3A_1371 : vector<16xi32>
        %mul3A_1373 = arith.mulf %get3A_135, %gather3A_1360 : vector<16xf32>
        %mul3A_1374 = arith.mulf %get3A_169, %gather3A_1363 : vector<16xf32>
        %add3A_1375 = arith.addf %mul3A_1373, %mul3A_1374 : vector<16xf32>
        %mul3A_1376 = arith.mulf %get3A_217, %gather3A_1366 : vector<16xf32>
        %add3A_1377 = arith.addf %add3A_1375, %mul3A_1376 : vector<16xf32>
        %add3A_1378 = arith.addf %add3A_1377, %gather3A_1369 : vector<16xf32>
        %lt3A_1379 = arith.cmpf olt, %add3A_1378, %min3A_1291 : vector<16xf32>
        %min3A_1380 = arith.minimumf %add3A_1378, %min3A_1291 : vector<16xf32>
        %select_n3A_1381 = arith.select %lt3A_1379, %add3A_1372, %select_n3A_1292 : vector<16xi1>, vector<16xi32>
        %mul3A_1382 = arith.mulf %get3A_139, %gather3A_1360 : vector<16xf32>
        %mul3A_1383 = arith.mulf %get3A_175, %gather3A_1363 : vector<16xf32>
        %add3A_1384 = arith.addf %mul3A_1382, %mul3A_1383 : vector<16xf32>
        %mul3A_1385 = arith.mulf %get3A_223, %gather3A_1366 : vector<16xf32>
        %add3A_1386 = arith.addf %add3A_1384, %mul3A_1385 : vector<16xf32>
        %add3A_1387 = arith.addf %add3A_1386, %gather3A_1369 : vector<16xf32>
        %lt3A_1388 = arith.cmpf olt, %add3A_1387, %min3A_1300 : vector<16xf32>
        %min3A_1389 = arith.minimumf %add3A_1387, %min3A_1300 : vector<16xf32>
        %select_n3A_1390 = arith.select %lt3A_1388, %add3A_1372, %select_n3A_1301 : vector<16xi1>, vector<16xi32>
        %mul3A_1391 = arith.mulf %get3A_143, %gather3A_1360 : vector<16xf32>
        %mul3A_1392 = arith.mulf %get3A_181, %gather3A_1363 : vector<16xf32>
        %add3A_1393 = arith.addf %mul3A_1391, %mul3A_1392 : vector<16xf32>
        %mul3A_1394 = arith.mulf %get3A_229, %gather3A_1366 : vector<16xf32>
        %add3A_1395 = arith.addf %add3A_1393, %mul3A_1394 : vector<16xf32>
        %add3A_1396 = arith.addf %add3A_1395, %gather3A_1369 : vector<16xf32>
        %lt3A_1397 = arith.cmpf olt, %add3A_1396, %min3A_1309 : vector<16xf32>
        %min3A_1398 = arith.minimumf %add3A_1396, %min3A_1309 : vector<16xf32>
        %select_n3A_1399 = arith.select %lt3A_1397, %add3A_1372, %select_n3A_1310 : vector<16xi1>, vector<16xi32>
        %mul3A_1400 = arith.mulf %get3A_147, %gather3A_1360 : vector<16xf32>
        %mul3A_1401 = arith.mulf %get3A_187, %gather3A_1363 : vector<16xf32>
        %add3A_1402 = arith.addf %mul3A_1400, %mul3A_1401 : vector<16xf32>
        %mul3A_1403 = arith.mulf %get3A_235, %gather3A_1366 : vector<16xf32>
        %add3A_1404 = arith.addf %add3A_1402, %mul3A_1403 : vector<16xf32>
        %add3A_1405 = arith.addf %add3A_1404, %gather3A_1369 : vector<16xf32>
        %lt3A_1406 = arith.cmpf olt, %add3A_1405, %min3A_1318 : vector<16xf32>
        %min3A_1407 = arith.minimumf %add3A_1405, %min3A_1318 : vector<16xf32>
        %select_n3A_1408 = arith.select %lt3A_1406, %add3A_1372, %select_n3A_1319 : vector<16xi1>, vector<16xi32>
        %mul3A_1409 = arith.mulf %get3A_151, %gather3A_1360 : vector<16xf32>
        %mul3A_1410 = arith.mulf %get3A_193, %gather3A_1363 : vector<16xf32>
        %add3A_1411 = arith.addf %mul3A_1409, %mul3A_1410 : vector<16xf32>
        %mul3A_1412 = arith.mulf %get3A_241, %gather3A_1366 : vector<16xf32>
        %add3A_1413 = arith.addf %add3A_1411, %mul3A_1412 : vector<16xf32>
        %add3A_1414 = arith.addf %add3A_1413, %gather3A_1369 : vector<16xf32>
        %lt3A_1415 = arith.cmpf olt, %add3A_1414, %min3A_1327 : vector<16xf32>
        %min3A_1416 = arith.minimumf %add3A_1414, %min3A_1327 : vector<16xf32>
        %select_n3A_1417 = arith.select %lt3A_1415, %add3A_1372, %select_n3A_1328 : vector<16xi1>, vector<16xi32>
        %mul3A_1418 = arith.mulf %get3A_155, %gather3A_1360 : vector<16xf32>
        %mul3A_1419 = arith.mulf %get3A_199, %gather3A_1363 : vector<16xf32>
        %add3A_1420 = arith.addf %mul3A_1418, %mul3A_1419 : vector<16xf32>
        %mul3A_1421 = arith.mulf %get3A_247, %gather3A_1366 : vector<16xf32>
        %add3A_1422 = arith.addf %add3A_1420, %mul3A_1421 : vector<16xf32>
        %add3A_1423 = arith.addf %add3A_1422, %gather3A_1369 : vector<16xf32>
        %lt3A_1424 = arith.cmpf olt, %add3A_1423, %min3A_1336 : vector<16xf32>
        %min3A_1425 = arith.minimumf %add3A_1423, %min3A_1336 : vector<16xf32>
        %select_n3A_1426 = arith.select %lt3A_1424, %add3A_1372, %select_n3A_1337 : vector<16xi1>, vector<16xi32>
        %mul3A_1427 = arith.mulf %get3A_159, %gather3A_1360 : vector<16xf32>
        %mul3A_1428 = arith.mulf %get3A_205, %gather3A_1363 : vector<16xf32>
        %add3A_1429 = arith.addf %mul3A_1427, %mul3A_1428 : vector<16xf32>
        %mul3A_1430 = arith.mulf %get3A_253, %gather3A_1366 : vector<16xf32>
        %add3A_1431 = arith.addf %add3A_1429, %mul3A_1430 : vector<16xf32>
        %add3A_1432 = arith.addf %add3A_1431, %gather3A_1369 : vector<16xf32>
        %lt3A_1433 = arith.cmpf olt, %add3A_1432, %min3A_1345 : vector<16xf32>
        %min3A_1434 = arith.minimumf %add3A_1432, %min3A_1345 : vector<16xf32>
        %select_n3A_1435 = arith.select %lt3A_1433, %add3A_1372, %select_n3A_1346 : vector<16xi1>, vector<16xi32>
        %mul3A_1436 = arith.mulf %get3A_163, %gather3A_1360 : vector<16xf32>
        %mul3A_1437 = arith.mulf %get3A_211, %gather3A_1363 : vector<16xf32>
        %add3A_1438 = arith.addf %mul3A_1436, %mul3A_1437 : vector<16xf32>
        %mul3A_1439 = arith.mulf %get3A_259, %gather3A_1366 : vector<16xf32>
        %add3A_1440 = arith.addf %add3A_1438, %mul3A_1439 : vector<16xf32>
        %add3A_1441 = arith.addf %add3A_1440, %gather3A_1369 : vector<16xf32>
        %lt3A_1442 = arith.cmpf olt, %add3A_1441, %min3A_1354 : vector<16xf32>
        %min3A_1443 = arith.minimumf %add3A_1441, %min3A_1354 : vector<16xf32>
        %select_n3A_1444 = arith.select %lt3A_1442, %add3A_1372, %select_n3A_1355 : vector<16xi1>, vector<16xi32>
        %broadcast_in_dim3A_1445 = arith.constant 8 : i32
        %broadcast_in_dim3A_1446 = vector.broadcast %broadcast_in_dim3A_1445 : i32 to vector<16xi32>
        %broadcast_in_dim3A_1447 = vector.shape_cast %broadcast_in_dim3A_1446 : vector<16xi32> to vector<16x1xi32>
        %gather3A_1448 = vector.shape_cast %broadcast_in_dim3A_1447 : vector<16x1xi32> to vector<16xi32>
        %gather3A_1449 = tpu.dynamic_gather %get3A_726[%gather3A_1448] in [0] : vector<16xf32>, vector<16xi32> -> vector<16xf32>
        %broadcast_in_dim3A_1450 = vector.shape_cast %broadcast_in_dim3A_1446 : vector<16xi32> to vector<16x1xi32>
        %gather3A_1451 = vector.shape_cast %broadcast_in_dim3A_1450 : vector<16x1xi32> to vector<16xi32>
        %gather3A_1452 = tpu.dynamic_gather %get3A_728[%gather3A_1451] in [0] : vector<16xf32>, vector<16xi32> -> vector<16xf32>
        %broadcast_in_dim3A_1453 = vector.shape_cast %broadcast_in_dim3A_1446 : vector<16xi32> to vector<16x1xi32>
        %gather3A_1454 = vector.shape_cast %broadcast_in_dim3A_1453 : vector<16x1xi32> to vector<16xi32>
        %gather3A_1455 = tpu.dynamic_gather %get3A_730[%gather3A_1454] in [0] : vector<16xf32>, vector<16xi32> -> vector<16xf32>
        %broadcast_in_dim3A_1456 = vector.shape_cast %broadcast_in_dim3A_1446 : vector<16xi32> to vector<16x1xi32>
        %gather3A_1457 = vector.shape_cast %broadcast_in_dim3A_1456 : vector<16x1xi32> to vector<16xi32>
        %gather3A_1458 = tpu.dynamic_gather %get3A_732[%gather3A_1457] in [0] : vector<16xf32>, vector<16xi32> -> vector<16xf32>
        %add3A_1459 = arith.constant 8 : i32
        %add3A_1460 = vector.broadcast %add3A_1459 : i32 to vector<16xi32>
        %add3A_1461 = arith.addi %broadcast_in_dim3A_733, %add3A_1460 : vector<16xi32>
        %mul3A_1462 = arith.mulf %get3A_135, %gather3A_1449 : vector<16xf32>
        %mul3A_1463 = arith.mulf %get3A_169, %gather3A_1452 : vector<16xf32>
        %add3A_1464 = arith.addf %mul3A_1462, %mul3A_1463 : vector<16xf32>
        %mul3A_1465 = arith.mulf %get3A_217, %gather3A_1455 : vector<16xf32>
        %add3A_1466 = arith.addf %add3A_1464, %mul3A_1465 : vector<16xf32>
        %add3A_1467 = arith.addf %add3A_1466, %gather3A_1458 : vector<16xf32>
        %lt3A_1468 = arith.cmpf olt, %add3A_1467, %min3A_1380 : vector<16xf32>
        %min3A_1469 = arith.minimumf %add3A_1467, %min3A_1380 : vector<16xf32>
        %select_n3A_1470 = arith.select %lt3A_1468, %add3A_1461, %select_n3A_1381 : vector<16xi1>, vector<16xi32>
        %mul3A_1471 = arith.mulf %get3A_139, %gather3A_1449 : vector<16xf32>
        %mul3A_1472 = arith.mulf %get3A_175, %gather3A_1452 : vector<16xf32>
        %add3A_1473 = arith.addf %mul3A_1471, %mul3A_1472 : vector<16xf32>
        %mul3A_1474 = arith.mulf %get3A_223, %gather3A_1455 : vector<16xf32>
        %add3A_1475 = arith.addf %add3A_1473, %mul3A_1474 : vector<16xf32>
        %add3A_1476 = arith.addf %add3A_1475, %gather3A_1458 : vector<16xf32>
        %lt3A_1477 = arith.cmpf olt, %add3A_1476, %min3A_1389 : vector<16xf32>
        %min3A_1478 = arith.minimumf %add3A_1476, %min3A_1389 : vector<16xf32>
        %select_n3A_1479 = arith.select %lt3A_1477, %add3A_1461, %select_n3A_1390 : vector<16xi1>, vector<16xi32>
        %mul3A_1480 = arith.mulf %get3A_143, %gather3A_1449 : vector<16xf32>
        %mul3A_1481 = arith.mulf %get3A_181, %gather3A_1452 : vector<16xf32>
        %add3A_1482 = arith.addf %mul3A_1480, %mul3A_1481 : vector<16xf32>
        %mul3A_1483 = arith.mulf %get3A_229, %gather3A_1455 : vector<16xf32>
        %add3A_1484 = arith.addf %add3A_1482, %mul3A_1483 : vector<16xf32>
        %add3A_1485 = arith.addf %add3A_1484, %gather3A_1458 : vector<16xf32>
        %lt3A_1486 = arith.cmpf olt, %add3A_1485, %min3A_1398 : vector<16xf32>
        %min3A_1487 = arith.minimumf %add3A_1485, %min3A_1398 : vector<16xf32>
        %select_n3A_1488 = arith.select %lt3A_1486, %add3A_1461, %select_n3A_1399 : vector<16xi1>, vector<16xi32>
        %mul3A_1489 = arith.mulf %get3A_147, %gather3A_1449 : vector<16xf32>
        %mul3A_1490 = arith.mulf %get3A_187, %gather3A_1452 : vector<16xf32>
        %add3A_1491 = arith.addf %mul3A_1489, %mul3A_1490 : vector<16xf32>
        %mul3A_1492 = arith.mulf %get3A_235, %gather3A_1455 : vector<16xf32>
        %add3A_1493 = arith.addf %add3A_1491, %mul3A_1492 : vector<16xf32>
        %add3A_1494 = arith.addf %add3A_1493, %gather3A_1458 : vector<16xf32>
        %lt3A_1495 = arith.cmpf olt, %add3A_1494, %min3A_1407 : vector<16xf32>
        %min3A_1496 = arith.minimumf %add3A_1494, %min3A_1407 : vector<16xf32>
        %select_n3A_1497 = arith.select %lt3A_1495, %add3A_1461, %select_n3A_1408 : vector<16xi1>, vector<16xi32>
        %mul3A_1498 = arith.mulf %get3A_151, %gather3A_1449 : vector<16xf32>
        %mul3A_1499 = arith.mulf %get3A_193, %gather3A_1452 : vector<16xf32>
        %add3A_1500 = arith.addf %mul3A_1498, %mul3A_1499 : vector<16xf32>
        %mul3A_1501 = arith.mulf %get3A_241, %gather3A_1455 : vector<16xf32>
        %add3A_1502 = arith.addf %add3A_1500, %mul3A_1501 : vector<16xf32>
        %add3A_1503 = arith.addf %add3A_1502, %gather3A_1458 : vector<16xf32>
        %lt3A_1504 = arith.cmpf olt, %add3A_1503, %min3A_1416 : vector<16xf32>
        %min3A_1505 = arith.minimumf %add3A_1503, %min3A_1416 : vector<16xf32>
        %select_n3A_1506 = arith.select %lt3A_1504, %add3A_1461, %select_n3A_1417 : vector<16xi1>, vector<16xi32>
        %mul3A_1507 = arith.mulf %get3A_155, %gather3A_1449 : vector<16xf32>
        %mul3A_1508 = arith.mulf %get3A_199, %gather3A_1452 : vector<16xf32>
        %add3A_1509 = arith.addf %mul3A_1507, %mul3A_1508 : vector<16xf32>
        %mul3A_1510 = arith.mulf %get3A_247, %gather3A_1455 : vector<16xf32>
        %add3A_1511 = arith.addf %add3A_1509, %mul3A_1510 : vector<16xf32>
        %add3A_1512 = arith.addf %add3A_1511, %gather3A_1458 : vector<16xf32>
        %lt3A_1513 = arith.cmpf olt, %add3A_1512, %min3A_1425 : vector<16xf32>
        %min3A_1514 = arith.minimumf %add3A_1512, %min3A_1425 : vector<16xf32>
        %select_n3A_1515 = arith.select %lt3A_1513, %add3A_1461, %select_n3A_1426 : vector<16xi1>, vector<16xi32>
        %mul3A_1516 = arith.mulf %get3A_159, %gather3A_1449 : vector<16xf32>
        %mul3A_1517 = arith.mulf %get3A_205, %gather3A_1452 : vector<16xf32>
        %add3A_1518 = arith.addf %mul3A_1516, %mul3A_1517 : vector<16xf32>
        %mul3A_1519 = arith.mulf %get3A_253, %gather3A_1455 : vector<16xf32>
        %add3A_1520 = arith.addf %add3A_1518, %mul3A_1519 : vector<16xf32>
        %add3A_1521 = arith.addf %add3A_1520, %gather3A_1458 : vector<16xf32>
        %lt3A_1522 = arith.cmpf olt, %add3A_1521, %min3A_1434 : vector<16xf32>
        %min3A_1523 = arith.minimumf %add3A_1521, %min3A_1434 : vector<16xf32>
        %select_n3A_1524 = arith.select %lt3A_1522, %add3A_1461, %select_n3A_1435 : vector<16xi1>, vector<16xi32>
        %mul3A_1525 = arith.mulf %get3A_163, %gather3A_1449 : vector<16xf32>
        %mul3A_1526 = arith.mulf %get3A_211, %gather3A_1452 : vector<16xf32>
        %add3A_1527 = arith.addf %mul3A_1525, %mul3A_1526 : vector<16xf32>
        %mul3A_1528 = arith.mulf %get3A_259, %gather3A_1455 : vector<16xf32>
        %add3A_1529 = arith.addf %add3A_1527, %mul3A_1528 : vector<16xf32>
        %add3A_1530 = arith.addf %add3A_1529, %gather3A_1458 : vector<16xf32>
        %lt3A_1531 = arith.cmpf olt, %add3A_1530, %min3A_1443 : vector<16xf32>
        %min3A_1532 = arith.minimumf %add3A_1530, %min3A_1443 : vector<16xf32>
        %select_n3A_1533 = arith.select %lt3A_1531, %add3A_1461, %select_n3A_1444 : vector<16xi1>, vector<16xi32>
        %broadcast_in_dim3A_1534 = arith.constant 9 : i32
        %broadcast_in_dim3A_1535 = vector.broadcast %broadcast_in_dim3A_1534 : i32 to vector<16xi32>
        %broadcast_in_dim3A_1536 = vector.shape_cast %broadcast_in_dim3A_1535 : vector<16xi32> to vector<16x1xi32>
        %gather3A_1537 = vector.shape_cast %broadcast_in_dim3A_1536 : vector<16x1xi32> to vector<16xi32>
        %gather3A_1538 = tpu.dynamic_gather %get3A_726[%gather3A_1537] in [0] : vector<16xf32>, vector<16xi32> -> vector<16xf32>
        %broadcast_in_dim3A_1539 = vector.shape_cast %broadcast_in_dim3A_1535 : vector<16xi32> to vector<16x1xi32>
        %gather3A_1540 = vector.shape_cast %broadcast_in_dim3A_1539 : vector<16x1xi32> to vector<16xi32>
        %gather3A_1541 = tpu.dynamic_gather %get3A_728[%gather3A_1540] in [0] : vector<16xf32>, vector<16xi32> -> vector<16xf32>
        %broadcast_in_dim3A_1542 = vector.shape_cast %broadcast_in_dim3A_1535 : vector<16xi32> to vector<16x1xi32>
        %gather3A_1543 = vector.shape_cast %broadcast_in_dim3A_1542 : vector<16x1xi32> to vector<16xi32>
        %gather3A_1544 = tpu.dynamic_gather %get3A_730[%gather3A_1543] in [0] : vector<16xf32>, vector<16xi32> -> vector<16xf32>
        %broadcast_in_dim3A_1545 = vector.shape_cast %broadcast_in_dim3A_1535 : vector<16xi32> to vector<16x1xi32>
        %gather3A_1546 = vector.shape_cast %broadcast_in_dim3A_1545 : vector<16x1xi32> to vector<16xi32>
        %gather3A_1547 = tpu.dynamic_gather %get3A_732[%gather3A_1546] in [0] : vector<16xf32>, vector<16xi32> -> vector<16xf32>
        %add3A_1548 = arith.constant 9 : i32
        %add3A_1549 = vector.broadcast %add3A_1548 : i32 to vector<16xi32>
        %add3A_1550 = arith.addi %broadcast_in_dim3A_733, %add3A_1549 : vector<16xi32>
        %mul3A_1551 = arith.mulf %get3A_135, %gather3A_1538 : vector<16xf32>
        %mul3A_1552 = arith.mulf %get3A_169, %gather3A_1541 : vector<16xf32>
        %add3A_1553 = arith.addf %mul3A_1551, %mul3A_1552 : vector<16xf32>
        %mul3A_1554 = arith.mulf %get3A_217, %gather3A_1544 : vector<16xf32>
        %add3A_1555 = arith.addf %add3A_1553, %mul3A_1554 : vector<16xf32>
        %add3A_1556 = arith.addf %add3A_1555, %gather3A_1547 : vector<16xf32>
        %lt3A_1557 = arith.cmpf olt, %add3A_1556, %min3A_1469 : vector<16xf32>
        %min3A_1558 = arith.minimumf %add3A_1556, %min3A_1469 : vector<16xf32>
        %select_n3A_1559 = arith.select %lt3A_1557, %add3A_1550, %select_n3A_1470 : vector<16xi1>, vector<16xi32>
        %mul3A_1560 = arith.mulf %get3A_139, %gather3A_1538 : vector<16xf32>
        %mul3A_1561 = arith.mulf %get3A_175, %gather3A_1541 : vector<16xf32>
        %add3A_1562 = arith.addf %mul3A_1560, %mul3A_1561 : vector<16xf32>
        %mul3A_1563 = arith.mulf %get3A_223, %gather3A_1544 : vector<16xf32>
        %add3A_1564 = arith.addf %add3A_1562, %mul3A_1563 : vector<16xf32>
        %add3A_1565 = arith.addf %add3A_1564, %gather3A_1547 : vector<16xf32>
        %lt3A_1566 = arith.cmpf olt, %add3A_1565, %min3A_1478 : vector<16xf32>
        %min3A_1567 = arith.minimumf %add3A_1565, %min3A_1478 : vector<16xf32>
        %select_n3A_1568 = arith.select %lt3A_1566, %add3A_1550, %select_n3A_1479 : vector<16xi1>, vector<16xi32>
        %mul3A_1569 = arith.mulf %get3A_143, %gather3A_1538 : vector<16xf32>
        %mul3A_1570 = arith.mulf %get3A_181, %gather3A_1541 : vector<16xf32>
        %add3A_1571 = arith.addf %mul3A_1569, %mul3A_1570 : vector<16xf32>
        %mul3A_1572 = arith.mulf %get3A_229, %gather3A_1544 : vector<16xf32>
        %add3A_1573 = arith.addf %add3A_1571, %mul3A_1572 : vector<16xf32>
        %add3A_1574 = arith.addf %add3A_1573, %gather3A_1547 : vector<16xf32>
        %lt3A_1575 = arith.cmpf olt, %add3A_1574, %min3A_1487 : vector<16xf32>
        %min3A_1576 = arith.minimumf %add3A_1574, %min3A_1487 : vector<16xf32>
        %select_n3A_1577 = arith.select %lt3A_1575, %add3A_1550, %select_n3A_1488 : vector<16xi1>, vector<16xi32>
        %mul3A_1578 = arith.mulf %get3A_147, %gather3A_1538 : vector<16xf32>
        %mul3A_1579 = arith.mulf %get3A_187, %gather3A_1541 : vector<16xf32>
        %add3A_1580 = arith.addf %mul3A_1578, %mul3A_1579 : vector<16xf32>
        %mul3A_1581 = arith.mulf %get3A_235, %gather3A_1544 : vector<16xf32>
        %add3A_1582 = arith.addf %add3A_1580, %mul3A_1581 : vector<16xf32>
        %add3A_1583 = arith.addf %add3A_1582, %gather3A_1547 : vector<16xf32>
        %lt3A_1584 = arith.cmpf olt, %add3A_1583, %min3A_1496 : vector<16xf32>
        %min3A_1585 = arith.minimumf %add3A_1583, %min3A_1496 : vector<16xf32>
        %select_n3A_1586 = arith.select %lt3A_1584, %add3A_1550, %select_n3A_1497 : vector<16xi1>, vector<16xi32>
        %mul3A_1587 = arith.mulf %get3A_151, %gather3A_1538 : vector<16xf32>
        %mul3A_1588 = arith.mulf %get3A_193, %gather3A_1541 : vector<16xf32>
        %add3A_1589 = arith.addf %mul3A_1587, %mul3A_1588 : vector<16xf32>
        %mul3A_1590 = arith.mulf %get3A_241, %gather3A_1544 : vector<16xf32>
        %add3A_1591 = arith.addf %add3A_1589, %mul3A_1590 : vector<16xf32>
        %add3A_1592 = arith.addf %add3A_1591, %gather3A_1547 : vector<16xf32>
        %lt3A_1593 = arith.cmpf olt, %add3A_1592, %min3A_1505 : vector<16xf32>
        %min3A_1594 = arith.minimumf %add3A_1592, %min3A_1505 : vector<16xf32>
        %select_n3A_1595 = arith.select %lt3A_1593, %add3A_1550, %select_n3A_1506 : vector<16xi1>, vector<16xi32>
        %mul3A_1596 = arith.mulf %get3A_155, %gather3A_1538 : vector<16xf32>
        %mul3A_1597 = arith.mulf %get3A_199, %gather3A_1541 : vector<16xf32>
        %add3A_1598 = arith.addf %mul3A_1596, %mul3A_1597 : vector<16xf32>
        %mul3A_1599 = arith.mulf %get3A_247, %gather3A_1544 : vector<16xf32>
        %add3A_1600 = arith.addf %add3A_1598, %mul3A_1599 : vector<16xf32>
        %add3A_1601 = arith.addf %add3A_1600, %gather3A_1547 : vector<16xf32>
        %lt3A_1602 = arith.cmpf olt, %add3A_1601, %min3A_1514 : vector<16xf32>
        %min3A_1603 = arith.minimumf %add3A_1601, %min3A_1514 : vector<16xf32>
        %select_n3A_1604 = arith.select %lt3A_1602, %add3A_1550, %select_n3A_1515 : vector<16xi1>, vector<16xi32>
        %mul3A_1605 = arith.mulf %get3A_159, %gather3A_1538 : vector<16xf32>
        %mul3A_1606 = arith.mulf %get3A_205, %gather3A_1541 : vector<16xf32>
        %add3A_1607 = arith.addf %mul3A_1605, %mul3A_1606 : vector<16xf32>
        %mul3A_1608 = arith.mulf %get3A_253, %gather3A_1544 : vector<16xf32>
        %add3A_1609 = arith.addf %add3A_1607, %mul3A_1608 : vector<16xf32>
        %add3A_1610 = arith.addf %add3A_1609, %gather3A_1547 : vector<16xf32>
        %lt3A_1611 = arith.cmpf olt, %add3A_1610, %min3A_1523 : vector<16xf32>
        %min3A_1612 = arith.minimumf %add3A_1610, %min3A_1523 : vector<16xf32>
        %select_n3A_1613 = arith.select %lt3A_1611, %add3A_1550, %select_n3A_1524 : vector<16xi1>, vector<16xi32>
        %mul3A_1614 = arith.mulf %get3A_163, %gather3A_1538 : vector<16xf32>
        %mul3A_1615 = arith.mulf %get3A_211, %gather3A_1541 : vector<16xf32>
        %add3A_1616 = arith.addf %mul3A_1614, %mul3A_1615 : vector<16xf32>
        %mul3A_1617 = arith.mulf %get3A_259, %gather3A_1544 : vector<16xf32>
        %add3A_1618 = arith.addf %add3A_1616, %mul3A_1617 : vector<16xf32>
        %add3A_1619 = arith.addf %add3A_1618, %gather3A_1547 : vector<16xf32>
        %lt3A_1620 = arith.cmpf olt, %add3A_1619, %min3A_1532 : vector<16xf32>
        %min3A_1621 = arith.minimumf %add3A_1619, %min3A_1532 : vector<16xf32>
        %select_n3A_1622 = arith.select %lt3A_1620, %add3A_1550, %select_n3A_1533 : vector<16xi1>, vector<16xi32>
        %broadcast_in_dim3A_1623 = arith.constant 10 : i32
        %broadcast_in_dim3A_1624 = vector.broadcast %broadcast_in_dim3A_1623 : i32 to vector<16xi32>
        %broadcast_in_dim3A_1625 = vector.shape_cast %broadcast_in_dim3A_1624 : vector<16xi32> to vector<16x1xi32>
        %gather3A_1626 = vector.shape_cast %broadcast_in_dim3A_1625 : vector<16x1xi32> to vector<16xi32>
        %gather3A_1627 = tpu.dynamic_gather %get3A_726[%gather3A_1626] in [0] : vector<16xf32>, vector<16xi32> -> vector<16xf32>
        %broadcast_in_dim3A_1628 = vector.shape_cast %broadcast_in_dim3A_1624 : vector<16xi32> to vector<16x1xi32>
        %gather3A_1629 = vector.shape_cast %broadcast_in_dim3A_1628 : vector<16x1xi32> to vector<16xi32>
        %gather3A_1630 = tpu.dynamic_gather %get3A_728[%gather3A_1629] in [0] : vector<16xf32>, vector<16xi32> -> vector<16xf32>
        %broadcast_in_dim3A_1631 = vector.shape_cast %broadcast_in_dim3A_1624 : vector<16xi32> to vector<16x1xi32>
        %gather3A_1632 = vector.shape_cast %broadcast_in_dim3A_1631 : vector<16x1xi32> to vector<16xi32>
        %gather3A_1633 = tpu.dynamic_gather %get3A_730[%gather3A_1632] in [0] : vector<16xf32>, vector<16xi32> -> vector<16xf32>
        %broadcast_in_dim3A_1634 = vector.shape_cast %broadcast_in_dim3A_1624 : vector<16xi32> to vector<16x1xi32>
        %gather3A_1635 = vector.shape_cast %broadcast_in_dim3A_1634 : vector<16x1xi32> to vector<16xi32>
        %gather3A_1636 = tpu.dynamic_gather %get3A_732[%gather3A_1635] in [0] : vector<16xf32>, vector<16xi32> -> vector<16xf32>
        %add3A_1637 = arith.constant 10 : i32
        %add3A_1638 = vector.broadcast %add3A_1637 : i32 to vector<16xi32>
        %add3A_1639 = arith.addi %broadcast_in_dim3A_733, %add3A_1638 : vector<16xi32>
        %mul3A_1640 = arith.mulf %get3A_135, %gather3A_1627 : vector<16xf32>
        %mul3A_1641 = arith.mulf %get3A_169, %gather3A_1630 : vector<16xf32>
        %add3A_1642 = arith.addf %mul3A_1640, %mul3A_1641 : vector<16xf32>
        %mul3A_1643 = arith.mulf %get3A_217, %gather3A_1633 : vector<16xf32>
        %add3A_1644 = arith.addf %add3A_1642, %mul3A_1643 : vector<16xf32>
        %add3A_1645 = arith.addf %add3A_1644, %gather3A_1636 : vector<16xf32>
        %lt3A_1646 = arith.cmpf olt, %add3A_1645, %min3A_1558 : vector<16xf32>
        %min3A_1647 = arith.minimumf %add3A_1645, %min3A_1558 : vector<16xf32>
        %select_n3A_1648 = arith.select %lt3A_1646, %add3A_1639, %select_n3A_1559 : vector<16xi1>, vector<16xi32>
        %mul3A_1649 = arith.mulf %get3A_139, %gather3A_1627 : vector<16xf32>
        %mul3A_1650 = arith.mulf %get3A_175, %gather3A_1630 : vector<16xf32>
        %add3A_1651 = arith.addf %mul3A_1649, %mul3A_1650 : vector<16xf32>
        %mul3A_1652 = arith.mulf %get3A_223, %gather3A_1633 : vector<16xf32>
        %add3A_1653 = arith.addf %add3A_1651, %mul3A_1652 : vector<16xf32>
        %add3A_1654 = arith.addf %add3A_1653, %gather3A_1636 : vector<16xf32>
        %lt3A_1655 = arith.cmpf olt, %add3A_1654, %min3A_1567 : vector<16xf32>
        %min3A_1656 = arith.minimumf %add3A_1654, %min3A_1567 : vector<16xf32>
        %select_n3A_1657 = arith.select %lt3A_1655, %add3A_1639, %select_n3A_1568 : vector<16xi1>, vector<16xi32>
        %mul3A_1658 = arith.mulf %get3A_143, %gather3A_1627 : vector<16xf32>
        %mul3A_1659 = arith.mulf %get3A_181, %gather3A_1630 : vector<16xf32>
        %add3A_1660 = arith.addf %mul3A_1658, %mul3A_1659 : vector<16xf32>
        %mul3A_1661 = arith.mulf %get3A_229, %gather3A_1633 : vector<16xf32>
        %add3A_1662 = arith.addf %add3A_1660, %mul3A_1661 : vector<16xf32>
        %add3A_1663 = arith.addf %add3A_1662, %gather3A_1636 : vector<16xf32>
        %lt3A_1664 = arith.cmpf olt, %add3A_1663, %min3A_1576 : vector<16xf32>
        %min3A_1665 = arith.minimumf %add3A_1663, %min3A_1576 : vector<16xf32>
        %select_n3A_1666 = arith.select %lt3A_1664, %add3A_1639, %select_n3A_1577 : vector<16xi1>, vector<16xi32>
        %mul3A_1667 = arith.mulf %get3A_147, %gather3A_1627 : vector<16xf32>
        %mul3A_1668 = arith.mulf %get3A_187, %gather3A_1630 : vector<16xf32>
        %add3A_1669 = arith.addf %mul3A_1667, %mul3A_1668 : vector<16xf32>
        %mul3A_1670 = arith.mulf %get3A_235, %gather3A_1633 : vector<16xf32>
        %add3A_1671 = arith.addf %add3A_1669, %mul3A_1670 : vector<16xf32>
        %add3A_1672 = arith.addf %add3A_1671, %gather3A_1636 : vector<16xf32>
        %lt3A_1673 = arith.cmpf olt, %add3A_1672, %min3A_1585 : vector<16xf32>
        %min3A_1674 = arith.minimumf %add3A_1672, %min3A_1585 : vector<16xf32>
        %select_n3A_1675 = arith.select %lt3A_1673, %add3A_1639, %select_n3A_1586 : vector<16xi1>, vector<16xi32>
        %mul3A_1676 = arith.mulf %get3A_151, %gather3A_1627 : vector<16xf32>
        %mul3A_1677 = arith.mulf %get3A_193, %gather3A_1630 : vector<16xf32>
        %add3A_1678 = arith.addf %mul3A_1676, %mul3A_1677 : vector<16xf32>
        %mul3A_1679 = arith.mulf %get3A_241, %gather3A_1633 : vector<16xf32>
        %add3A_1680 = arith.addf %add3A_1678, %mul3A_1679 : vector<16xf32>
        %add3A_1681 = arith.addf %add3A_1680, %gather3A_1636 : vector<16xf32>
        %lt3A_1682 = arith.cmpf olt, %add3A_1681, %min3A_1594 : vector<16xf32>
        %min3A_1683 = arith.minimumf %add3A_1681, %min3A_1594 : vector<16xf32>
        %select_n3A_1684 = arith.select %lt3A_1682, %add3A_1639, %select_n3A_1595 : vector<16xi1>, vector<16xi32>
        %mul3A_1685 = arith.mulf %get3A_155, %gather3A_1627 : vector<16xf32>
        %mul3A_1686 = arith.mulf %get3A_199, %gather3A_1630 : vector<16xf32>
        %add3A_1687 = arith.addf %mul3A_1685, %mul3A_1686 : vector<16xf32>
        %mul3A_1688 = arith.mulf %get3A_247, %gather3A_1633 : vector<16xf32>
        %add3A_1689 = arith.addf %add3A_1687, %mul3A_1688 : vector<16xf32>
        %add3A_1690 = arith.addf %add3A_1689, %gather3A_1636 : vector<16xf32>
        %lt3A_1691 = arith.cmpf olt, %add3A_1690, %min3A_1603 : vector<16xf32>
        %min3A_1692 = arith.minimumf %add3A_1690, %min3A_1603 : vector<16xf32>
        %select_n3A_1693 = arith.select %lt3A_1691, %add3A_1639, %select_n3A_1604 : vector<16xi1>, vector<16xi32>
        %mul3A_1694 = arith.mulf %get3A_159, %gather3A_1627 : vector<16xf32>
        %mul3A_1695 = arith.mulf %get3A_205, %gather3A_1630 : vector<16xf32>
        %add3A_1696 = arith.addf %mul3A_1694, %mul3A_1695 : vector<16xf32>
        %mul3A_1697 = arith.mulf %get3A_253, %gather3A_1633 : vector<16xf32>
        %add3A_1698 = arith.addf %add3A_1696, %mul3A_1697 : vector<16xf32>
        %add3A_1699 = arith.addf %add3A_1698, %gather3A_1636 : vector<16xf32>
        %lt3A_1700 = arith.cmpf olt, %add3A_1699, %min3A_1612 : vector<16xf32>
        %min3A_1701 = arith.minimumf %add3A_1699, %min3A_1612 : vector<16xf32>
        %select_n3A_1702 = arith.select %lt3A_1700, %add3A_1639, %select_n3A_1613 : vector<16xi1>, vector<16xi32>
        %mul3A_1703 = arith.mulf %get3A_163, %gather3A_1627 : vector<16xf32>
        %mul3A_1704 = arith.mulf %get3A_211, %gather3A_1630 : vector<16xf32>
        %add3A_1705 = arith.addf %mul3A_1703, %mul3A_1704 : vector<16xf32>
        %mul3A_1706 = arith.mulf %get3A_259, %gather3A_1633 : vector<16xf32>
        %add3A_1707 = arith.addf %add3A_1705, %mul3A_1706 : vector<16xf32>
        %add3A_1708 = arith.addf %add3A_1707, %gather3A_1636 : vector<16xf32>
        %lt3A_1709 = arith.cmpf olt, %add3A_1708, %min3A_1621 : vector<16xf32>
        %min3A_1710 = arith.minimumf %add3A_1708, %min3A_1621 : vector<16xf32>
        %select_n3A_1711 = arith.select %lt3A_1709, %add3A_1639, %select_n3A_1622 : vector<16xi1>, vector<16xi32>
        %broadcast_in_dim3A_1712 = arith.constant 11 : i32
        %broadcast_in_dim3A_1713 = vector.broadcast %broadcast_in_dim3A_1712 : i32 to vector<16xi32>
        %broadcast_in_dim3A_1714 = vector.shape_cast %broadcast_in_dim3A_1713 : vector<16xi32> to vector<16x1xi32>
        %gather3A_1715 = vector.shape_cast %broadcast_in_dim3A_1714 : vector<16x1xi32> to vector<16xi32>
        %gather3A_1716 = tpu.dynamic_gather %get3A_726[%gather3A_1715] in [0] : vector<16xf32>, vector<16xi32> -> vector<16xf32>
        %broadcast_in_dim3A_1717 = vector.shape_cast %broadcast_in_dim3A_1713 : vector<16xi32> to vector<16x1xi32>
        %gather3A_1718 = vector.shape_cast %broadcast_in_dim3A_1717 : vector<16x1xi32> to vector<16xi32>
        %gather3A_1719 = tpu.dynamic_gather %get3A_728[%gather3A_1718] in [0] : vector<16xf32>, vector<16xi32> -> vector<16xf32>
        %broadcast_in_dim3A_1720 = vector.shape_cast %broadcast_in_dim3A_1713 : vector<16xi32> to vector<16x1xi32>
        %gather3A_1721 = vector.shape_cast %broadcast_in_dim3A_1720 : vector<16x1xi32> to vector<16xi32>
        %gather3A_1722 = tpu.dynamic_gather %get3A_730[%gather3A_1721] in [0] : vector<16xf32>, vector<16xi32> -> vector<16xf32>
        %broadcast_in_dim3A_1723 = vector.shape_cast %broadcast_in_dim3A_1713 : vector<16xi32> to vector<16x1xi32>
        %gather3A_1724 = vector.shape_cast %broadcast_in_dim3A_1723 : vector<16x1xi32> to vector<16xi32>
        %gather3A_1725 = tpu.dynamic_gather %get3A_732[%gather3A_1724] in [0] : vector<16xf32>, vector<16xi32> -> vector<16xf32>
        %add3A_1726 = arith.constant 11 : i32
        %add3A_1727 = vector.broadcast %add3A_1726 : i32 to vector<16xi32>
        %add3A_1728 = arith.addi %broadcast_in_dim3A_733, %add3A_1727 : vector<16xi32>
        %mul3A_1729 = arith.mulf %get3A_135, %gather3A_1716 : vector<16xf32>
        %mul3A_1730 = arith.mulf %get3A_169, %gather3A_1719 : vector<16xf32>
        %add3A_1731 = arith.addf %mul3A_1729, %mul3A_1730 : vector<16xf32>
        %mul3A_1732 = arith.mulf %get3A_217, %gather3A_1722 : vector<16xf32>
        %add3A_1733 = arith.addf %add3A_1731, %mul3A_1732 : vector<16xf32>
        %add3A_1734 = arith.addf %add3A_1733, %gather3A_1725 : vector<16xf32>
        %lt3A_1735 = arith.cmpf olt, %add3A_1734, %min3A_1647 : vector<16xf32>
        %min3A_1736 = arith.minimumf %add3A_1734, %min3A_1647 : vector<16xf32>
        %select_n3A_1737 = arith.select %lt3A_1735, %add3A_1728, %select_n3A_1648 : vector<16xi1>, vector<16xi32>
        %mul3A_1738 = arith.mulf %get3A_139, %gather3A_1716 : vector<16xf32>
        %mul3A_1739 = arith.mulf %get3A_175, %gather3A_1719 : vector<16xf32>
        %add3A_1740 = arith.addf %mul3A_1738, %mul3A_1739 : vector<16xf32>
        %mul3A_1741 = arith.mulf %get3A_223, %gather3A_1722 : vector<16xf32>
        %add3A_1742 = arith.addf %add3A_1740, %mul3A_1741 : vector<16xf32>
        %add3A_1743 = arith.addf %add3A_1742, %gather3A_1725 : vector<16xf32>
        %lt3A_1744 = arith.cmpf olt, %add3A_1743, %min3A_1656 : vector<16xf32>
        %min3A_1745 = arith.minimumf %add3A_1743, %min3A_1656 : vector<16xf32>
        %select_n3A_1746 = arith.select %lt3A_1744, %add3A_1728, %select_n3A_1657 : vector<16xi1>, vector<16xi32>
        %mul3A_1747 = arith.mulf %get3A_143, %gather3A_1716 : vector<16xf32>
        %mul3A_1748 = arith.mulf %get3A_181, %gather3A_1719 : vector<16xf32>
        %add3A_1749 = arith.addf %mul3A_1747, %mul3A_1748 : vector<16xf32>
        %mul3A_1750 = arith.mulf %get3A_229, %gather3A_1722 : vector<16xf32>
        %add3A_1751 = arith.addf %add3A_1749, %mul3A_1750 : vector<16xf32>
        %add3A_1752 = arith.addf %add3A_1751, %gather3A_1725 : vector<16xf32>
        %lt3A_1753 = arith.cmpf olt, %add3A_1752, %min3A_1665 : vector<16xf32>
        %min3A_1754 = arith.minimumf %add3A_1752, %min3A_1665 : vector<16xf32>
        %select_n3A_1755 = arith.select %lt3A_1753, %add3A_1728, %select_n3A_1666 : vector<16xi1>, vector<16xi32>
        %mul3A_1756 = arith.mulf %get3A_147, %gather3A_1716 : vector<16xf32>
        %mul3A_1757 = arith.mulf %get3A_187, %gather3A_1719 : vector<16xf32>
        %add3A_1758 = arith.addf %mul3A_1756, %mul3A_1757 : vector<16xf32>
        %mul3A_1759 = arith.mulf %get3A_235, %gather3A_1722 : vector<16xf32>
        %add3A_1760 = arith.addf %add3A_1758, %mul3A_1759 : vector<16xf32>
        %add3A_1761 = arith.addf %add3A_1760, %gather3A_1725 : vector<16xf32>
        %lt3A_1762 = arith.cmpf olt, %add3A_1761, %min3A_1674 : vector<16xf32>
        %min3A_1763 = arith.minimumf %add3A_1761, %min3A_1674 : vector<16xf32>
        %select_n3A_1764 = arith.select %lt3A_1762, %add3A_1728, %select_n3A_1675 : vector<16xi1>, vector<16xi32>
        %mul3A_1765 = arith.mulf %get3A_151, %gather3A_1716 : vector<16xf32>
        %mul3A_1766 = arith.mulf %get3A_193, %gather3A_1719 : vector<16xf32>
        %add3A_1767 = arith.addf %mul3A_1765, %mul3A_1766 : vector<16xf32>
        %mul3A_1768 = arith.mulf %get3A_241, %gather3A_1722 : vector<16xf32>
        %add3A_1769 = arith.addf %add3A_1767, %mul3A_1768 : vector<16xf32>
        %add3A_1770 = arith.addf %add3A_1769, %gather3A_1725 : vector<16xf32>
        %lt3A_1771 = arith.cmpf olt, %add3A_1770, %min3A_1683 : vector<16xf32>
        %min3A_1772 = arith.minimumf %add3A_1770, %min3A_1683 : vector<16xf32>
        %select_n3A_1773 = arith.select %lt3A_1771, %add3A_1728, %select_n3A_1684 : vector<16xi1>, vector<16xi32>
        %mul3A_1774 = arith.mulf %get3A_155, %gather3A_1716 : vector<16xf32>
        %mul3A_1775 = arith.mulf %get3A_199, %gather3A_1719 : vector<16xf32>
        %add3A_1776 = arith.addf %mul3A_1774, %mul3A_1775 : vector<16xf32>
        %mul3A_1777 = arith.mulf %get3A_247, %gather3A_1722 : vector<16xf32>
        %add3A_1778 = arith.addf %add3A_1776, %mul3A_1777 : vector<16xf32>
        %add3A_1779 = arith.addf %add3A_1778, %gather3A_1725 : vector<16xf32>
        %lt3A_1780 = arith.cmpf olt, %add3A_1779, %min3A_1692 : vector<16xf32>
        %min3A_1781 = arith.minimumf %add3A_1779, %min3A_1692 : vector<16xf32>
        %select_n3A_1782 = arith.select %lt3A_1780, %add3A_1728, %select_n3A_1693 : vector<16xi1>, vector<16xi32>
        %mul3A_1783 = arith.mulf %get3A_159, %gather3A_1716 : vector<16xf32>
        %mul3A_1784 = arith.mulf %get3A_205, %gather3A_1719 : vector<16xf32>
        %add3A_1785 = arith.addf %mul3A_1783, %mul3A_1784 : vector<16xf32>
        %mul3A_1786 = arith.mulf %get3A_253, %gather3A_1722 : vector<16xf32>
        %add3A_1787 = arith.addf %add3A_1785, %mul3A_1786 : vector<16xf32>
        %add3A_1788 = arith.addf %add3A_1787, %gather3A_1725 : vector<16xf32>
        %lt3A_1789 = arith.cmpf olt, %add3A_1788, %min3A_1701 : vector<16xf32>
        %min3A_1790 = arith.minimumf %add3A_1788, %min3A_1701 : vector<16xf32>
        %select_n3A_1791 = arith.select %lt3A_1789, %add3A_1728, %select_n3A_1702 : vector<16xi1>, vector<16xi32>
        %mul3A_1792 = arith.mulf %get3A_163, %gather3A_1716 : vector<16xf32>
        %mul3A_1793 = arith.mulf %get3A_211, %gather3A_1719 : vector<16xf32>
        %add3A_1794 = arith.addf %mul3A_1792, %mul3A_1793 : vector<16xf32>
        %mul3A_1795 = arith.mulf %get3A_259, %gather3A_1722 : vector<16xf32>
        %add3A_1796 = arith.addf %add3A_1794, %mul3A_1795 : vector<16xf32>
        %add3A_1797 = arith.addf %add3A_1796, %gather3A_1725 : vector<16xf32>
        %lt3A_1798 = arith.cmpf olt, %add3A_1797, %min3A_1710 : vector<16xf32>
        %min3A_1799 = arith.minimumf %add3A_1797, %min3A_1710 : vector<16xf32>
        %select_n3A_1800 = arith.select %lt3A_1798, %add3A_1728, %select_n3A_1711 : vector<16xi1>, vector<16xi32>
        %broadcast_in_dim3A_1801 = arith.constant 12 : i32
        %broadcast_in_dim3A_1802 = vector.broadcast %broadcast_in_dim3A_1801 : i32 to vector<16xi32>
        %broadcast_in_dim3A_1803 = vector.shape_cast %broadcast_in_dim3A_1802 : vector<16xi32> to vector<16x1xi32>
        %gather3A_1804 = vector.shape_cast %broadcast_in_dim3A_1803 : vector<16x1xi32> to vector<16xi32>
        %gather3A_1805 = tpu.dynamic_gather %get3A_726[%gather3A_1804] in [0] : vector<16xf32>, vector<16xi32> -> vector<16xf32>
        %broadcast_in_dim3A_1806 = vector.shape_cast %broadcast_in_dim3A_1802 : vector<16xi32> to vector<16x1xi32>
        %gather3A_1807 = vector.shape_cast %broadcast_in_dim3A_1806 : vector<16x1xi32> to vector<16xi32>
        %gather3A_1808 = tpu.dynamic_gather %get3A_728[%gather3A_1807] in [0] : vector<16xf32>, vector<16xi32> -> vector<16xf32>
        %broadcast_in_dim3A_1809 = vector.shape_cast %broadcast_in_dim3A_1802 : vector<16xi32> to vector<16x1xi32>
        %gather3A_1810 = vector.shape_cast %broadcast_in_dim3A_1809 : vector<16x1xi32> to vector<16xi32>
        %gather3A_1811 = tpu.dynamic_gather %get3A_730[%gather3A_1810] in [0] : vector<16xf32>, vector<16xi32> -> vector<16xf32>
        %broadcast_in_dim3A_1812 = vector.shape_cast %broadcast_in_dim3A_1802 : vector<16xi32> to vector<16x1xi32>
        %gather3A_1813 = vector.shape_cast %broadcast_in_dim3A_1812 : vector<16x1xi32> to vector<16xi32>
        %gather3A_1814 = tpu.dynamic_gather %get3A_732[%gather3A_1813] in [0] : vector<16xf32>, vector<16xi32> -> vector<16xf32>
        %add3A_1815 = arith.constant 12 : i32
        %add3A_1816 = vector.broadcast %add3A_1815 : i32 to vector<16xi32>
        %add3A_1817 = arith.addi %broadcast_in_dim3A_733, %add3A_1816 : vector<16xi32>
        %mul3A_1818 = arith.mulf %get3A_135, %gather3A_1805 : vector<16xf32>
        %mul3A_1819 = arith.mulf %get3A_169, %gather3A_1808 : vector<16xf32>
        %add3A_1820 = arith.addf %mul3A_1818, %mul3A_1819 : vector<16xf32>
        %mul3A_1821 = arith.mulf %get3A_217, %gather3A_1811 : vector<16xf32>
        %add3A_1822 = arith.addf %add3A_1820, %mul3A_1821 : vector<16xf32>
        %add3A_1823 = arith.addf %add3A_1822, %gather3A_1814 : vector<16xf32>
        %lt3A_1824 = arith.cmpf olt, %add3A_1823, %min3A_1736 : vector<16xf32>
        %min3A_1825 = arith.minimumf %add3A_1823, %min3A_1736 : vector<16xf32>
        %select_n3A_1826 = arith.select %lt3A_1824, %add3A_1817, %select_n3A_1737 : vector<16xi1>, vector<16xi32>
        %mul3A_1827 = arith.mulf %get3A_139, %gather3A_1805 : vector<16xf32>
        %mul3A_1828 = arith.mulf %get3A_175, %gather3A_1808 : vector<16xf32>
        %add3A_1829 = arith.addf %mul3A_1827, %mul3A_1828 : vector<16xf32>
        %mul3A_1830 = arith.mulf %get3A_223, %gather3A_1811 : vector<16xf32>
        %add3A_1831 = arith.addf %add3A_1829, %mul3A_1830 : vector<16xf32>
        %add3A_1832 = arith.addf %add3A_1831, %gather3A_1814 : vector<16xf32>
        %lt3A_1833 = arith.cmpf olt, %add3A_1832, %min3A_1745 : vector<16xf32>
        %min3A_1834 = arith.minimumf %add3A_1832, %min3A_1745 : vector<16xf32>
        %select_n3A_1835 = arith.select %lt3A_1833, %add3A_1817, %select_n3A_1746 : vector<16xi1>, vector<16xi32>
        %mul3A_1836 = arith.mulf %get3A_143, %gather3A_1805 : vector<16xf32>
        %mul3A_1837 = arith.mulf %get3A_181, %gather3A_1808 : vector<16xf32>
        %add3A_1838 = arith.addf %mul3A_1836, %mul3A_1837 : vector<16xf32>
        %mul3A_1839 = arith.mulf %get3A_229, %gather3A_1811 : vector<16xf32>
        %add3A_1840 = arith.addf %add3A_1838, %mul3A_1839 : vector<16xf32>
        %add3A_1841 = arith.addf %add3A_1840, %gather3A_1814 : vector<16xf32>
        %lt3A_1842 = arith.cmpf olt, %add3A_1841, %min3A_1754 : vector<16xf32>
        %min3A_1843 = arith.minimumf %add3A_1841, %min3A_1754 : vector<16xf32>
        %select_n3A_1844 = arith.select %lt3A_1842, %add3A_1817, %select_n3A_1755 : vector<16xi1>, vector<16xi32>
        %mul3A_1845 = arith.mulf %get3A_147, %gather3A_1805 : vector<16xf32>
        %mul3A_1846 = arith.mulf %get3A_187, %gather3A_1808 : vector<16xf32>
        %add3A_1847 = arith.addf %mul3A_1845, %mul3A_1846 : vector<16xf32>
        %mul3A_1848 = arith.mulf %get3A_235, %gather3A_1811 : vector<16xf32>
        %add3A_1849 = arith.addf %add3A_1847, %mul3A_1848 : vector<16xf32>
        %add3A_1850 = arith.addf %add3A_1849, %gather3A_1814 : vector<16xf32>
        %lt3A_1851 = arith.cmpf olt, %add3A_1850, %min3A_1763 : vector<16xf32>
        %min3A_1852 = arith.minimumf %add3A_1850, %min3A_1763 : vector<16xf32>
        %select_n3A_1853 = arith.select %lt3A_1851, %add3A_1817, %select_n3A_1764 : vector<16xi1>, vector<16xi32>
        %mul3A_1854 = arith.mulf %get3A_151, %gather3A_1805 : vector<16xf32>
        %mul3A_1855 = arith.mulf %get3A_193, %gather3A_1808 : vector<16xf32>
        %add3A_1856 = arith.addf %mul3A_1854, %mul3A_1855 : vector<16xf32>
        %mul3A_1857 = arith.mulf %get3A_241, %gather3A_1811 : vector<16xf32>
        %add3A_1858 = arith.addf %add3A_1856, %mul3A_1857 : vector<16xf32>
        %add3A_1859 = arith.addf %add3A_1858, %gather3A_1814 : vector<16xf32>
        %lt3A_1860 = arith.cmpf olt, %add3A_1859, %min3A_1772 : vector<16xf32>
        %min3A_1861 = arith.minimumf %add3A_1859, %min3A_1772 : vector<16xf32>
        %select_n3A_1862 = arith.select %lt3A_1860, %add3A_1817, %select_n3A_1773 : vector<16xi1>, vector<16xi32>
        %mul3A_1863 = arith.mulf %get3A_155, %gather3A_1805 : vector<16xf32>
        %mul3A_1864 = arith.mulf %get3A_199, %gather3A_1808 : vector<16xf32>
        %add3A_1865 = arith.addf %mul3A_1863, %mul3A_1864 : vector<16xf32>
        %mul3A_1866 = arith.mulf %get3A_247, %gather3A_1811 : vector<16xf32>
        %add3A_1867 = arith.addf %add3A_1865, %mul3A_1866 : vector<16xf32>
        %add3A_1868 = arith.addf %add3A_1867, %gather3A_1814 : vector<16xf32>
        %lt3A_1869 = arith.cmpf olt, %add3A_1868, %min3A_1781 : vector<16xf32>
        %min3A_1870 = arith.minimumf %add3A_1868, %min3A_1781 : vector<16xf32>
        %select_n3A_1871 = arith.select %lt3A_1869, %add3A_1817, %select_n3A_1782 : vector<16xi1>, vector<16xi32>
        %mul3A_1872 = arith.mulf %get3A_159, %gather3A_1805 : vector<16xf32>
        %mul3A_1873 = arith.mulf %get3A_205, %gather3A_1808 : vector<16xf32>
        %add3A_1874 = arith.addf %mul3A_1872, %mul3A_1873 : vector<16xf32>
        %mul3A_1875 = arith.mulf %get3A_253, %gather3A_1811 : vector<16xf32>
        %add3A_1876 = arith.addf %add3A_1874, %mul3A_1875 : vector<16xf32>
        %add3A_1877 = arith.addf %add3A_1876, %gather3A_1814 : vector<16xf32>
        %lt3A_1878 = arith.cmpf olt, %add3A_1877, %min3A_1790 : vector<16xf32>
        %min3A_1879 = arith.minimumf %add3A_1877, %min3A_1790 : vector<16xf32>
        %select_n3A_1880 = arith.select %lt3A_1878, %add3A_1817, %select_n3A_1791 : vector<16xi1>, vector<16xi32>
        %mul3A_1881 = arith.mulf %get3A_163, %gather3A_1805 : vector<16xf32>
        %mul3A_1882 = arith.mulf %get3A_211, %gather3A_1808 : vector<16xf32>
        %add3A_1883 = arith.addf %mul3A_1881, %mul3A_1882 : vector<16xf32>
        %mul3A_1884 = arith.mulf %get3A_259, %gather3A_1811 : vector<16xf32>
        %add3A_1885 = arith.addf %add3A_1883, %mul3A_1884 : vector<16xf32>
        %add3A_1886 = arith.addf %add3A_1885, %gather3A_1814 : vector<16xf32>
        %lt3A_1887 = arith.cmpf olt, %add3A_1886, %min3A_1799 : vector<16xf32>
        %min3A_1888 = arith.minimumf %add3A_1886, %min3A_1799 : vector<16xf32>
        %select_n3A_1889 = arith.select %lt3A_1887, %add3A_1817, %select_n3A_1800 : vector<16xi1>, vector<16xi32>
        %broadcast_in_dim3A_1890 = arith.constant 13 : i32
        %broadcast_in_dim3A_1891 = vector.broadcast %broadcast_in_dim3A_1890 : i32 to vector<16xi32>
        %broadcast_in_dim3A_1892 = vector.shape_cast %broadcast_in_dim3A_1891 : vector<16xi32> to vector<16x1xi32>
        %gather3A_1893 = vector.shape_cast %broadcast_in_dim3A_1892 : vector<16x1xi32> to vector<16xi32>
        %gather3A_1894 = tpu.dynamic_gather %get3A_726[%gather3A_1893] in [0] : vector<16xf32>, vector<16xi32> -> vector<16xf32>
        %broadcast_in_dim3A_1895 = vector.shape_cast %broadcast_in_dim3A_1891 : vector<16xi32> to vector<16x1xi32>
        %gather3A_1896 = vector.shape_cast %broadcast_in_dim3A_1895 : vector<16x1xi32> to vector<16xi32>
        %gather3A_1897 = tpu.dynamic_gather %get3A_728[%gather3A_1896] in [0] : vector<16xf32>, vector<16xi32> -> vector<16xf32>
        %broadcast_in_dim3A_1898 = vector.shape_cast %broadcast_in_dim3A_1891 : vector<16xi32> to vector<16x1xi32>
        %gather3A_1899 = vector.shape_cast %broadcast_in_dim3A_1898 : vector<16x1xi32> to vector<16xi32>
        %gather3A_1900 = tpu.dynamic_gather %get3A_730[%gather3A_1899] in [0] : vector<16xf32>, vector<16xi32> -> vector<16xf32>
        %broadcast_in_dim3A_1901 = vector.shape_cast %broadcast_in_dim3A_1891 : vector<16xi32> to vector<16x1xi32>
        %gather3A_1902 = vector.shape_cast %broadcast_in_dim3A_1901 : vector<16x1xi32> to vector<16xi32>
        %gather3A_1903 = tpu.dynamic_gather %get3A_732[%gather3A_1902] in [0] : vector<16xf32>, vector<16xi32> -> vector<16xf32>
        %add3A_1904 = arith.constant 13 : i32
        %add3A_1905 = vector.broadcast %add3A_1904 : i32 to vector<16xi32>
        %add3A_1906 = arith.addi %broadcast_in_dim3A_733, %add3A_1905 : vector<16xi32>
        %mul3A_1907 = arith.mulf %get3A_135, %gather3A_1894 : vector<16xf32>
        %mul3A_1908 = arith.mulf %get3A_169, %gather3A_1897 : vector<16xf32>
        %add3A_1909 = arith.addf %mul3A_1907, %mul3A_1908 : vector<16xf32>
        %mul3A_1910 = arith.mulf %get3A_217, %gather3A_1900 : vector<16xf32>
        %add3A_1911 = arith.addf %add3A_1909, %mul3A_1910 : vector<16xf32>
        %add3A_1912 = arith.addf %add3A_1911, %gather3A_1903 : vector<16xf32>
        %lt3A_1913 = arith.cmpf olt, %add3A_1912, %min3A_1825 : vector<16xf32>
        %min3A_1914 = arith.minimumf %add3A_1912, %min3A_1825 : vector<16xf32>
        %select_n3A_1915 = arith.select %lt3A_1913, %add3A_1906, %select_n3A_1826 : vector<16xi1>, vector<16xi32>
        %mul3A_1916 = arith.mulf %get3A_139, %gather3A_1894 : vector<16xf32>
        %mul3A_1917 = arith.mulf %get3A_175, %gather3A_1897 : vector<16xf32>
        %add3A_1918 = arith.addf %mul3A_1916, %mul3A_1917 : vector<16xf32>
        %mul3A_1919 = arith.mulf %get3A_223, %gather3A_1900 : vector<16xf32>
        %add3A_1920 = arith.addf %add3A_1918, %mul3A_1919 : vector<16xf32>
        %add3A_1921 = arith.addf %add3A_1920, %gather3A_1903 : vector<16xf32>
        %lt3A_1922 = arith.cmpf olt, %add3A_1921, %min3A_1834 : vector<16xf32>
        %min3A_1923 = arith.minimumf %add3A_1921, %min3A_1834 : vector<16xf32>
        %select_n3A_1924 = arith.select %lt3A_1922, %add3A_1906, %select_n3A_1835 : vector<16xi1>, vector<16xi32>
        %mul3A_1925 = arith.mulf %get3A_143, %gather3A_1894 : vector<16xf32>
        %mul3A_1926 = arith.mulf %get3A_181, %gather3A_1897 : vector<16xf32>
        %add3A_1927 = arith.addf %mul3A_1925, %mul3A_1926 : vector<16xf32>
        %mul3A_1928 = arith.mulf %get3A_229, %gather3A_1900 : vector<16xf32>
        %add3A_1929 = arith.addf %add3A_1927, %mul3A_1928 : vector<16xf32>
        %add3A_1930 = arith.addf %add3A_1929, %gather3A_1903 : vector<16xf32>
        %lt3A_1931 = arith.cmpf olt, %add3A_1930, %min3A_1843 : vector<16xf32>
        %min3A_1932 = arith.minimumf %add3A_1930, %min3A_1843 : vector<16xf32>
        %select_n3A_1933 = arith.select %lt3A_1931, %add3A_1906, %select_n3A_1844 : vector<16xi1>, vector<16xi32>
        %mul3A_1934 = arith.mulf %get3A_147, %gather3A_1894 : vector<16xf32>
        %mul3A_1935 = arith.mulf %get3A_187, %gather3A_1897 : vector<16xf32>
        %add3A_1936 = arith.addf %mul3A_1934, %mul3A_1935 : vector<16xf32>
        %mul3A_1937 = arith.mulf %get3A_235, %gather3A_1900 : vector<16xf32>
        %add3A_1938 = arith.addf %add3A_1936, %mul3A_1937 : vector<16xf32>
        %add3A_1939 = arith.addf %add3A_1938, %gather3A_1903 : vector<16xf32>
        %lt3A_1940 = arith.cmpf olt, %add3A_1939, %min3A_1852 : vector<16xf32>
        %min3A_1941 = arith.minimumf %add3A_1939, %min3A_1852 : vector<16xf32>
        %select_n3A_1942 = arith.select %lt3A_1940, %add3A_1906, %select_n3A_1853 : vector<16xi1>, vector<16xi32>
        %mul3A_1943 = arith.mulf %get3A_151, %gather3A_1894 : vector<16xf32>
        %mul3A_1944 = arith.mulf %get3A_193, %gather3A_1897 : vector<16xf32>
        %add3A_1945 = arith.addf %mul3A_1943, %mul3A_1944 : vector<16xf32>
        %mul3A_1946 = arith.mulf %get3A_241, %gather3A_1900 : vector<16xf32>
        %add3A_1947 = arith.addf %add3A_1945, %mul3A_1946 : vector<16xf32>
        %add3A_1948 = arith.addf %add3A_1947, %gather3A_1903 : vector<16xf32>
        %lt3A_1949 = arith.cmpf olt, %add3A_1948, %min3A_1861 : vector<16xf32>
        %min3A_1950 = arith.minimumf %add3A_1948, %min3A_1861 : vector<16xf32>
        %select_n3A_1951 = arith.select %lt3A_1949, %add3A_1906, %select_n3A_1862 : vector<16xi1>, vector<16xi32>
        %mul3A_1952 = arith.mulf %get3A_155, %gather3A_1894 : vector<16xf32>
        %mul3A_1953 = arith.mulf %get3A_199, %gather3A_1897 : vector<16xf32>
        %add3A_1954 = arith.addf %mul3A_1952, %mul3A_1953 : vector<16xf32>
        %mul3A_1955 = arith.mulf %get3A_247, %gather3A_1900 : vector<16xf32>
        %add3A_1956 = arith.addf %add3A_1954, %mul3A_1955 : vector<16xf32>
        %add3A_1957 = arith.addf %add3A_1956, %gather3A_1903 : vector<16xf32>
        %lt3A_1958 = arith.cmpf olt, %add3A_1957, %min3A_1870 : vector<16xf32>
        %min3A_1959 = arith.minimumf %add3A_1957, %min3A_1870 : vector<16xf32>
        %select_n3A_1960 = arith.select %lt3A_1958, %add3A_1906, %select_n3A_1871 : vector<16xi1>, vector<16xi32>
        %mul3A_1961 = arith.mulf %get3A_159, %gather3A_1894 : vector<16xf32>
        %mul3A_1962 = arith.mulf %get3A_205, %gather3A_1897 : vector<16xf32>
        %add3A_1963 = arith.addf %mul3A_1961, %mul3A_1962 : vector<16xf32>
        %mul3A_1964 = arith.mulf %get3A_253, %gather3A_1900 : vector<16xf32>
        %add3A_1965 = arith.addf %add3A_1963, %mul3A_1964 : vector<16xf32>
        %add3A_1966 = arith.addf %add3A_1965, %gather3A_1903 : vector<16xf32>
        %lt3A_1967 = arith.cmpf olt, %add3A_1966, %min3A_1879 : vector<16xf32>
        %min3A_1968 = arith.minimumf %add3A_1966, %min3A_1879 : vector<16xf32>
        %select_n3A_1969 = arith.select %lt3A_1967, %add3A_1906, %select_n3A_1880 : vector<16xi1>, vector<16xi32>
        %mul3A_1970 = arith.mulf %get3A_163, %gather3A_1894 : vector<16xf32>
        %mul3A_1971 = arith.mulf %get3A_211, %gather3A_1897 : vector<16xf32>
        %add3A_1972 = arith.addf %mul3A_1970, %mul3A_1971 : vector<16xf32>
        %mul3A_1973 = arith.mulf %get3A_259, %gather3A_1900 : vector<16xf32>
        %add3A_1974 = arith.addf %add3A_1972, %mul3A_1973 : vector<16xf32>
        %add3A_1975 = arith.addf %add3A_1974, %gather3A_1903 : vector<16xf32>
        %lt3A_1976 = arith.cmpf olt, %add3A_1975, %min3A_1888 : vector<16xf32>
        %min3A_1977 = arith.minimumf %add3A_1975, %min3A_1888 : vector<16xf32>
        %select_n3A_1978 = arith.select %lt3A_1976, %add3A_1906, %select_n3A_1889 : vector<16xi1>, vector<16xi32>
        %broadcast_in_dim3A_1979 = arith.constant 14 : i32
        %broadcast_in_dim3A_1980 = vector.broadcast %broadcast_in_dim3A_1979 : i32 to vector<16xi32>
        %broadcast_in_dim3A_1981 = vector.shape_cast %broadcast_in_dim3A_1980 : vector<16xi32> to vector<16x1xi32>
        %gather3A_1982 = vector.shape_cast %broadcast_in_dim3A_1981 : vector<16x1xi32> to vector<16xi32>
        %gather3A_1983 = tpu.dynamic_gather %get3A_726[%gather3A_1982] in [0] : vector<16xf32>, vector<16xi32> -> vector<16xf32>
        %broadcast_in_dim3A_1984 = vector.shape_cast %broadcast_in_dim3A_1980 : vector<16xi32> to vector<16x1xi32>
        %gather3A_1985 = vector.shape_cast %broadcast_in_dim3A_1984 : vector<16x1xi32> to vector<16xi32>
        %gather3A_1986 = tpu.dynamic_gather %get3A_728[%gather3A_1985] in [0] : vector<16xf32>, vector<16xi32> -> vector<16xf32>
        %broadcast_in_dim3A_1987 = vector.shape_cast %broadcast_in_dim3A_1980 : vector<16xi32> to vector<16x1xi32>
        %gather3A_1988 = vector.shape_cast %broadcast_in_dim3A_1987 : vector<16x1xi32> to vector<16xi32>
        %gather3A_1989 = tpu.dynamic_gather %get3A_730[%gather3A_1988] in [0] : vector<16xf32>, vector<16xi32> -> vector<16xf32>
        %broadcast_in_dim3A_1990 = vector.shape_cast %broadcast_in_dim3A_1980 : vector<16xi32> to vector<16x1xi32>
        %gather3A_1991 = vector.shape_cast %broadcast_in_dim3A_1990 : vector<16x1xi32> to vector<16xi32>
        %gather3A_1992 = tpu.dynamic_gather %get3A_732[%gather3A_1991] in [0] : vector<16xf32>, vector<16xi32> -> vector<16xf32>
        %add3A_1993 = arith.constant 14 : i32
        %add3A_1994 = vector.broadcast %add3A_1993 : i32 to vector<16xi32>
        %add3A_1995 = arith.addi %broadcast_in_dim3A_733, %add3A_1994 : vector<16xi32>
        %mul3A_1996 = arith.mulf %get3A_135, %gather3A_1983 : vector<16xf32>
        %mul3A_1997 = arith.mulf %get3A_169, %gather3A_1986 : vector<16xf32>
        %add3A_1998 = arith.addf %mul3A_1996, %mul3A_1997 : vector<16xf32>
        %mul3A_1999 = arith.mulf %get3A_217, %gather3A_1989 : vector<16xf32>
        %add3A_2000 = arith.addf %add3A_1998, %mul3A_1999 : vector<16xf32>
        %add3A_2001 = arith.addf %add3A_2000, %gather3A_1992 : vector<16xf32>
        %lt3A_2002 = arith.cmpf olt, %add3A_2001, %min3A_1914 : vector<16xf32>
        %min3A_2003 = arith.minimumf %add3A_2001, %min3A_1914 : vector<16xf32>
        %select_n3A_2004 = arith.select %lt3A_2002, %add3A_1995, %select_n3A_1915 : vector<16xi1>, vector<16xi32>
        %mul3A_2005 = arith.mulf %get3A_139, %gather3A_1983 : vector<16xf32>
        %mul3A_2006 = arith.mulf %get3A_175, %gather3A_1986 : vector<16xf32>
        %add3A_2007 = arith.addf %mul3A_2005, %mul3A_2006 : vector<16xf32>
        %mul3A_2008 = arith.mulf %get3A_223, %gather3A_1989 : vector<16xf32>
        %add3A_2009 = arith.addf %add3A_2007, %mul3A_2008 : vector<16xf32>
        %add3A_2010 = arith.addf %add3A_2009, %gather3A_1992 : vector<16xf32>
        %lt3A_2011 = arith.cmpf olt, %add3A_2010, %min3A_1923 : vector<16xf32>
        %min3A_2012 = arith.minimumf %add3A_2010, %min3A_1923 : vector<16xf32>
        %select_n3A_2013 = arith.select %lt3A_2011, %add3A_1995, %select_n3A_1924 : vector<16xi1>, vector<16xi32>
        %mul3A_2014 = arith.mulf %get3A_143, %gather3A_1983 : vector<16xf32>
        %mul3A_2015 = arith.mulf %get3A_181, %gather3A_1986 : vector<16xf32>
        %add3A_2016 = arith.addf %mul3A_2014, %mul3A_2015 : vector<16xf32>
        %mul3A_2017 = arith.mulf %get3A_229, %gather3A_1989 : vector<16xf32>
        %add3A_2018 = arith.addf %add3A_2016, %mul3A_2017 : vector<16xf32>
        %add3A_2019 = arith.addf %add3A_2018, %gather3A_1992 : vector<16xf32>
        %lt3A_2020 = arith.cmpf olt, %add3A_2019, %min3A_1932 : vector<16xf32>
        %min3A_2021 = arith.minimumf %add3A_2019, %min3A_1932 : vector<16xf32>
        %select_n3A_2022 = arith.select %lt3A_2020, %add3A_1995, %select_n3A_1933 : vector<16xi1>, vector<16xi32>
        %mul3A_2023 = arith.mulf %get3A_147, %gather3A_1983 : vector<16xf32>
        %mul3A_2024 = arith.mulf %get3A_187, %gather3A_1986 : vector<16xf32>
        %add3A_2025 = arith.addf %mul3A_2023, %mul3A_2024 : vector<16xf32>
        %mul3A_2026 = arith.mulf %get3A_235, %gather3A_1989 : vector<16xf32>
        %add3A_2027 = arith.addf %add3A_2025, %mul3A_2026 : vector<16xf32>
        %add3A_2028 = arith.addf %add3A_2027, %gather3A_1992 : vector<16xf32>
        %lt3A_2029 = arith.cmpf olt, %add3A_2028, %min3A_1941 : vector<16xf32>
        %min3A_2030 = arith.minimumf %add3A_2028, %min3A_1941 : vector<16xf32>
        %select_n3A_2031 = arith.select %lt3A_2029, %add3A_1995, %select_n3A_1942 : vector<16xi1>, vector<16xi32>
        %mul3A_2032 = arith.mulf %get3A_151, %gather3A_1983 : vector<16xf32>
        %mul3A_2033 = arith.mulf %get3A_193, %gather3A_1986 : vector<16xf32>
        %add3A_2034 = arith.addf %mul3A_2032, %mul3A_2033 : vector<16xf32>
        %mul3A_2035 = arith.mulf %get3A_241, %gather3A_1989 : vector<16xf32>
        %add3A_2036 = arith.addf %add3A_2034, %mul3A_2035 : vector<16xf32>
        %add3A_2037 = arith.addf %add3A_2036, %gather3A_1992 : vector<16xf32>
        %lt3A_2038 = arith.cmpf olt, %add3A_2037, %min3A_1950 : vector<16xf32>
        %min3A_2039 = arith.minimumf %add3A_2037, %min3A_1950 : vector<16xf32>
        %select_n3A_2040 = arith.select %lt3A_2038, %add3A_1995, %select_n3A_1951 : vector<16xi1>, vector<16xi32>
        %mul3A_2041 = arith.mulf %get3A_155, %gather3A_1983 : vector<16xf32>
        %mul3A_2042 = arith.mulf %get3A_199, %gather3A_1986 : vector<16xf32>
        %add3A_2043 = arith.addf %mul3A_2041, %mul3A_2042 : vector<16xf32>
        %mul3A_2044 = arith.mulf %get3A_247, %gather3A_1989 : vector<16xf32>
        %add3A_2045 = arith.addf %add3A_2043, %mul3A_2044 : vector<16xf32>
        %add3A_2046 = arith.addf %add3A_2045, %gather3A_1992 : vector<16xf32>
        %lt3A_2047 = arith.cmpf olt, %add3A_2046, %min3A_1959 : vector<16xf32>
        %min3A_2048 = arith.minimumf %add3A_2046, %min3A_1959 : vector<16xf32>
        %select_n3A_2049 = arith.select %lt3A_2047, %add3A_1995, %select_n3A_1960 : vector<16xi1>, vector<16xi32>
        %mul3A_2050 = arith.mulf %get3A_159, %gather3A_1983 : vector<16xf32>
        %mul3A_2051 = arith.mulf %get3A_205, %gather3A_1986 : vector<16xf32>
        %add3A_2052 = arith.addf %mul3A_2050, %mul3A_2051 : vector<16xf32>
        %mul3A_2053 = arith.mulf %get3A_253, %gather3A_1989 : vector<16xf32>
        %add3A_2054 = arith.addf %add3A_2052, %mul3A_2053 : vector<16xf32>
        %add3A_2055 = arith.addf %add3A_2054, %gather3A_1992 : vector<16xf32>
        %lt3A_2056 = arith.cmpf olt, %add3A_2055, %min3A_1968 : vector<16xf32>
        %min3A_2057 = arith.minimumf %add3A_2055, %min3A_1968 : vector<16xf32>
        %select_n3A_2058 = arith.select %lt3A_2056, %add3A_1995, %select_n3A_1969 : vector<16xi1>, vector<16xi32>
        %mul3A_2059 = arith.mulf %get3A_163, %gather3A_1983 : vector<16xf32>
        %mul3A_2060 = arith.mulf %get3A_211, %gather3A_1986 : vector<16xf32>
        %add3A_2061 = arith.addf %mul3A_2059, %mul3A_2060 : vector<16xf32>
        %mul3A_2062 = arith.mulf %get3A_259, %gather3A_1989 : vector<16xf32>
        %add3A_2063 = arith.addf %add3A_2061, %mul3A_2062 : vector<16xf32>
        %add3A_2064 = arith.addf %add3A_2063, %gather3A_1992 : vector<16xf32>
        %lt3A_2065 = arith.cmpf olt, %add3A_2064, %min3A_1977 : vector<16xf32>
        %min3A_2066 = arith.minimumf %add3A_2064, %min3A_1977 : vector<16xf32>
        %select_n3A_2067 = arith.select %lt3A_2065, %add3A_1995, %select_n3A_1978 : vector<16xi1>, vector<16xi32>
        %broadcast_in_dim3A_2068 = arith.constant 15 : i32
        %broadcast_in_dim3A_2069 = vector.broadcast %broadcast_in_dim3A_2068 : i32 to vector<16xi32>
        %broadcast_in_dim3A_2070 = vector.shape_cast %broadcast_in_dim3A_2069 : vector<16xi32> to vector<16x1xi32>
        %gather3A_2071 = vector.shape_cast %broadcast_in_dim3A_2070 : vector<16x1xi32> to vector<16xi32>
        %gather3A_2072 = tpu.dynamic_gather %get3A_726[%gather3A_2071] in [0] : vector<16xf32>, vector<16xi32> -> vector<16xf32>
        %broadcast_in_dim3A_2073 = vector.shape_cast %broadcast_in_dim3A_2069 : vector<16xi32> to vector<16x1xi32>
        %gather3A_2074 = vector.shape_cast %broadcast_in_dim3A_2073 : vector<16x1xi32> to vector<16xi32>
        %gather3A_2075 = tpu.dynamic_gather %get3A_728[%gather3A_2074] in [0] : vector<16xf32>, vector<16xi32> -> vector<16xf32>
        %broadcast_in_dim3A_2076 = vector.shape_cast %broadcast_in_dim3A_2069 : vector<16xi32> to vector<16x1xi32>
        %gather3A_2077 = vector.shape_cast %broadcast_in_dim3A_2076 : vector<16x1xi32> to vector<16xi32>
        %gather3A_2078 = tpu.dynamic_gather %get3A_730[%gather3A_2077] in [0] : vector<16xf32>, vector<16xi32> -> vector<16xf32>
        %broadcast_in_dim3A_2079 = vector.shape_cast %broadcast_in_dim3A_2069 : vector<16xi32> to vector<16x1xi32>
        %gather3A_2080 = vector.shape_cast %broadcast_in_dim3A_2079 : vector<16x1xi32> to vector<16xi32>
        %gather3A_2081 = tpu.dynamic_gather %get3A_732[%gather3A_2080] in [0] : vector<16xf32>, vector<16xi32> -> vector<16xf32>
        %add3A_2082 = arith.constant 15 : i32
        %add3A_2083 = vector.broadcast %add3A_2082 : i32 to vector<16xi32>
        %add3A_2084 = arith.addi %broadcast_in_dim3A_733, %add3A_2083 : vector<16xi32>
        %mul3A_2085 = arith.mulf %get3A_135, %gather3A_2072 : vector<16xf32>
        %mul3A_2086 = arith.mulf %get3A_169, %gather3A_2075 : vector<16xf32>
        %add3A_2087 = arith.addf %mul3A_2085, %mul3A_2086 : vector<16xf32>
        %mul3A_2088 = arith.mulf %get3A_217, %gather3A_2078 : vector<16xf32>
        %add3A_2089 = arith.addf %add3A_2087, %mul3A_2088 : vector<16xf32>
        %add3A_2090 = arith.addf %add3A_2089, %gather3A_2081 : vector<16xf32>
        %lt3A_2091 = arith.cmpf olt, %add3A_2090, %min3A_2003 : vector<16xf32>
        %min3A_2092 = arith.minimumf %add3A_2090, %min3A_2003 : vector<16xf32>
        %select_n3A_2093 = arith.select %lt3A_2091, %add3A_2084, %select_n3A_2004 : vector<16xi1>, vector<16xi32>
        %mul3A_2094 = arith.mulf %get3A_139, %gather3A_2072 : vector<16xf32>
        %mul3A_2095 = arith.mulf %get3A_175, %gather3A_2075 : vector<16xf32>
        %add3A_2096 = arith.addf %mul3A_2094, %mul3A_2095 : vector<16xf32>
        %mul3A_2097 = arith.mulf %get3A_223, %gather3A_2078 : vector<16xf32>
        %add3A_2098 = arith.addf %add3A_2096, %mul3A_2097 : vector<16xf32>
        %add3A_2099 = arith.addf %add3A_2098, %gather3A_2081 : vector<16xf32>
        %lt3A_2100 = arith.cmpf olt, %add3A_2099, %min3A_2012 : vector<16xf32>
        %min3A_2101 = arith.minimumf %add3A_2099, %min3A_2012 : vector<16xf32>
        %select_n3A_2102 = arith.select %lt3A_2100, %add3A_2084, %select_n3A_2013 : vector<16xi1>, vector<16xi32>
        %mul3A_2103 = arith.mulf %get3A_143, %gather3A_2072 : vector<16xf32>
        %mul3A_2104 = arith.mulf %get3A_181, %gather3A_2075 : vector<16xf32>
        %add3A_2105 = arith.addf %mul3A_2103, %mul3A_2104 : vector<16xf32>
        %mul3A_2106 = arith.mulf %get3A_229, %gather3A_2078 : vector<16xf32>
        %add3A_2107 = arith.addf %add3A_2105, %mul3A_2106 : vector<16xf32>
        %add3A_2108 = arith.addf %add3A_2107, %gather3A_2081 : vector<16xf32>
        %lt3A_2109 = arith.cmpf olt, %add3A_2108, %min3A_2021 : vector<16xf32>
        %min3A_2110 = arith.minimumf %add3A_2108, %min3A_2021 : vector<16xf32>
        %select_n3A_2111 = arith.select %lt3A_2109, %add3A_2084, %select_n3A_2022 : vector<16xi1>, vector<16xi32>
        %mul3A_2112 = arith.mulf %get3A_147, %gather3A_2072 : vector<16xf32>
        %mul3A_2113 = arith.mulf %get3A_187, %gather3A_2075 : vector<16xf32>
        %add3A_2114 = arith.addf %mul3A_2112, %mul3A_2113 : vector<16xf32>
        %mul3A_2115 = arith.mulf %get3A_235, %gather3A_2078 : vector<16xf32>
        %add3A_2116 = arith.addf %add3A_2114, %mul3A_2115 : vector<16xf32>
        %add3A_2117 = arith.addf %add3A_2116, %gather3A_2081 : vector<16xf32>
        %lt3A_2118 = arith.cmpf olt, %add3A_2117, %min3A_2030 : vector<16xf32>
        %min3A_2119 = arith.minimumf %add3A_2117, %min3A_2030 : vector<16xf32>
        %select_n3A_2120 = arith.select %lt3A_2118, %add3A_2084, %select_n3A_2031 : vector<16xi1>, vector<16xi32>
        %mul3A_2121 = arith.mulf %get3A_151, %gather3A_2072 : vector<16xf32>
        %mul3A_2122 = arith.mulf %get3A_193, %gather3A_2075 : vector<16xf32>
        %add3A_2123 = arith.addf %mul3A_2121, %mul3A_2122 : vector<16xf32>
        %mul3A_2124 = arith.mulf %get3A_241, %gather3A_2078 : vector<16xf32>
        %add3A_2125 = arith.addf %add3A_2123, %mul3A_2124 : vector<16xf32>
        %add3A_2126 = arith.addf %add3A_2125, %gather3A_2081 : vector<16xf32>
        %lt3A_2127 = arith.cmpf olt, %add3A_2126, %min3A_2039 : vector<16xf32>
        %min3A_2128 = arith.minimumf %add3A_2126, %min3A_2039 : vector<16xf32>
        %select_n3A_2129 = arith.select %lt3A_2127, %add3A_2084, %select_n3A_2040 : vector<16xi1>, vector<16xi32>
        %mul3A_2130 = arith.mulf %get3A_155, %gather3A_2072 : vector<16xf32>
        %mul3A_2131 = arith.mulf %get3A_199, %gather3A_2075 : vector<16xf32>
        %add3A_2132 = arith.addf %mul3A_2130, %mul3A_2131 : vector<16xf32>
        %mul3A_2133 = arith.mulf %get3A_247, %gather3A_2078 : vector<16xf32>
        %add3A_2134 = arith.addf %add3A_2132, %mul3A_2133 : vector<16xf32>
        %add3A_2135 = arith.addf %add3A_2134, %gather3A_2081 : vector<16xf32>
        %lt3A_2136 = arith.cmpf olt, %add3A_2135, %min3A_2048 : vector<16xf32>
        %min3A_2137 = arith.minimumf %add3A_2135, %min3A_2048 : vector<16xf32>
        %select_n3A_2138 = arith.select %lt3A_2136, %add3A_2084, %select_n3A_2049 : vector<16xi1>, vector<16xi32>
        %mul3A_2139 = arith.mulf %get3A_159, %gather3A_2072 : vector<16xf32>
        %mul3A_2140 = arith.mulf %get3A_205, %gather3A_2075 : vector<16xf32>
        %add3A_2141 = arith.addf %mul3A_2139, %mul3A_2140 : vector<16xf32>
        %mul3A_2142 = arith.mulf %get3A_253, %gather3A_2078 : vector<16xf32>
        %add3A_2143 = arith.addf %add3A_2141, %mul3A_2142 : vector<16xf32>
        %add3A_2144 = arith.addf %add3A_2143, %gather3A_2081 : vector<16xf32>
        %lt3A_2145 = arith.cmpf olt, %add3A_2144, %min3A_2057 : vector<16xf32>
        %min3A_2146 = arith.minimumf %add3A_2144, %min3A_2057 : vector<16xf32>
        %select_n3A_2147 = arith.select %lt3A_2145, %add3A_2084, %select_n3A_2058 : vector<16xi1>, vector<16xi32>
        %mul3A_2148 = arith.mulf %get3A_163, %gather3A_2072 : vector<16xf32>
        %mul3A_2149 = arith.mulf %get3A_211, %gather3A_2075 : vector<16xf32>
        %add3A_2150 = arith.addf %mul3A_2148, %mul3A_2149 : vector<16xf32>
        %mul3A_2151 = arith.mulf %get3A_259, %gather3A_2078 : vector<16xf32>
        %add3A_2152 = arith.addf %add3A_2150, %mul3A_2151 : vector<16xf32>
        %add3A_2153 = arith.addf %add3A_2152, %gather3A_2081 : vector<16xf32>
        %lt3A_2154 = arith.cmpf olt, %add3A_2153, %min3A_2066 : vector<16xf32>
        %min3A_2155 = arith.minimumf %add3A_2153, %min3A_2066 : vector<16xf32>
        %select_n3A_2156 = arith.select %lt3A_2154, %add3A_2084, %select_n3A_2067 : vector<16xi1>, vector<16xi32>
        scf.yield %min3A_2092, %min3A_2101, %min3A_2110, %min3A_2119, %min3A_2128, %min3A_2137, %min3A_2146, %min3A_2155, %select_n3A_2093, %select_n3A_2102, %select_n3A_2111, %select_n3A_2120, %select_n3A_2129, %select_n3A_2138, %select_n3A_2147, %select_n3A_2156 : vector<16xf32>, vector<16xf32>, vector<16xf32>, vector<16xf32>, vector<16xf32>, vector<16xf32>, vector<16xf32>, vector<16xf32>, vector<16xi32>, vector<16xi32>, vector<16xi32>, vector<16xi32>, vector<16xi32>, vector<16xi32>, vector<16xi32>, vector<16xi32>
      }
      %scan3A_297 = arith.constant 32 : i32
      %gather3A_298 = tpu.vector_load_idx %arg7[%scan3A_296#8] : memref<1536xf32, #tpu.memory_space<vmem>>[vector<16xi32>], vector<16xf32>,
      %add3A_299 = arith.constant 512 : i32
      %add3A_300 = vector.broadcast %add3A_299 : i32 to vector<16xi32>
      %add3A_301 = arith.addi %scan3A_296#8, %add3A_300 : vector<16xi32>
      %gather3A_302 = tpu.vector_load_idx %arg7[%add3A_301] : memref<1536xf32, #tpu.memory_space<vmem>>[vector<16xi32>], vector<16xf32>,
      %add3A_303 = arith.constant 1024 : i32
      %add3A_304 = vector.broadcast %add3A_303 : i32 to vector<16xi32>
      %add3A_305 = arith.addi %scan3A_296#8, %add3A_304 : vector<16xi32>
      %gather3A_306 = tpu.vector_load_idx %arg7[%add3A_305] : memref<1536xf32, #tpu.memory_space<vmem>>[vector<16xi32>], vector<16xf32>,
      %sub3A_307 = arith.subf %get3A_135, %gather3A_298 : vector<16xf32>
      %abs3A_308 = math.absf %sub3A_307 : vector<16xf32>
      %lt3A_309 = arith.constant 1.000000e+00 : f32
      %lt3A_310 = vector.broadcast %lt3A_309 : f32 to vector<16xf32>
      %lt3A_311 = arith.cmpf olt, %abs3A_308, %lt3A_310 : vector<16xf32>
      %mul3A_312 = arith.constant 5.000000e-01 : f32
      %mul3A_313 = vector.broadcast %mul3A_312 : f32 to vector<16xf32>
      %mul3A_314 = arith.mulf %mul3A_313, %sub3A_307 : vector<16xf32>
      %mul3A_315 = arith.mulf %mul3A_314, %sub3A_307 : vector<16xf32>
      %sub3A_316 = arith.constant 5.000000e-01 : f32
      %sub3A_317 = vector.broadcast %sub3A_316 : f32 to vector<16xf32>
      %sub3A_318 = arith.subf %abs3A_308, %sub3A_317 : vector<16xf32>
      %select_n3A_319 = arith.select %lt3A_311, %mul3A_315, %sub3A_318 : vector<16xi1>, vector<16xf32>
      %add3A_320 = arith.addf %scan3A_130, %select_n3A_319 : vector<16xf32>
      %sub3A_321 = arith.subf %get3A_169, %gather3A_302 : vector<16xf32>
      %abs3A_322 = math.absf %sub3A_321 : vector<16xf32>
      %lt3A_323 = arith.constant 1.000000e+00 : f32
      %lt3A_324 = vector.broadcast %lt3A_323 : f32 to vector<16xf32>
      %lt3A_325 = arith.cmpf olt, %abs3A_322, %lt3A_324 : vector<16xf32>
      %mul3A_326 = arith.constant 5.000000e-01 : f32
      %mul3A_327 = vector.broadcast %mul3A_326 : f32 to vector<16xf32>
      %mul3A_328 = arith.mulf %mul3A_327, %sub3A_321 : vector<16xf32>
      %mul3A_329 = arith.mulf %mul3A_328, %sub3A_321 : vector<16xf32>
      %sub3A_330 = arith.constant 5.000000e-01 : f32
      %sub3A_331 = vector.broadcast %sub3A_330 : f32 to vector<16xf32>
      %sub3A_332 = arith.subf %abs3A_322, %sub3A_331 : vector<16xf32>
      %select_n3A_333 = arith.select %lt3A_325, %mul3A_329, %sub3A_332 : vector<16xi1>, vector<16xf32>
      %add3A_334 = arith.addf %add3A_320, %select_n3A_333 : vector<16xf32>
      %sub3A_335 = arith.subf %get3A_217, %gather3A_306 : vector<16xf32>
      %abs3A_336 = math.absf %sub3A_335 : vector<16xf32>
      %lt3A_337 = arith.constant 1.000000e+00 : f32
      %lt3A_338 = vector.broadcast %lt3A_337 : f32 to vector<16xf32>
      %lt3A_339 = arith.cmpf olt, %abs3A_336, %lt3A_338 : vector<16xf32>
      %mul3A_340 = arith.constant 5.000000e-01 : f32
      %mul3A_341 = vector.broadcast %mul3A_340 : f32 to vector<16xf32>
      %mul3A_342 = arith.mulf %mul3A_341, %sub3A_335 : vector<16xf32>
      %mul3A_343 = arith.mulf %mul3A_342, %sub3A_335 : vector<16xf32>
      %sub3A_344 = arith.constant 5.000000e-01 : f32
      %sub3A_345 = vector.broadcast %sub3A_344 : f32 to vector<16xf32>
      %sub3A_346 = arith.subf %abs3A_336, %sub3A_345 : vector<16xf32>
      %select_n3A_347 = arith.select %lt3A_339, %mul3A_343, %sub3A_346 : vector<16xi1>, vector<16xf32>
      %add3A_348 = arith.addf %add3A_334, %select_n3A_347 : vector<16xf32>
      %gather3A_349 = tpu.vector_load_idx %arg7[%scan3A_296#9] : memref<1536xf32, #tpu.memory_space<vmem>>[vector<16xi32>], vector<16xf32>,
      %add3A_350 = arith.constant 512 : i32
      %add3A_351 = vector.broadcast %add3A_350 : i32 to vector<16xi32>
      %add3A_352 = arith.addi %scan3A_296#9, %add3A_351 : vector<16xi32>
      %gather3A_353 = tpu.vector_load_idx %arg7[%add3A_352] : memref<1536xf32, #tpu.memory_space<vmem>>[vector<16xi32>], vector<16xf32>,
      %add3A_354 = arith.constant 1024 : i32
      %add3A_355 = vector.broadcast %add3A_354 : i32 to vector<16xi32>
      %add3A_356 = arith.addi %scan3A_296#9, %add3A_355 : vector<16xi32>
      %gather3A_357 = tpu.vector_load_idx %arg7[%add3A_356] : memref<1536xf32, #tpu.memory_space<vmem>>[vector<16xi32>], vector<16xf32>,
      %sub3A_358 = arith.subf %get3A_139, %gather3A_349 : vector<16xf32>
      %abs3A_359 = math.absf %sub3A_358 : vector<16xf32>
      %lt3A_360 = arith.constant 1.000000e+00 : f32
      %lt3A_361 = vector.broadcast %lt3A_360 : f32 to vector<16xf32>
      %lt3A_362 = arith.cmpf olt, %abs3A_359, %lt3A_361 : vector<16xf32>
      %mul3A_363 = arith.constant 5.000000e-01 : f32
      %mul3A_364 = vector.broadcast %mul3A_363 : f32 to vector<16xf32>
      %mul3A_365 = arith.mulf %mul3A_364, %sub3A_358 : vector<16xf32>
      %mul3A_366 = arith.mulf %mul3A_365, %sub3A_358 : vector<16xf32>
      %sub3A_367 = arith.constant 5.000000e-01 : f32
      %sub3A_368 = vector.broadcast %sub3A_367 : f32 to vector<16xf32>
      %sub3A_369 = arith.subf %abs3A_359, %sub3A_368 : vector<16xf32>
      %select_n3A_370 = arith.select %lt3A_362, %mul3A_366, %sub3A_369 : vector<16xi1>, vector<16xf32>
      %add3A_371 = arith.addf %add3A_348, %select_n3A_370 : vector<16xf32>
      %sub3A_372 = arith.subf %get3A_175, %gather3A_353 : vector<16xf32>
      %abs3A_373 = math.absf %sub3A_372 : vector<16xf32>
      %lt3A_374 = arith.constant 1.000000e+00 : f32
      %lt3A_375 = vector.broadcast %lt3A_374 : f32 to vector<16xf32>
      %lt3A_376 = arith.cmpf olt, %abs3A_373, %lt3A_375 : vector<16xf32>
      %mul3A_377 = arith.constant 5.000000e-01 : f32
      %mul3A_378 = vector.broadcast %mul3A_377 : f32 to vector<16xf32>
      %mul3A_379 = arith.mulf %mul3A_378, %sub3A_372 : vector<16xf32>
      %mul3A_380 = arith.mulf %mul3A_379, %sub3A_372 : vector<16xf32>
      %sub3A_381 = arith.constant 5.000000e-01 : f32
      %sub3A_382 = vector.broadcast %sub3A_381 : f32 to vector<16xf32>
      %sub3A_383 = arith.subf %abs3A_373, %sub3A_382 : vector<16xf32>
      %select_n3A_384 = arith.select %lt3A_376, %mul3A_380, %sub3A_383 : vector<16xi1>, vector<16xf32>
      %add3A_385 = arith.addf %add3A_371, %select_n3A_384 : vector<16xf32>
      %sub3A_386 = arith.subf %get3A_223, %gather3A_357 : vector<16xf32>
      %abs3A_387 = math.absf %sub3A_386 : vector<16xf32>
      %lt3A_388 = arith.constant 1.000000e+00 : f32
      %lt3A_389 = vector.broadcast %lt3A_388 : f32 to vector<16xf32>
      %lt3A_390 = arith.cmpf olt, %abs3A_387, %lt3A_389 : vector<16xf32>
      %mul3A_391 = arith.constant 5.000000e-01 : f32
      %mul3A_392 = vector.broadcast %mul3A_391 : f32 to vector<16xf32>
      %mul3A_393 = arith.mulf %mul3A_392, %sub3A_386 : vector<16xf32>
      %mul3A_394 = arith.mulf %mul3A_393, %sub3A_386 : vector<16xf32>
      %sub3A_395 = arith.constant 5.000000e-01 : f32
      %sub3A_396 = vector.broadcast %sub3A_395 : f32 to vector<16xf32>
      %sub3A_397 = arith.subf %abs3A_387, %sub3A_396 : vector<16xf32>
      %select_n3A_398 = arith.select %lt3A_390, %mul3A_394, %sub3A_397 : vector<16xi1>, vector<16xf32>
      %add3A_399 = arith.addf %add3A_385, %select_n3A_398 : vector<16xf32>
      %gather3A_400 = tpu.vector_load_idx %arg7[%scan3A_296#10] : memref<1536xf32, #tpu.memory_space<vmem>>[vector<16xi32>], vector<16xf32>,
      %add3A_401 = arith.constant 512 : i32
      %add3A_402 = vector.broadcast %add3A_401 : i32 to vector<16xi32>
      %add3A_403 = arith.addi %scan3A_296#10, %add3A_402 : vector<16xi32>
      %gather3A_404 = tpu.vector_load_idx %arg7[%add3A_403] : memref<1536xf32, #tpu.memory_space<vmem>>[vector<16xi32>], vector<16xf32>,
      %add3A_405 = arith.constant 1024 : i32
      %add3A_406 = vector.broadcast %add3A_405 : i32 to vector<16xi32>
      %add3A_407 = arith.addi %scan3A_296#10, %add3A_406 : vector<16xi32>
      %gather3A_408 = tpu.vector_load_idx %arg7[%add3A_407] : memref<1536xf32, #tpu.memory_space<vmem>>[vector<16xi32>], vector<16xf32>,
      %sub3A_409 = arith.subf %get3A_143, %gather3A_400 : vector<16xf32>
      %abs3A_410 = math.absf %sub3A_409 : vector<16xf32>
      %lt3A_411 = arith.constant 1.000000e+00 : f32
      %lt3A_412 = vector.broadcast %lt3A_411 : f32 to vector<16xf32>
      %lt3A_413 = arith.cmpf olt, %abs3A_410, %lt3A_412 : vector<16xf32>
      %mul3A_414 = arith.constant 5.000000e-01 : f32
      %mul3A_415 = vector.broadcast %mul3A_414 : f32 to vector<16xf32>
      %mul3A_416 = arith.mulf %mul3A_415, %sub3A_409 : vector<16xf32>
      %mul3A_417 = arith.mulf %mul3A_416, %sub3A_409 : vector<16xf32>
      %sub3A_418 = arith.constant 5.000000e-01 : f32
      %sub3A_419 = vector.broadcast %sub3A_418 : f32 to vector<16xf32>
      %sub3A_420 = arith.subf %abs3A_410, %sub3A_419 : vector<16xf32>
      %select_n3A_421 = arith.select %lt3A_413, %mul3A_417, %sub3A_420 : vector<16xi1>, vector<16xf32>
      %add3A_422 = arith.addf %add3A_399, %select_n3A_421 : vector<16xf32>
      %sub3A_423 = arith.subf %get3A_181, %gather3A_404 : vector<16xf32>
      %abs3A_424 = math.absf %sub3A_423 : vector<16xf32>
      %lt3A_425 = arith.constant 1.000000e+00 : f32
      %lt3A_426 = vector.broadcast %lt3A_425 : f32 to vector<16xf32>
      %lt3A_427 = arith.cmpf olt, %abs3A_424, %lt3A_426 : vector<16xf32>
      %mul3A_428 = arith.constant 5.000000e-01 : f32
      %mul3A_429 = vector.broadcast %mul3A_428 : f32 to vector<16xf32>
      %mul3A_430 = arith.mulf %mul3A_429, %sub3A_423 : vector<16xf32>
      %mul3A_431 = arith.mulf %mul3A_430, %sub3A_423 : vector<16xf32>
      %sub3A_432 = arith.constant 5.000000e-01 : f32
      %sub3A_433 = vector.broadcast %sub3A_432 : f32 to vector<16xf32>
      %sub3A_434 = arith.subf %abs3A_424, %sub3A_433 : vector<16xf32>
      %select_n3A_435 = arith.select %lt3A_427, %mul3A_431, %sub3A_434 : vector<16xi1>, vector<16xf32>
      %add3A_436 = arith.addf %add3A_422, %select_n3A_435 : vector<16xf32>
      %sub3A_437 = arith.subf %get3A_229, %gather3A_408 : vector<16xf32>
      %abs3A_438 = math.absf %sub3A_437 : vector<16xf32>
      %lt3A_439 = arith.constant 1.000000e+00 : f32
      %lt3A_440 = vector.broadcast %lt3A_439 : f32 to vector<16xf32>
      %lt3A_441 = arith.cmpf olt, %abs3A_438, %lt3A_440 : vector<16xf32>
      %mul3A_442 = arith.constant 5.000000e-01 : f32
      %mul3A_443 = vector.broadcast %mul3A_442 : f32 to vector<16xf32>
      %mul3A_444 = arith.mulf %mul3A_443, %sub3A_437 : vector<16xf32>
      %mul3A_445 = arith.mulf %mul3A_444, %sub3A_437 : vector<16xf32>
      %sub3A_446 = arith.constant 5.000000e-01 : f32
      %sub3A_447 = vector.broadcast %sub3A_446 : f32 to vector<16xf32>
      %sub3A_448 = arith.subf %abs3A_438, %sub3A_447 : vector<16xf32>
      %select_n3A_449 = arith.select %lt3A_441, %mul3A_445, %sub3A_448 : vector<16xi1>, vector<16xf32>
      %add3A_450 = arith.addf %add3A_436, %select_n3A_449 : vector<16xf32>
      %gather3A_451 = tpu.vector_load_idx %arg7[%scan3A_296#11] : memref<1536xf32, #tpu.memory_space<vmem>>[vector<16xi32>], vector<16xf32>,
      %add3A_452 = arith.constant 512 : i32
      %add3A_453 = vector.broadcast %add3A_452 : i32 to vector<16xi32>
      %add3A_454 = arith.addi %scan3A_296#11, %add3A_453 : vector<16xi32>
      %gather3A_455 = tpu.vector_load_idx %arg7[%add3A_454] : memref<1536xf32, #tpu.memory_space<vmem>>[vector<16xi32>], vector<16xf32>,
      %add3A_456 = arith.constant 1024 : i32
      %add3A_457 = vector.broadcast %add3A_456 : i32 to vector<16xi32>
      %add3A_458 = arith.addi %scan3A_296#11, %add3A_457 : vector<16xi32>
      %gather3A_459 = tpu.vector_load_idx %arg7[%add3A_458] : memref<1536xf32, #tpu.memory_space<vmem>>[vector<16xi32>], vector<16xf32>,
      %sub3A_460 = arith.subf %get3A_147, %gather3A_451 : vector<16xf32>
      %abs3A_461 = math.absf %sub3A_460 : vector<16xf32>
      %lt3A_462 = arith.constant 1.000000e+00 : f32
      %lt3A_463 = vector.broadcast %lt3A_462 : f32 to vector<16xf32>
      %lt3A_464 = arith.cmpf olt, %abs3A_461, %lt3A_463 : vector<16xf32>
      %mul3A_465 = arith.constant 5.000000e-01 : f32
      %mul3A_466 = vector.broadcast %mul3A_465 : f32 to vector<16xf32>
      %mul3A_467 = arith.mulf %mul3A_466, %sub3A_460 : vector<16xf32>
      %mul3A_468 = arith.mulf %mul3A_467, %sub3A_460 : vector<16xf32>
      %sub3A_469 = arith.constant 5.000000e-01 : f32
      %sub3A_470 = vector.broadcast %sub3A_469 : f32 to vector<16xf32>
      %sub3A_471 = arith.subf %abs3A_461, %sub3A_470 : vector<16xf32>
      %select_n3A_472 = arith.select %lt3A_464, %mul3A_468, %sub3A_471 : vector<16xi1>, vector<16xf32>
      %add3A_473 = arith.addf %add3A_450, %select_n3A_472 : vector<16xf32>
      %sub3A_474 = arith.subf %get3A_187, %gather3A_455 : vector<16xf32>
      %abs3A_475 = math.absf %sub3A_474 : vector<16xf32>
      %lt3A_476 = arith.constant 1.000000e+00 : f32
      %lt3A_477 = vector.broadcast %lt3A_476 : f32 to vector<16xf32>
      %lt3A_478 = arith.cmpf olt, %abs3A_475, %lt3A_477 : vector<16xf32>
      %mul3A_479 = arith.constant 5.000000e-01 : f32
      %mul3A_480 = vector.broadcast %mul3A_479 : f32 to vector<16xf32>
      %mul3A_481 = arith.mulf %mul3A_480, %sub3A_474 : vector<16xf32>
      %mul3A_482 = arith.mulf %mul3A_481, %sub3A_474 : vector<16xf32>
      %sub3A_483 = arith.constant 5.000000e-01 : f32
      %sub3A_484 = vector.broadcast %sub3A_483 : f32 to vector<16xf32>
      %sub3A_485 = arith.subf %abs3A_475, %sub3A_484 : vector<16xf32>
      %select_n3A_486 = arith.select %lt3A_478, %mul3A_482, %sub3A_485 : vector<16xi1>, vector<16xf32>
      %add3A_487 = arith.addf %add3A_473, %select_n3A_486 : vector<16xf32>
      %sub3A_488 = arith.subf %get3A_235, %gather3A_459 : vector<16xf32>
      %abs3A_489 = math.absf %sub3A_488 : vector<16xf32>
      %lt3A_490 = arith.constant 1.000000e+00 : f32
      %lt3A_491 = vector.broadcast %lt3A_490 : f32 to vector<16xf32>
      %lt3A_492 = arith.cmpf olt, %abs3A_489, %lt3A_491 : vector<16xf32>
      %mul3A_493 = arith.constant 5.000000e-01 : f32
      %mul3A_494 = vector.broadcast %mul3A_493 : f32 to vector<16xf32>
      %mul3A_495 = arith.mulf %mul3A_494, %sub3A_488 : vector<16xf32>
      %mul3A_496 = arith.mulf %mul3A_495, %sub3A_488 : vector<16xf32>
      %sub3A_497 = arith.constant 5.000000e-01 : f32
      %sub3A_498 = vector.broadcast %sub3A_497 : f32 to vector<16xf32>
      %sub3A_499 = arith.subf %abs3A_489, %sub3A_498 : vector<16xf32>
      %select_n3A_500 = arith.select %lt3A_492, %mul3A_496, %sub3A_499 : vector<16xi1>, vector<16xf32>
      %add3A_501 = arith.addf %add3A_487, %select_n3A_500 : vector<16xf32>
      %gather3A_502 = tpu.vector_load_idx %arg7[%scan3A_296#12] : memref<1536xf32, #tpu.memory_space<vmem>>[vector<16xi32>], vector<16xf32>,
      %add3A_503 = arith.constant 512 : i32
      %add3A_504 = vector.broadcast %add3A_503 : i32 to vector<16xi32>
      %add3A_505 = arith.addi %scan3A_296#12, %add3A_504 : vector<16xi32>
      %gather3A_506 = tpu.vector_load_idx %arg7[%add3A_505] : memref<1536xf32, #tpu.memory_space<vmem>>[vector<16xi32>], vector<16xf32>,
      %add3A_507 = arith.constant 1024 : i32
      %add3A_508 = vector.broadcast %add3A_507 : i32 to vector<16xi32>
      %add3A_509 = arith.addi %scan3A_296#12, %add3A_508 : vector<16xi32>
      %gather3A_510 = tpu.vector_load_idx %arg7[%add3A_509] : memref<1536xf32, #tpu.memory_space<vmem>>[vector<16xi32>], vector<16xf32>,
      %sub3A_511 = arith.subf %get3A_151, %gather3A_502 : vector<16xf32>
      %abs3A_512 = math.absf %sub3A_511 : vector<16xf32>
      %lt3A_513 = arith.constant 1.000000e+00 : f32
      %lt3A_514 = vector.broadcast %lt3A_513 : f32 to vector<16xf32>
      %lt3A_515 = arith.cmpf olt, %abs3A_512, %lt3A_514 : vector<16xf32>
      %mul3A_516 = arith.constant 5.000000e-01 : f32
      %mul3A_517 = vector.broadcast %mul3A_516 : f32 to vector<16xf32>
      %mul3A_518 = arith.mulf %mul3A_517, %sub3A_511 : vector<16xf32>
      %mul3A_519 = arith.mulf %mul3A_518, %sub3A_511 : vector<16xf32>
      %sub3A_520 = arith.constant 5.000000e-01 : f32
      %sub3A_521 = vector.broadcast %sub3A_520 : f32 to vector<16xf32>
      %sub3A_522 = arith.subf %abs3A_512, %sub3A_521 : vector<16xf32>
      %select_n3A_523 = arith.select %lt3A_515, %mul3A_519, %sub3A_522 : vector<16xi1>, vector<16xf32>
      %add3A_524 = arith.addf %add3A_501, %select_n3A_523 : vector<16xf32>
      %sub3A_525 = arith.subf %get3A_193, %gather3A_506 : vector<16xf32>
      %abs3A_526 = math.absf %sub3A_525 : vector<16xf32>
      %lt3A_527 = arith.constant 1.000000e+00 : f32
      %lt3A_528 = vector.broadcast %lt3A_527 : f32 to vector<16xf32>
      %lt3A_529 = arith.cmpf olt, %abs3A_526, %lt3A_528 : vector<16xf32>
      %mul3A_530 = arith.constant 5.000000e-01 : f32
      %mul3A_531 = vector.broadcast %mul3A_530 : f32 to vector<16xf32>
      %mul3A_532 = arith.mulf %mul3A_531, %sub3A_525 : vector<16xf32>
      %mul3A_533 = arith.mulf %mul3A_532, %sub3A_525 : vector<16xf32>
      %sub3A_534 = arith.constant 5.000000e-01 : f32
      %sub3A_535 = vector.broadcast %sub3A_534 : f32 to vector<16xf32>
      %sub3A_536 = arith.subf %abs3A_526, %sub3A_535 : vector<16xf32>
      %select_n3A_537 = arith.select %lt3A_529, %mul3A_533, %sub3A_536 : vector<16xi1>, vector<16xf32>
      %add3A_538 = arith.addf %add3A_524, %select_n3A_537 : vector<16xf32>
      %sub3A_539 = arith.subf %get3A_241, %gather3A_510 : vector<16xf32>
      %abs3A_540 = math.absf %sub3A_539 : vector<16xf32>
      %lt3A_541 = arith.constant 1.000000e+00 : f32
      %lt3A_542 = vector.broadcast %lt3A_541 : f32 to vector<16xf32>
      %lt3A_543 = arith.cmpf olt, %abs3A_540, %lt3A_542 : vector<16xf32>
      %mul3A_544 = arith.constant 5.000000e-01 : f32
      %mul3A_545 = vector.broadcast %mul3A_544 : f32 to vector<16xf32>
      %mul3A_546 = arith.mulf %mul3A_545, %sub3A_539 : vector<16xf32>
      %mul3A_547 = arith.mulf %mul3A_546, %sub3A_539 : vector<16xf32>
      %sub3A_548 = arith.constant 5.000000e-01 : f32
      %sub3A_549 = vector.broadcast %sub3A_548 : f32 to vector<16xf32>
      %sub3A_550 = arith.subf %abs3A_540, %sub3A_549 : vector<16xf32>
      %select_n3A_551 = arith.select %lt3A_543, %mul3A_547, %sub3A_550 : vector<16xi1>, vector<16xf32>
      %add3A_552 = arith.addf %add3A_538, %select_n3A_551 : vector<16xf32>
      %gather3A_553 = tpu.vector_load_idx %arg7[%scan3A_296#13] : memref<1536xf32, #tpu.memory_space<vmem>>[vector<16xi32>], vector<16xf32>,
      %add3A_554 = arith.constant 512 : i32
      %add3A_555 = vector.broadcast %add3A_554 : i32 to vector<16xi32>
      %add3A_556 = arith.addi %scan3A_296#13, %add3A_555 : vector<16xi32>
      %gather3A_557 = tpu.vector_load_idx %arg7[%add3A_556] : memref<1536xf32, #tpu.memory_space<vmem>>[vector<16xi32>], vector<16xf32>,
      %add3A_558 = arith.constant 1024 : i32
      %add3A_559 = vector.broadcast %add3A_558 : i32 to vector<16xi32>
      %add3A_560 = arith.addi %scan3A_296#13, %add3A_559 : vector<16xi32>
      %gather3A_561 = tpu.vector_load_idx %arg7[%add3A_560] : memref<1536xf32, #tpu.memory_space<vmem>>[vector<16xi32>], vector<16xf32>,
      %sub3A_562 = arith.subf %get3A_155, %gather3A_553 : vector<16xf32>
      %abs3A_563 = math.absf %sub3A_562 : vector<16xf32>
      %lt3A_564 = arith.constant 1.000000e+00 : f32
      %lt3A_565 = vector.broadcast %lt3A_564 : f32 to vector<16xf32>
      %lt3A_566 = arith.cmpf olt, %abs3A_563, %lt3A_565 : vector<16xf32>
      %mul3A_567 = arith.constant 5.000000e-01 : f32
      %mul3A_568 = vector.broadcast %mul3A_567 : f32 to vector<16xf32>
      %mul3A_569 = arith.mulf %mul3A_568, %sub3A_562 : vector<16xf32>
      %mul3A_570 = arith.mulf %mul3A_569, %sub3A_562 : vector<16xf32>
      %sub3A_571 = arith.constant 5.000000e-01 : f32
      %sub3A_572 = vector.broadcast %sub3A_571 : f32 to vector<16xf32>
      %sub3A_573 = arith.subf %abs3A_563, %sub3A_572 : vector<16xf32>
      %select_n3A_574 = arith.select %lt3A_566, %mul3A_570, %sub3A_573 : vector<16xi1>, vector<16xf32>
      %add3A_575 = arith.addf %add3A_552, %select_n3A_574 : vector<16xf32>
      %sub3A_576 = arith.subf %get3A_199, %gather3A_557 : vector<16xf32>
      %abs3A_577 = math.absf %sub3A_576 : vector<16xf32>
      %lt3A_578 = arith.constant 1.000000e+00 : f32
      %lt3A_579 = vector.broadcast %lt3A_578 : f32 to vector<16xf32>
      %lt3A_580 = arith.cmpf olt, %abs3A_577, %lt3A_579 : vector<16xf32>
      %mul3A_581 = arith.constant 5.000000e-01 : f32
      %mul3A_582 = vector.broadcast %mul3A_581 : f32 to vector<16xf32>
      %mul3A_583 = arith.mulf %mul3A_582, %sub3A_576 : vector<16xf32>
      %mul3A_584 = arith.mulf %mul3A_583, %sub3A_576 : vector<16xf32>
      %sub3A_585 = arith.constant 5.000000e-01 : f32
      %sub3A_586 = vector.broadcast %sub3A_585 : f32 to vector<16xf32>
      %sub3A_587 = arith.subf %abs3A_577, %sub3A_586 : vector<16xf32>
      %select_n3A_588 = arith.select %lt3A_580, %mul3A_584, %sub3A_587 : vector<16xi1>, vector<16xf32>
      %add3A_589 = arith.addf %add3A_575, %select_n3A_588 : vector<16xf32>
      %sub3A_590 = arith.subf %get3A_247, %gather3A_561 : vector<16xf32>
      %abs3A_591 = math.absf %sub3A_590 : vector<16xf32>
      %lt3A_592 = arith.constant 1.000000e+00 : f32
      %lt3A_593 = vector.broadcast %lt3A_592 : f32 to vector<16xf32>
      %lt3A_594 = arith.cmpf olt, %abs3A_591, %lt3A_593 : vector<16xf32>
      %mul3A_595 = arith.constant 5.000000e-01 : f32
      %mul3A_596 = vector.broadcast %mul3A_595 : f32 to vector<16xf32>
      %mul3A_597 = arith.mulf %mul3A_596, %sub3A_590 : vector<16xf32>
      %mul3A_598 = arith.mulf %mul3A_597, %sub3A_590 : vector<16xf32>
      %sub3A_599 = arith.constant 5.000000e-01 : f32
      %sub3A_600 = vector.broadcast %sub3A_599 : f32 to vector<16xf32>
      %sub3A_601 = arith.subf %abs3A_591, %sub3A_600 : vector<16xf32>
      %select_n3A_602 = arith.select %lt3A_594, %mul3A_598, %sub3A_601 : vector<16xi1>, vector<16xf32>
      %add3A_603 = arith.addf %add3A_589, %select_n3A_602 : vector<16xf32>
      %gather3A_604 = tpu.vector_load_idx %arg7[%scan3A_296#14] : memref<1536xf32, #tpu.memory_space<vmem>>[vector<16xi32>], vector<16xf32>,
      %add3A_605 = arith.constant 512 : i32
      %add3A_606 = vector.broadcast %add3A_605 : i32 to vector<16xi32>
      %add3A_607 = arith.addi %scan3A_296#14, %add3A_606 : vector<16xi32>
      %gather3A_608 = tpu.vector_load_idx %arg7[%add3A_607] : memref<1536xf32, #tpu.memory_space<vmem>>[vector<16xi32>], vector<16xf32>,
      %add3A_609 = arith.constant 1024 : i32
      %add3A_610 = vector.broadcast %add3A_609 : i32 to vector<16xi32>
      %add3A_611 = arith.addi %scan3A_296#14, %add3A_610 : vector<16xi32>
      %gather3A_612 = tpu.vector_load_idx %arg7[%add3A_611] : memref<1536xf32, #tpu.memory_space<vmem>>[vector<16xi32>], vector<16xf32>,
      %sub3A_613 = arith.subf %get3A_159, %gather3A_604 : vector<16xf32>
      %abs3A_614 = math.absf %sub3A_613 : vector<16xf32>
      %lt3A_615 = arith.constant 1.000000e+00 : f32
      %lt3A_616 = vector.broadcast %lt3A_615 : f32 to vector<16xf32>
      %lt3A_617 = arith.cmpf olt, %abs3A_614, %lt3A_616 : vector<16xf32>
      %mul3A_618 = arith.constant 5.000000e-01 : f32
      %mul3A_619 = vector.broadcast %mul3A_618 : f32 to vector<16xf32>
      %mul3A_620 = arith.mulf %mul3A_619, %sub3A_613 : vector<16xf32>
      %mul3A_621 = arith.mulf %mul3A_620, %sub3A_613 : vector<16xf32>
      %sub3A_622 = arith.constant 5.000000e-01 : f32
      %sub3A_623 = vector.broadcast %sub3A_622 : f32 to vector<16xf32>
      %sub3A_624 = arith.subf %abs3A_614, %sub3A_623 : vector<16xf32>
      %select_n3A_625 = arith.select %lt3A_617, %mul3A_621, %sub3A_624 : vector<16xi1>, vector<16xf32>
      %add3A_626 = arith.addf %add3A_603, %select_n3A_625 : vector<16xf32>
      %sub3A_627 = arith.subf %get3A_205, %gather3A_608 : vector<16xf32>
      %abs3A_628 = math.absf %sub3A_627 : vector<16xf32>
      %lt3A_629 = arith.constant 1.000000e+00 : f32
      %lt3A_630 = vector.broadcast %lt3A_629 : f32 to vector<16xf32>
      %lt3A_631 = arith.cmpf olt, %abs3A_628, %lt3A_630 : vector<16xf32>
      %mul3A_632 = arith.constant 5.000000e-01 : f32
      %mul3A_633 = vector.broadcast %mul3A_632 : f32 to vector<16xf32>
      %mul3A_634 = arith.mulf %mul3A_633, %sub3A_627 : vector<16xf32>
      %mul3A_635 = arith.mulf %mul3A_634, %sub3A_627 : vector<16xf32>
      %sub3A_636 = arith.constant 5.000000e-01 : f32
      %sub3A_637 = vector.broadcast %sub3A_636 : f32 to vector<16xf32>
      %sub3A_638 = arith.subf %abs3A_628, %sub3A_637 : vector<16xf32>
      %select_n3A_639 = arith.select %lt3A_631, %mul3A_635, %sub3A_638 : vector<16xi1>, vector<16xf32>
      %add3A_640 = arith.addf %add3A_626, %select_n3A_639 : vector<16xf32>
      %sub3A_641 = arith.subf %get3A_253, %gather3A_612 : vector<16xf32>
      %abs3A_642 = math.absf %sub3A_641 : vector<16xf32>
      %lt3A_643 = arith.constant 1.000000e+00 : f32
      %lt3A_644 = vector.broadcast %lt3A_643 : f32 to vector<16xf32>
      %lt3A_645 = arith.cmpf olt, %abs3A_642, %lt3A_644 : vector<16xf32>
      %mul3A_646 = arith.constant 5.000000e-01 : f32
      %mul3A_647 = vector.broadcast %mul3A_646 : f32 to vector<16xf32>
      %mul3A_648 = arith.mulf %mul3A_647, %sub3A_641 : vector<16xf32>
      %mul3A_649 = arith.mulf %mul3A_648, %sub3A_641 : vector<16xf32>
      %sub3A_650 = arith.constant 5.000000e-01 : f32
      %sub3A_651 = vector.broadcast %sub3A_650 : f32 to vector<16xf32>
      %sub3A_652 = arith.subf %abs3A_642, %sub3A_651 : vector<16xf32>
      %select_n3A_653 = arith.select %lt3A_645, %mul3A_649, %sub3A_652 : vector<16xi1>, vector<16xf32>
      %add3A_654 = arith.addf %add3A_640, %select_n3A_653 : vector<16xf32>
      %gather3A_655 = tpu.vector_load_idx %arg7[%scan3A_296#15] : memref<1536xf32, #tpu.memory_space<vmem>>[vector<16xi32>], vector<16xf32>,
      %add3A_656 = arith.constant 512 : i32
      %add3A_657 = vector.broadcast %add3A_656 : i32 to vector<16xi32>
      %add3A_658 = arith.addi %scan3A_296#15, %add3A_657 : vector<16xi32>
      %gather3A_659 = tpu.vector_load_idx %arg7[%add3A_658] : memref<1536xf32, #tpu.memory_space<vmem>>[vector<16xi32>], vector<16xf32>,
      %add3A_660 = arith.constant 1024 : i32
      %add3A_661 = vector.broadcast %add3A_660 : i32 to vector<16xi32>
      %add3A_662 = arith.addi %scan3A_296#15, %add3A_661 : vector<16xi32>
      %gather3A_663 = tpu.vector_load_idx %arg7[%add3A_662] : memref<1536xf32, #tpu.memory_space<vmem>>[vector<16xi32>], vector<16xf32>,
      %sub3A_664 = arith.subf %get3A_163, %gather3A_655 : vector<16xf32>
      %abs3A_665 = math.absf %sub3A_664 : vector<16xf32>
      %lt3A_666 = arith.constant 1.000000e+00 : f32
      %lt3A_667 = vector.broadcast %lt3A_666 : f32 to vector<16xf32>
      %lt3A_668 = arith.cmpf olt, %abs3A_665, %lt3A_667 : vector<16xf32>
      %mul3A_669 = arith.constant 5.000000e-01 : f32
      %mul3A_670 = vector.broadcast %mul3A_669 : f32 to vector<16xf32>
      %mul3A_671 = arith.mulf %mul3A_670, %sub3A_664 : vector<16xf32>
      %mul3A_672 = arith.mulf %mul3A_671, %sub3A_664 : vector<16xf32>
      %sub3A_673 = arith.constant 5.000000e-01 : f32
      %sub3A_674 = vector.broadcast %sub3A_673 : f32 to vector<16xf32>
      %sub3A_675 = arith.subf %abs3A_665, %sub3A_674 : vector<16xf32>
      %select_n3A_676 = arith.select %lt3A_668, %mul3A_672, %sub3A_675 : vector<16xi1>, vector<16xf32>
      %add3A_677 = arith.addf %add3A_654, %select_n3A_676 : vector<16xf32>
      %sub3A_678 = arith.subf %get3A_211, %gather3A_659 : vector<16xf32>
      %abs3A_679 = math.absf %sub3A_678 : vector<16xf32>
      %lt3A_680 = arith.constant 1.000000e+00 : f32
      %lt3A_681 = vector.broadcast %lt3A_680 : f32 to vector<16xf32>
      %lt3A_682 = arith.cmpf olt, %abs3A_679, %lt3A_681 : vector<16xf32>
      %mul3A_683 = arith.constant 5.000000e-01 : f32
      %mul3A_684 = vector.broadcast %mul3A_683 : f32 to vector<16xf32>
      %mul3A_685 = arith.mulf %mul3A_684, %sub3A_678 : vector<16xf32>
      %mul3A_686 = arith.mulf %mul3A_685, %sub3A_678 : vector<16xf32>
      %sub3A_687 = arith.constant 5.000000e-01 : f32
      %sub3A_688 = vector.broadcast %sub3A_687 : f32 to vector<16xf32>
      %sub3A_689 = arith.subf %abs3A_679, %sub3A_688 : vector<16xf32>
      %select_n3A_690 = arith.select %lt3A_682, %mul3A_686, %sub3A_689 : vector<16xi1>, vector<16xf32>
      %add3A_691 = arith.addf %add3A_677, %select_n3A_690 : vector<16xf32>
      %sub3A_692 = arith.subf %get3A_259, %gather3A_663 : vector<16xf32>
      %abs3A_693 = math.absf %sub3A_692 : vector<16xf32>
      %lt3A_694 = arith.constant 1.000000e+00 : f32
      %lt3A_695 = vector.broadcast %lt3A_694 : f32 to vector<16xf32>
      %lt3A_696 = arith.cmpf olt, %abs3A_693, %lt3A_695 : vector<16xf32>
      %mul3A_697 = arith.constant 5.000000e-01 : f32
      %mul3A_698 = vector.broadcast %mul3A_697 : f32 to vector<16xf32>
      %mul3A_699 = arith.mulf %mul3A_698, %sub3A_692 : vector<16xf32>
      %mul3A_700 = arith.mulf %mul3A_699, %sub3A_692 : vector<16xf32>
      %sub3A_701 = arith.constant 5.000000e-01 : f32
      %sub3A_702 = vector.broadcast %sub3A_701 : f32 to vector<16xf32>
      %sub3A_703 = arith.subf %abs3A_693, %sub3A_702 : vector<16xf32>
      %select_n3A_704 = arith.select %lt3A_696, %mul3A_700, %sub3A_703 : vector<16xi1>, vector<16xf32>
      %add3A_705 = arith.addf %add3A_691, %select_n3A_704 : vector<16xf32>
      scf.yield %add3A_705 : vector<16xf32>
    }
    %scan3A_35 = arith.constant 4 : i32
    %broadcast_in_dim3A_36 = vector.broadcast %add3A : i32 to vector<16xi32>
    %gather3A = tpu.vector_load_idx %arg12[%broadcast_in_dim3A_36] : memref<32xf32, #tpu.memory_space<vmem>>[vector<16xi32>], vector<16xf32>,
    %mul3A_37 = arith.mulf %scan3A_34, %gather3A : vector<16xf32>
    %broadcast_in_dim3A_38 = arith.constant 0.000000e+00 : f32
    %broadcast_in_dim3A_39 = vector.broadcast %broadcast_in_dim3A_38 : f32 to vector<16xf32>
    %scan3A_40 = arith.constant 0 : i32
    %scan3A_41 = arith.constant 32 : i32
    %scan3A_42 = arith.addi %scan3A_40, %scan3A_41 : i32
    %scan3A_43 = arith.constant 1 : i32
    %scan3A_44:6 = scf.for %scan3A_129 = %scan3A_40 to %scan3A_42 step %scan3A_43 iter_args(%scan3A_130 = %broadcast_in_dim3A_39, %scan3A_131 = %broadcast_in_dim3A_39, %scan3A_132 = %broadcast_in_dim3A_39, %scan3A_133 = %broadcast_in_dim3A_39, %scan3A_134 = %broadcast_in_dim3A_39, %scan3A_135 = %broadcast_in_dim3A_39) -> (vector<16xf32>, vector<16xf32>, vector<16xf32>, vector<16xf32>, vector<16xf32>, vector<16xf32>)  : i32 {
      %mul3A_136 = arith.constant 16 : i32
      %mul3A_137 = arith.muli %scan3A_129, %mul3A_136 : i32
      %get3A = arith.index_cast %mul3A_137 : i32 to index
      %get3A_138 = tpu.vector_load %arg6[%get3A] {strides = array<i32>} : memref<1536xf32, #tpu.memory_space<vmem>>, vector<16xf32>,
      %add3A_139 = arith.addf %scan3A_130, %get3A_138 : vector<16xf32>
      %mul3A_140 = arith.constant 16 : i32
      %mul3A_141 = arith.muli %scan3A_129, %mul3A_140 : i32
      %add3A_142 = arith.constant 512 : i32
      %add3A_143 = arith.addi %add3A_142, %mul3A_141 : i32
      %get3A_144 = arith.index_cast %add3A_143 : i32 to index
      %get3A_145 = tpu.vector_load %arg6[%get3A_144] {strides = array<i32>} : memref<1536xf32, #tpu.memory_space<vmem>>, vector<16xf32>,
      %add3A_146 = arith.addf %scan3A_131, %get3A_145 : vector<16xf32>
      %mul3A_147 = arith.constant 16 : i32
      %mul3A_148 = arith.muli %scan3A_129, %mul3A_147 : i32
      %add3A_149 = arith.constant 1024 : i32
      %add3A_150 = arith.addi %add3A_149, %mul3A_148 : i32
      %get3A_151 = arith.index_cast %add3A_150 : i32 to index
      %get3A_152 = tpu.vector_load %arg6[%get3A_151] {strides = array<i32>} : memref<1536xf32, #tpu.memory_space<vmem>>, vector<16xf32>,
      %add3A_153 = arith.addf %scan3A_132, %get3A_152 : vector<16xf32>
      %mul3A_154 = arith.constant 16 : i32
      %mul3A_155 = arith.muli %scan3A_129, %mul3A_154 : i32
      %get3A_156 = arith.index_cast %mul3A_155 : i32 to index
      %get3A_157 = tpu.vector_load %arg7[%get3A_156] {strides = array<i32>} : memref<1536xf32, #tpu.memory_space<vmem>>, vector<16xf32>,
      %add3A_158 = arith.addf %scan3A_133, %get3A_157 : vector<16xf32>
      %mul3A_159 = arith.constant 16 : i32
      %mul3A_160 = arith.muli %scan3A_129, %mul3A_159 : i32
      %add3A_161 = arith.constant 512 : i32
      %add3A_162 = arith.addi %add3A_161, %mul3A_160 : i32
      %get3A_163 = arith.index_cast %add3A_162 : i32 to index
      %get3A_164 = tpu.vector_load %arg7[%get3A_163] {strides = array<i32>} : memref<1536xf32, #tpu.memory_space<vmem>>, vector<16xf32>,
      %add3A_165 = arith.addf %scan3A_134, %get3A_164 : vector<16xf32>
      %mul3A_166 = arith.constant 16 : i32
      %mul3A_167 = arith.muli %scan3A_129, %mul3A_166 : i32
      %add3A_168 = arith.constant 1024 : i32
      %add3A_169 = arith.addi %add3A_168, %mul3A_167 : i32
      %get3A_170 = arith.index_cast %add3A_169 : i32 to index
      %get3A_171 = tpu.vector_load %arg7[%get3A_170] {strides = array<i32>} : memref<1536xf32, #tpu.memory_space<vmem>>, vector<16xf32>,
      %add3A_172 = arith.addf %scan3A_135, %get3A_171 : vector<16xf32>
      scf.yield %add3A_139, %add3A_146, %add3A_153, %add3A_158, %add3A_165, %add3A_172 : vector<16xf32>, vector<16xf32>, vector<16xf32>, vector<16xf32>, vector<16xf32>, vector<16xf32>
    }
    %scan3A_45 = arith.constant 32 : i32
    %reduce_sum3A = arith.constant true
    %reduce_sum3A_46 = vector.broadcast %reduce_sum3A : i1 to vector<16xi1>
    %reduce_sum3A_47 = tpu.scan <sum>, %scan3A_44#0 masked %reduce_sum3A_46 : vector<16xf32>, vector<16xi1> -> vector<16xf32>
    %reduce_sum3A_48 = vector.extract %reduce_sum3A_47[15] : f32 from vector<16xf32>
    %reduce_sum3A_49 = arith.constant true
    %reduce_sum3A_50 = vector.broadcast %reduce_sum3A_49 : i1 to vector<16xi1>
    %reduce_sum3A_51 = tpu.scan <sum>, %scan3A_44#3 masked %reduce_sum3A_50 : vector<16xf32>, vector<16xi1> -> vector<16xf32>
    %reduce_sum3A_52 = vector.extract %reduce_sum3A_51[15] : f32 from vector<16xf32>
    %sub3A = arith.subf %reduce_sum3A_48, %reduce_sum3A_52 : f32
    %mul3A_53 = arith.constant 0.001953125 : f32
    %mul3A_54 = arith.mulf %sub3A, %mul3A_53 : f32
    %reduce_sum3A_55 = arith.constant true
    %reduce_sum3A_56 = vector.broadcast %reduce_sum3A_55 : i1 to vector<16xi1>
    %reduce_sum3A_57 = tpu.scan <sum>, %scan3A_44#1 masked %reduce_sum3A_56 : vector<16xf32>, vector<16xi1> -> vector<16xf32>
    %reduce_sum3A_58 = vector.extract %reduce_sum3A_57[15] : f32 from vector<16xf32>
    %reduce_sum3A_59 = arith.constant true
    %reduce_sum3A_60 = vector.broadcast %reduce_sum3A_59 : i1 to vector<16xi1>
    %reduce_sum3A_61 = tpu.scan <sum>, %scan3A_44#4 masked %reduce_sum3A_60 : vector<16xf32>, vector<16xi1> -> vector<16xf32>
    %reduce_sum3A_62 = vector.extract %reduce_sum3A_61[15] : f32 from vector<16xf32>
    %sub3A_63 = arith.subf %reduce_sum3A_58, %reduce_sum3A_62 : f32
    %mul3A_64 = arith.constant 0.001953125 : f32
    %mul3A_65 = arith.mulf %sub3A_63, %mul3A_64 : f32
    %reduce_sum3A_66 = arith.constant true
    %reduce_sum3A_67 = vector.broadcast %reduce_sum3A_66 : i1 to vector<16xi1>
    %reduce_sum3A_68 = tpu.scan <sum>, %scan3A_44#2 masked %reduce_sum3A_67 : vector<16xf32>, vector<16xi1> -> vector<16xf32>
    %reduce_sum3A_69 = vector.extract %reduce_sum3A_68[15] : f32 from vector<16xf32>
    %reduce_sum3A_70 = arith.constant true
    %reduce_sum3A_71 = vector.broadcast %reduce_sum3A_70 : i1 to vector<16xi1>
    %reduce_sum3A_72 = tpu.scan <sum>, %scan3A_44#5 masked %reduce_sum3A_71 : vector<16xf32>, vector<16xi1> -> vector<16xf32>
    %reduce_sum3A_73 = vector.extract %reduce_sum3A_72[15] : f32 from vector<16xf32>
    %sub3A_74 = arith.subf %reduce_sum3A_69, %reduce_sum3A_73 : f32
    %mul3A_75 = arith.constant 0.001953125 : f32
    %mul3A_76 = arith.mulf %sub3A_74, %mul3A_75 : f32
    %eq3A = arith.constant 0 : i32
    %eq3A_77 = vector.broadcast %eq3A : i32 to vector<16xi32>
    %eq3A_78 = arith.cmpi eq, %iota3A, %eq3A_77 : vector<16xi32>
    %eq3A_79 = arith.constant 1 : i32
    %eq3A_80 = vector.broadcast %eq3A_79 : i32 to vector<16xi32>
    %eq3A_81 = arith.cmpi eq, %iota3A, %eq3A_80 : vector<16xi32>
    %eq3A_82 = arith.constant 2 : i32
    %eq3A_83 = vector.broadcast %eq3A_82 : i32 to vector<16xi32>
    %eq3A_84 = arith.cmpi eq, %iota3A, %eq3A_83 : vector<16xi32>
    %jit3A = arith.constant 0.000000e+00 : f32
    %broadcast_in_dim3A_85 = vector.broadcast %mul3A_76 : f32 to vector<16xf32>
    %broadcast_in_dim3A_86 = vector.broadcast %jit3A : f32 to vector<16xf32>
    %select_n3A = arith.select %eq3A_84, %broadcast_in_dim3A_85, %broadcast_in_dim3A_86 : vector<16xi1>, vector<16xf32>
    %broadcast_in_dim3A_87 = vector.broadcast %mul3A_65 : f32 to vector<16xf32>
    %select_n3A_88 = arith.select %eq3A_81, %broadcast_in_dim3A_87, %select_n3A : vector<16xi1>, vector<16xf32>
    %broadcast_in_dim3A_89 = vector.broadcast %mul3A_54 : f32 to vector<16xf32>
    %select_n3A_90 = arith.select %eq3A_78, %broadcast_in_dim3A_89, %select_n3A_88 : vector<16xi1>, vector<16xf32>
    %broadcast_in_dim3A_91 = arith.constant 0.000000e+00 : f32
    %broadcast_in_dim3A_92 = vector.broadcast %broadcast_in_dim3A_91 : f32 to vector<16xf32>
    %sub3A_93 = arith.subf %select_n3A_90, %broadcast_in_dim3A_92 : vector<16xf32>
    %abs3A = math.absf %sub3A_93 : vector<16xf32>
    %lt3A = arith.constant 1.000000e+00 : f32
    %lt3A_94 = vector.broadcast %lt3A : f32 to vector<16xf32>
    %lt3A_95 = arith.cmpf olt, %abs3A, %lt3A_94 : vector<16xf32>
    %mul3A_96 = arith.constant 5.000000e-01 : f32
    %mul3A_97 = vector.broadcast %mul3A_96 : f32 to vector<16xf32>
    %mul3A_98 = arith.mulf %mul3A_97, %sub3A_93 : vector<16xf32>
    %mul3A_99 = arith.mulf %mul3A_98, %sub3A_93 : vector<16xf32>
    %sub3A_100 = arith.constant 5.000000e-01 : f32
    %sub3A_101 = vector.broadcast %sub3A_100 : f32 to vector<16xf32>
    %sub3A_102 = arith.subf %abs3A, %sub3A_101 : vector<16xf32>
    %select_n3A_103 = arith.select %lt3A_95, %mul3A_99, %sub3A_102 : vector<16xi1>, vector<16xf32>
    %reduce_sum3A_104 = arith.constant true
    %reduce_sum3A_105 = vector.broadcast %reduce_sum3A_104 : i1 to vector<16xi1>
    %reduce_sum3A_106 = tpu.scan <sum>, %mul3A_37 masked %reduce_sum3A_105 : vector<16xf32>, vector<16xi1> -> vector<16xf32>
    %reduce_sum3A_107 = vector.extract %reduce_sum3A_106[15] : f32 from vector<16xf32>
    %mul3A_108 = arith.constant 1.62760422E-4 : f32
    %mul3A_109 = arith.mulf %reduce_sum3A_107, %mul3A_108 : f32
    %reduce_sum3A_110 = arith.constant true
    %reduce_sum3A_111 = vector.broadcast %reduce_sum3A_110 : i1 to vector<16xi1>
    %reduce_sum3A_112 = tpu.scan <sum>, %select_n3A_103 masked %reduce_sum3A_111 : vector<16xf32>, vector<16xi1> -> vector<16xf32>
    %reduce_sum3A_113 = vector.extract %reduce_sum3A_112[15] : f32 from vector<16xf32>
    %mul3A_114 = arith.constant 0.0833333358 : f32
    %mul3A_115 = arith.mulf %reduce_sum3A_113, %mul3A_114 : f32
    %eq3A_116 = arith.constant 0 : i32
    %eq3A_117 = vector.broadcast %eq3A_116 : i32 to vector<16xi32>
    %eq3A_118 = arith.cmpi eq, %iota3A, %eq3A_117 : vector<16xi32>
    %eq3A_119 = arith.constant 1 : i32
    %eq3A_120 = vector.broadcast %eq3A_119 : i32 to vector<16xi32>
    %eq3A_121 = arith.cmpi eq, %iota3A, %eq3A_120 : vector<16xi32>
    %jit3A_122 = arith.constant 0.000000e+00 : f32
    %broadcast_in_dim3A_123 = vector.broadcast %mul3A_115 : f32 to vector<16xf32>
    %broadcast_in_dim3A_124 = vector.broadcast %jit3A_122 : f32 to vector<16xf32>
    %select_n3A_125 = arith.select %eq3A_121, %broadcast_in_dim3A_123, %broadcast_in_dim3A_124 : vector<16xi1>, vector<16xf32>
    %broadcast_in_dim3A_126 = vector.broadcast %mul3A_109 : f32 to vector<16xf32>
    %select_n3A_127 = arith.select %eq3A_118, %broadcast_in_dim3A_126, %select_n3A_125 : vector<16xi1>, vector<16xf32>
    %swap3A = arith.constant 0 : index
    %swap3A_128 = tpu.vector_load %arg13[%swap3A] {strides = array<i32>} : memref<16xf32, #tpu.memory_space<vmem>>, vector<16xf32>,
    tpu.vector_store %arg13[%swap3A], %select_n3A_127 {strides = array<i32>} : memref<16xf32, #tpu.memory_space<vmem>>, vector<16xf32>,
    "tpu.region"() ({
      %run_scoped3A = tpu.sem_alloc : memref<!tpu.dma_semaphore, #tpu.memory_space<semaphore_mem>>
      %dma_start3A_129 = arith.constant 0 : i32
      %dma_start3A_130 = tpu.memref_slice %arg5[%add3A, %dma_start3A_129] : memref<32x16xf32, #tpu.memory_space<hbm>> -> memref<1x16xf32, #tpu.memory_space<hbm>>
      %dma_start3A_131 = tpu.memref_squeeze %dma_start3A_130 : memref<1x16xf32, #tpu.memory_space<hbm>> -> memref<16xf32, #tpu.memory_space<hbm>>
      %dma_start3A_132 = arith.constant 0 : i32
      %dma_start3A_133 = tpu.memref_slice %arg5[%add3A, %dma_start3A_132] : memref<32x16xf32, #tpu.memory_space<hbm>> -> memref<1x16xf32, #tpu.memory_space<hbm>>
      %dma_start3A_134 = tpu.memref_squeeze %dma_start3A_133 : memref<1x16xf32, #tpu.memory_space<hbm>> -> memref<16xf32, #tpu.memory_space<hbm>>
      tpu.enqueue_dma source(%arg13 : memref<16xf32, #tpu.memory_space<vmem>>) target(%dma_start3A_134 : memref<16xf32, #tpu.memory_space<hbm>>) target_semaphore(%run_scoped3A : memref<!tpu.dma_semaphore, #tpu.memory_space<semaphore_mem>>)
      %dma_wait3A_135 = arith.constant 0 : i32
      %dma_wait3A_136 = tpu.memref_slice %arg5[%add3A, %dma_wait3A_135] : memref<32x16xf32, #tpu.memory_space<hbm>> -> memref<1x16xf32, #tpu.memory_space<hbm>>
      %dma_wait3A_137 = tpu.memref_squeeze %dma_wait3A_136 : memref<1x16xf32, #tpu.memory_space<hbm>> -> memref<16xf32, #tpu.memory_space<hbm>>
      %dma_wait3A_138 = arith.constant 0 : i32
      %dma_wait3A_139 = tpu.memref_slice %arg5[%add3A, %dma_wait3A_138] : memref<32x16xf32, #tpu.memory_space<hbm>> -> memref<1x16xf32, #tpu.memory_space<hbm>>
      %dma_wait3A_140 = tpu.memref_squeeze %dma_wait3A_139 : memref<1x16xf32, #tpu.memory_space<hbm>> -> memref<16xf32, #tpu.memory_space<hbm>>
      tpu.wait_dma2 semaphore(%run_scoped3A : memref<!tpu.dma_semaphore, #tpu.memory_space<semaphore_mem>>) src(%arg13 : memref<16xf32, #tpu.memory_space<vmem>>) dst(%dma_wait3A_140 : memref<16xf32, #tpu.memory_space<hbm>>)
      tpu.yield
    }) : () -> ()
    return
  }
}

module attributes {stable_mosaic.version = 14 : i64} {
  func.func @_tc_body(%arg0: i32, %arg1: memref<2x3x512xf32, #tpu.memory_space<vmem>>, %arg2: memref<2x3x512xf32, #tpu.memory_space<vmem>>, %arg3: memref<2x1x1xf32, #tpu.memory_space<vmem>>, %arg4: memref<1x1xf32, #tpu.memory_space<vmem>>, %arg5: memref<1x1xf32, #tpu.memory_space<vmem>>) attributes {dimension_semantics = [#tpu.dimension_semantics<arbitrary>], iteration_bounds = array<i64: 16>, scalar_prefetch = 0 : i64, scratch_operands = 0 : i64, tpu.core_type = #tpu.core_type<tc>, window_params = [{transform_indices = @transform_0, window_bounds = array<i64: 2, 3, 512>}, {transform_indices = @transform_1, window_bounds = array<i64: 2, 3, 512>}, {transform_indices = @transform_2, window_bounds = array<i64: 2, 1, 1>}, {pipeline_mode = #tpu.pipeline_mode<synchronous>, transform_indices = @transform_3, window_bounds = array<i64: 1, 1>}, {pipeline_mode = #tpu.pipeline_mode<synchronous>, transform_indices = @transform_4, window_bounds = array<i64: 1, 1>}]} {
    %get3A = arith.constant 0 : index
    %get3A_0 = arith.constant 0 : index
    %get3A_1 = arith.constant 0 : index
    %get3A_2 = vector.load %arg1[%get3A, %get3A_0, %get3A_1] : memref<2x3x512xf32, #tpu.memory_space<vmem>>, vector<1x3x512xf32>
    %get3A_3 = vector.shape_cast %get3A_2 : vector<1x3x512xf32> to vector<3x512xf32>
    %get3A_4 = arith.constant 0 : index
    %get3A_5 = arith.constant 0 : index
    %get3A_6 = arith.constant 0 : index
    %get3A_7 = vector.load %arg2[%get3A_4, %get3A_5, %get3A_6] : memref<2x3x512xf32, #tpu.memory_space<vmem>>, vector<1x3x512xf32>
    %get3A_8 = vector.shape_cast %get3A_7 : vector<1x3x512xf32> to vector<3x512xf32>
    %get3A_9 = arith.constant 0 : index
    %get3A_10 = arith.constant 0 : index
    %get3A_11 = arith.constant 0 : index
    %get3A_12 = vector.load %arg3[%get3A_9, %get3A_10, %get3A_11] : memref<2x1x1xf32, #tpu.memory_space<vmem>>, vector<1x1x1xf32>
    %get3A_13 = vector.extract %get3A_12[0, 0, 0] : f32 from vector<1x1x1xf32>
    %dot_general3A = arith.constant dense<0.000000e+00> : vector<512x512xf32>
    %dot_general3A_14 = tpu.matmul %get3A_3, %get3A_8, %dot_general3A {dimension_numbers = #tpu.dot_dimension_numbers<[0], [0], [1], [1], [0, 1, 1, 1], [], []>, transpose_lhs_hint = false} : vector<3x512xf32>, vector<3x512xf32>, vector<512x512xf32> -> vector<512x512xf32>
    %mul3A = arith.mulf %get3A_8, %get3A_8 : vector<3x512xf32>
    %reduce_sum3A = arith.constant dense<0.000000e+00> : vector<512xf32>
    %reduce_sum3A_15 = vector.multi_reduction <add>, %mul3A, %reduce_sum3A [0] : vector<3x512xf32> to vector<512xf32>
    %broadcast_in_dim3A = vector.shape_cast %reduce_sum3A_15 : vector<512xf32> to vector<1x512xf32>
    %add3A = arith.addf %dot_general3A_14, %dot_general3A_14 : vector<512x512xf32>
    %sub3A = vector.broadcast %broadcast_in_dim3A : vector<1x512xf32> to vector<512x512xf32>
    %sub3A_16 = arith.subf %sub3A, %add3A : vector<512x512xf32>
    %reduce_min3A = arith.constant dense<0x7F800000> : vector<512xf32>
    %reduce_min3A_17 = vector.multi_reduction <minimumf>, %sub3A_16, %reduce_min3A [1] : vector<512x512xf32> to vector<512xf32>
    %iota3A = tpu.iota {dimensions = array<i32: 1>} : vector<512x512xi32>
    %convert_element_type3A = arith.sitofp %iota3A : vector<512x512xi32> to vector<512x512xf32>
    %broadcast_in_dim3A_18 = vector.shape_cast %reduce_min3A_17 : vector<512xf32> to vector<512x1xf32>
    %le3A = vector.broadcast %broadcast_in_dim3A_18 : vector<512x1xf32> to vector<512x512xf32>
    %le3A_19 = arith.cmpf ole, %sub3A_16, %le3A : vector<512x512xf32>
    %jit3A = arith.constant 5.120000e+02 : f32
    %broadcast_in_dim3A_20 = vector.broadcast %jit3A : f32 to vector<512x512xf32>
    %select_n3A = arith.select %le3A_19, %convert_element_type3A, %broadcast_in_dim3A_20 : vector<512x512xi1>, vector<512x512xf32>
    %reduce_min3A_21 = arith.constant dense<0x7F800000> : vector<512xf32>
    %reduce_min3A_22 = vector.multi_reduction <minimumf>, %select_n3A, %reduce_min3A_21 [1] : vector<512x512xf32> to vector<512xf32>
    %iota3A_23 = tpu.iota {dimensions = array<i32: 0>} : vector<512x512xi32>
    %convert_element_type3A_24 = arith.sitofp %iota3A_23 : vector<512x512xi32> to vector<512x512xf32>
    %broadcast_in_dim3A_25 = vector.shape_cast %reduce_min3A_22 : vector<512xf32> to vector<1x512xf32>
    %eq3A = vector.broadcast %broadcast_in_dim3A_25 : vector<1x512xf32> to vector<512x512xf32>
    %eq3A_26 = arith.cmpf oeq, %convert_element_type3A_24, %eq3A : vector<512x512xf32>
    %convert_element_type3A_27 = arith.extui %eq3A_26 : vector<512x512xi1> to vector<512x512xi32>
    %convert_element_type3A_28 = arith.sitofp %convert_element_type3A_27 : vector<512x512xi32> to vector<512x512xf32>
    %dot_general3A_29 = arith.constant dense<0.000000e+00> : vector<3x512xf32>
    %dot_general3A_30 = tpu.matmul %get3A_8, %convert_element_type3A_28, %dot_general3A_29 {dimension_numbers = #tpu.dot_dimension_numbers<[1], [0], [0], [1], [0, 0, 1, 1], [], []>, transpose_lhs_hint = false} : vector<3x512xf32>, vector<512x512xf32>, vector<3x512xf32> -> vector<3x512xf32>
    %sub3A_31 = arith.subf %get3A_3, %dot_general3A_30 : vector<3x512xf32>
    %abs3A = math.absf %sub3A_31 : vector<3x512xf32>
    %lt3A = arith.constant 1.000000e+00 : f32
    %lt3A_32 = vector.broadcast %lt3A : f32 to vector<3x512xf32>
    %lt3A_33 = arith.cmpf olt, %abs3A, %lt3A_32 : vector<3x512xf32>
    %mul3A_34 = arith.constant 5.000000e-01 : f32
    %mul3A_35 = vector.broadcast %mul3A_34 : f32 to vector<3x512xf32>
    %mul3A_36 = arith.mulf %mul3A_35, %sub3A_31 : vector<3x512xf32>
    %mul3A_37 = arith.mulf %mul3A_36, %sub3A_31 : vector<3x512xf32>
    %sub3A_38 = arith.constant 5.000000e-01 : f32
    %sub3A_39 = vector.broadcast %sub3A_38 : f32 to vector<3x512xf32>
    %sub3A_40 = arith.subf %abs3A, %sub3A_39 : vector<3x512xf32>
    %select_n3A_41 = arith.select %lt3A_33, %mul3A_37, %sub3A_40 : vector<3x512xi1>, vector<3x512xf32>
    %reduce_sum3A_42 = vector.shape_cast %select_n3A_41 : vector<3x512xf32> to vector<1x3x512xf32>
    %reduce_sum3A_43 = arith.constant dense<0.000000e+00> : vector<1xf32>
    %reduce_sum3A_44 = vector.multi_reduction <add>, %reduce_sum3A_42, %reduce_sum3A_43 [1, 2] : vector<1x3x512xf32> to vector<1xf32>
    %reduce_sum3A_45 = vector.shape_cast %reduce_sum3A_44 : vector<1xf32> to vector<1x1x1xf32>
    %reduce_sum3A_46 = vector.extract %reduce_sum3A_45[0, 0, 0] : f32 from vector<1x1x1xf32>
    %div3A = arith.constant 1.536000e+03 : f32
    %div3A_47 = arith.divf %reduce_sum3A_46, %div3A : f32
    %mul3A_48 = arith.mulf %div3A_47, %get3A_13 : f32
    %div3A_49 = arith.constant 4.000000e+00 : f32
    %div3A_50 = arith.divf %mul3A_48, %div3A_49 : f32
    %add3A_51 = arith.constant 0.000000e+00 : f32
    %add3A_52 = arith.addf %add3A_51, %div3A_50 : f32
    %reduce_sum3A_53 = arith.constant dense<0.000000e+00> : vector<3xf32>
    %reduce_sum3A_54 = vector.multi_reduction <add>, %get3A_3, %reduce_sum3A_53 [1] : vector<3x512xf32> to vector<3xf32>
    %div3A_55 = arith.constant 5.120000e+02 : f32
    %div3A_56 = vector.broadcast %div3A_55 : f32 to vector<3xf32>
    %div3A_57 = arith.divf %reduce_sum3A_54, %div3A_56 : vector<3xf32>
    %reduce_sum3A_58 = arith.constant dense<0.000000e+00> : vector<3xf32>
    %reduce_sum3A_59 = vector.multi_reduction <add>, %get3A_8, %reduce_sum3A_58 [1] : vector<3x512xf32> to vector<3xf32>
    %div3A_60 = arith.constant 5.120000e+02 : f32
    %div3A_61 = vector.broadcast %div3A_60 : f32 to vector<3xf32>
    %div3A_62 = arith.divf %reduce_sum3A_59, %div3A_61 : vector<3xf32>
    %sub3A_63 = arith.subf %div3A_57, %div3A_62 : vector<3xf32>
    %abs3A_64 = math.absf %sub3A_63 : vector<3xf32>
    %lt3A_65 = arith.constant 1.000000e+00 : f32
    %lt3A_66 = vector.broadcast %lt3A_65 : f32 to vector<3xf32>
    %lt3A_67 = arith.cmpf olt, %abs3A_64, %lt3A_66 : vector<3xf32>
    %mul3A_68 = arith.constant 5.000000e-01 : f32
    %mul3A_69 = vector.broadcast %mul3A_68 : f32 to vector<3xf32>
    %mul3A_70 = arith.mulf %mul3A_69, %sub3A_63 : vector<3xf32>
    %mul3A_71 = arith.mulf %mul3A_70, %sub3A_63 : vector<3xf32>
    %sub3A_72 = arith.constant 5.000000e-01 : f32
    %sub3A_73 = vector.broadcast %sub3A_72 : f32 to vector<3xf32>
    %sub3A_74 = arith.subf %abs3A_64, %sub3A_73 : vector<3xf32>
    %select_n3A_75 = arith.select %lt3A_67, %mul3A_71, %sub3A_74 : vector<3xi1>, vector<3xf32>
    %reduce_sum3A_76 = vector.shape_cast %select_n3A_75 : vector<3xf32> to vector<1x3xf32>
    %reduce_sum3A_77 = arith.constant dense<0.000000e+00> : vector<1xf32>
    %reduce_sum3A_78 = vector.multi_reduction <add>, %reduce_sum3A_76, %reduce_sum3A_77 [1] : vector<1x3xf32> to vector<1xf32>
    %reduce_sum3A_79 = vector.shape_cast %reduce_sum3A_78 : vector<1xf32> to vector<1x1xf32>
    %reduce_sum3A_80 = vector.extract %reduce_sum3A_79[0, 0] : f32 from vector<1x1xf32>
    %div3A_81 = arith.constant 1.200000e+01 : f32
    %div3A_82 = arith.divf %reduce_sum3A_80, %div3A_81 : f32
    %add3A_83 = arith.constant 0.000000e+00 : f32
    %add3A_84 = arith.addf %add3A_83, %div3A_82 : f32
    %get3A_85 = arith.constant 1 : index
    %get3A_86 = arith.constant 0 : index
    %get3A_87 = arith.constant 0 : index
    %get3A_88 = vector.load %arg1[%get3A_85, %get3A_86, %get3A_87] : memref<2x3x512xf32, #tpu.memory_space<vmem>>, vector<1x3x512xf32>
    %get3A_89 = vector.shape_cast %get3A_88 : vector<1x3x512xf32> to vector<3x512xf32>
    %get3A_90 = arith.constant 1 : index
    %get3A_91 = arith.constant 0 : index
    %get3A_92 = arith.constant 0 : index
    %get3A_93 = vector.load %arg2[%get3A_90, %get3A_91, %get3A_92] : memref<2x3x512xf32, #tpu.memory_space<vmem>>, vector<1x3x512xf32>
    %get3A_94 = vector.shape_cast %get3A_93 : vector<1x3x512xf32> to vector<3x512xf32>
    %get3A_95 = arith.constant 1 : index
    %get3A_96 = arith.constant 0 : index
    %get3A_97 = arith.constant 0 : index
    %get3A_98 = vector.load %arg3[%get3A_95, %get3A_96, %get3A_97] : memref<2x1x1xf32, #tpu.memory_space<vmem>>, vector<1x1x1xf32>
    %get3A_99 = vector.extract %get3A_98[0, 0, 0] : f32 from vector<1x1x1xf32>
    %dot_general3A_100 = arith.constant dense<0.000000e+00> : vector<512x512xf32>
    %dot_general3A_101 = tpu.matmul %get3A_89, %get3A_94, %dot_general3A_100 {dimension_numbers = #tpu.dot_dimension_numbers<[0], [0], [1], [1], [0, 1, 1, 1], [], []>, transpose_lhs_hint = false} : vector<3x512xf32>, vector<3x512xf32>, vector<512x512xf32> -> vector<512x512xf32>
    %mul3A_102 = arith.mulf %get3A_94, %get3A_94 : vector<3x512xf32>
    %reduce_sum3A_103 = arith.constant dense<0.000000e+00> : vector<512xf32>
    %reduce_sum3A_104 = vector.multi_reduction <add>, %mul3A_102, %reduce_sum3A_103 [0] : vector<3x512xf32> to vector<512xf32>
    %broadcast_in_dim3A_105 = vector.shape_cast %reduce_sum3A_104 : vector<512xf32> to vector<1x512xf32>
    %add3A_106 = arith.addf %dot_general3A_101, %dot_general3A_101 : vector<512x512xf32>
    %sub3A_107 = vector.broadcast %broadcast_in_dim3A_105 : vector<1x512xf32> to vector<512x512xf32>
    %sub3A_108 = arith.subf %sub3A_107, %add3A_106 : vector<512x512xf32>
    %reduce_min3A_109 = arith.constant dense<0x7F800000> : vector<512xf32>
    %reduce_min3A_110 = vector.multi_reduction <minimumf>, %sub3A_108, %reduce_min3A_109 [1] : vector<512x512xf32> to vector<512xf32>
    %iota3A_111 = tpu.iota {dimensions = array<i32: 1>} : vector<512x512xi32>
    %convert_element_type3A_112 = arith.sitofp %iota3A_111 : vector<512x512xi32> to vector<512x512xf32>
    %broadcast_in_dim3A_113 = vector.shape_cast %reduce_min3A_110 : vector<512xf32> to vector<512x1xf32>
    %le3A_114 = vector.broadcast %broadcast_in_dim3A_113 : vector<512x1xf32> to vector<512x512xf32>
    %le3A_115 = arith.cmpf ole, %sub3A_108, %le3A_114 : vector<512x512xf32>
    %jit3A_116 = arith.constant 5.120000e+02 : f32
    %broadcast_in_dim3A_117 = vector.broadcast %jit3A_116 : f32 to vector<512x512xf32>
    %select_n3A_118 = arith.select %le3A_115, %convert_element_type3A_112, %broadcast_in_dim3A_117 : vector<512x512xi1>, vector<512x512xf32>
    %reduce_min3A_119 = arith.constant dense<0x7F800000> : vector<512xf32>
    %reduce_min3A_120 = vector.multi_reduction <minimumf>, %select_n3A_118, %reduce_min3A_119 [1] : vector<512x512xf32> to vector<512xf32>
    %iota3A_121 = tpu.iota {dimensions = array<i32: 0>} : vector<512x512xi32>
    %convert_element_type3A_122 = arith.sitofp %iota3A_121 : vector<512x512xi32> to vector<512x512xf32>
    %broadcast_in_dim3A_123 = vector.shape_cast %reduce_min3A_120 : vector<512xf32> to vector<1x512xf32>
    %eq3A_124 = vector.broadcast %broadcast_in_dim3A_123 : vector<1x512xf32> to vector<512x512xf32>
    %eq3A_125 = arith.cmpf oeq, %convert_element_type3A_122, %eq3A_124 : vector<512x512xf32>
    %convert_element_type3A_126 = arith.extui %eq3A_125 : vector<512x512xi1> to vector<512x512xi32>
    %convert_element_type3A_127 = arith.sitofp %convert_element_type3A_126 : vector<512x512xi32> to vector<512x512xf32>
    %dot_general3A_128 = arith.constant dense<0.000000e+00> : vector<3x512xf32>
    %dot_general3A_129 = tpu.matmul %get3A_94, %convert_element_type3A_127, %dot_general3A_128 {dimension_numbers = #tpu.dot_dimension_numbers<[1], [0], [0], [1], [0, 0, 1, 1], [], []>, transpose_lhs_hint = false} : vector<3x512xf32>, vector<512x512xf32>, vector<3x512xf32> -> vector<3x512xf32>
    %sub3A_130 = arith.subf %get3A_89, %dot_general3A_129 : vector<3x512xf32>
    %abs3A_131 = math.absf %sub3A_130 : vector<3x512xf32>
    %lt3A_132 = arith.constant 1.000000e+00 : f32
    %lt3A_133 = vector.broadcast %lt3A_132 : f32 to vector<3x512xf32>
    %lt3A_134 = arith.cmpf olt, %abs3A_131, %lt3A_133 : vector<3x512xf32>
    %mul3A_135 = arith.constant 5.000000e-01 : f32
    %mul3A_136 = vector.broadcast %mul3A_135 : f32 to vector<3x512xf32>
    %mul3A_137 = arith.mulf %mul3A_136, %sub3A_130 : vector<3x512xf32>
    %mul3A_138 = arith.mulf %mul3A_137, %sub3A_130 : vector<3x512xf32>
    %sub3A_139 = arith.constant 5.000000e-01 : f32
    %sub3A_140 = vector.broadcast %sub3A_139 : f32 to vector<3x512xf32>
    %sub3A_141 = arith.subf %abs3A_131, %sub3A_140 : vector<3x512xf32>
    %select_n3A_142 = arith.select %lt3A_134, %mul3A_138, %sub3A_141 : vector<3x512xi1>, vector<3x512xf32>
    %reduce_sum3A_143 = vector.shape_cast %select_n3A_142 : vector<3x512xf32> to vector<1x3x512xf32>
    %reduce_sum3A_144 = arith.constant dense<0.000000e+00> : vector<1xf32>
    %reduce_sum3A_145 = vector.multi_reduction <add>, %reduce_sum3A_143, %reduce_sum3A_144 [1, 2] : vector<1x3x512xf32> to vector<1xf32>
    %reduce_sum3A_146 = vector.shape_cast %reduce_sum3A_145 : vector<1xf32> to vector<1x1x1xf32>
    %reduce_sum3A_147 = vector.extract %reduce_sum3A_146[0, 0, 0] : f32 from vector<1x1x1xf32>
    %div3A_148 = arith.constant 1.536000e+03 : f32
    %div3A_149 = arith.divf %reduce_sum3A_147, %div3A_148 : f32
    %mul3A_150 = arith.mulf %div3A_149, %get3A_99 : f32
    %div3A_151 = arith.constant 4.000000e+00 : f32
    %div3A_152 = arith.divf %mul3A_150, %div3A_151 : f32
    %add3A_153 = arith.addf %add3A_52, %div3A_152 : f32
    %reduce_sum3A_154 = arith.constant dense<0.000000e+00> : vector<3xf32>
    %reduce_sum3A_155 = vector.multi_reduction <add>, %get3A_89, %reduce_sum3A_154 [1] : vector<3x512xf32> to vector<3xf32>
    %div3A_156 = arith.constant 5.120000e+02 : f32
    %div3A_157 = vector.broadcast %div3A_156 : f32 to vector<3xf32>
    %div3A_158 = arith.divf %reduce_sum3A_155, %div3A_157 : vector<3xf32>
    %reduce_sum3A_159 = arith.constant dense<0.000000e+00> : vector<3xf32>
    %reduce_sum3A_160 = vector.multi_reduction <add>, %get3A_94, %reduce_sum3A_159 [1] : vector<3x512xf32> to vector<3xf32>
    %div3A_161 = arith.constant 5.120000e+02 : f32
    %div3A_162 = vector.broadcast %div3A_161 : f32 to vector<3xf32>
    %div3A_163 = arith.divf %reduce_sum3A_160, %div3A_162 : vector<3xf32>
    %sub3A_164 = arith.subf %div3A_158, %div3A_163 : vector<3xf32>
    %abs3A_165 = math.absf %sub3A_164 : vector<3xf32>
    %lt3A_166 = arith.constant 1.000000e+00 : f32
    %lt3A_167 = vector.broadcast %lt3A_166 : f32 to vector<3xf32>
    %lt3A_168 = arith.cmpf olt, %abs3A_165, %lt3A_167 : vector<3xf32>
    %mul3A_169 = arith.constant 5.000000e-01 : f32
    %mul3A_170 = vector.broadcast %mul3A_169 : f32 to vector<3xf32>
    %mul3A_171 = arith.mulf %mul3A_170, %sub3A_164 : vector<3xf32>
    %mul3A_172 = arith.mulf %mul3A_171, %sub3A_164 : vector<3xf32>
    %sub3A_173 = arith.constant 5.000000e-01 : f32
    %sub3A_174 = vector.broadcast %sub3A_173 : f32 to vector<3xf32>
    %sub3A_175 = arith.subf %abs3A_165, %sub3A_174 : vector<3xf32>
    %select_n3A_176 = arith.select %lt3A_168, %mul3A_172, %sub3A_175 : vector<3xi1>, vector<3xf32>
    %reduce_sum3A_177 = vector.shape_cast %select_n3A_176 : vector<3xf32> to vector<1x3xf32>
    %reduce_sum3A_178 = arith.constant dense<0.000000e+00> : vector<1xf32>
    %reduce_sum3A_179 = vector.multi_reduction <add>, %reduce_sum3A_177, %reduce_sum3A_178 [1] : vector<1x3xf32> to vector<1xf32>
    %reduce_sum3A_180 = vector.shape_cast %reduce_sum3A_179 : vector<1xf32> to vector<1x1xf32>
    %reduce_sum3A_181 = vector.extract %reduce_sum3A_180[0, 0] : f32 from vector<1x1xf32>
    %div3A_182 = arith.constant 1.200000e+01 : f32
    %div3A_183 = arith.divf %reduce_sum3A_181, %div3A_182 : f32
    %add3A_184 = arith.addf %add3A_84, %div3A_183 : f32
    %eq3A_185 = arith.constant 0 : i32
    %eq3A_186 = arith.cmpi eq, %arg0, %eq3A_185 : i32
    %convert_element_type3A_187 = arith.extui %eq3A_186 : i1 to i32
    %cond3A = arith.constant 0 : i32
    %cond3A_188 = arith.cmpi ne, %convert_element_type3A_187, %cond3A : i32
    scf.if %cond3A_188 {
      %broadcast_in_dim3A_204 = arith.constant 0.000000e+00 : f32
      %broadcast_in_dim3A_205 = vector.broadcast %broadcast_in_dim3A_204 : f32 to vector<1x1xf32>
      %swap3A_206 = arith.constant 0 : index
      %swap3A_207 = arith.constant 0 : index
      %swap3A_208 = vector.load %arg4[%swap3A_206, %swap3A_207] : memref<1x1xf32, #tpu.memory_space<vmem>>, vector<1x1xf32>
      tpu.vector_store %arg4[%swap3A_206, %swap3A_207], %broadcast_in_dim3A_205 {strides = array<i32>} : memref<1x1xf32, #tpu.memory_space<vmem>>, vector<1x1xf32>,
      %broadcast_in_dim3A_209 = arith.constant 0.000000e+00 : f32
      %broadcast_in_dim3A_210 = vector.broadcast %broadcast_in_dim3A_209 : f32 to vector<1x1xf32>
      %swap3A_211 = arith.constant 0 : index
      %swap3A_212 = arith.constant 0 : index
      %swap3A_213 = vector.load %arg5[%swap3A_211, %swap3A_212] : memref<1x1xf32, #tpu.memory_space<vmem>>, vector<1x1xf32>
      tpu.vector_store %arg5[%swap3A_211, %swap3A_212], %broadcast_in_dim3A_210 {strides = array<i32>} : memref<1x1xf32, #tpu.memory_space<vmem>>, vector<1x1xf32>,
    } else {
    }
    %get3A_189 = arith.constant 0 : index
    %get3A_190 = arith.constant 0 : index
    %get3A_191 = vector.load %arg4[%get3A_189, %get3A_190] : memref<1x1xf32, #tpu.memory_space<vmem>>, vector<1x1xf32>
    %add3A_192 = vector.broadcast %add3A_153 : f32 to vector<1x1xf32>
    %add3A_193 = arith.addf %get3A_191, %add3A_192 : vector<1x1xf32>
    %swap3A = arith.constant 0 : index
    %swap3A_194 = arith.constant 0 : index
    %swap3A_195 = vector.load %arg4[%swap3A, %swap3A_194] : memref<1x1xf32, #tpu.memory_space<vmem>>, vector<1x1xf32>
    tpu.vector_store %arg4[%swap3A, %swap3A_194], %add3A_193 {strides = array<i32>} : memref<1x1xf32, #tpu.memory_space<vmem>>, vector<1x1xf32>,
    %get3A_196 = arith.constant 0 : index
    %get3A_197 = arith.constant 0 : index
    %get3A_198 = vector.load %arg5[%get3A_196, %get3A_197] : memref<1x1xf32, #tpu.memory_space<vmem>>, vector<1x1xf32>
    %add3A_199 = vector.broadcast %add3A_184 : f32 to vector<1x1xf32>
    %add3A_200 = arith.addf %get3A_198, %add3A_199 : vector<1x1xf32>
    %swap3A_201 = arith.constant 0 : index
    %swap3A_202 = arith.constant 0 : index
    %swap3A_203 = vector.load %arg5[%swap3A_201, %swap3A_202] : memref<1x1xf32, #tpu.memory_space<vmem>>, vector<1x1xf32>
    tpu.vector_store %arg5[%swap3A_201, %swap3A_202], %add3A_200 {strides = array<i32>} : memref<1x1xf32, #tpu.memory_space<vmem>>, vector<1x1xf32>,
    return
  }
  func.func @transform_0(%arg0: i32) -> (i32, i32, i32) {
    %c0_i32 = arith.constant 0 : i32
    %c0_i32_0 = arith.constant 0 : i32
    %c0_i32_1 = arith.constant 0 : i32
    return %arg0, %c0_i32, %c0_i32_0 : i32, i32, i32
  }
  func.func @transform_1(%arg0: i32) -> (i32, i32, i32) {
    %c0_i32 = arith.constant 0 : i32
    %c0_i32_0 = arith.constant 0 : i32
    %c0_i32_1 = arith.constant 0 : i32
    return %arg0, %c0_i32, %c0_i32_0 : i32, i32, i32
  }
  func.func @transform_2(%arg0: i32) -> (i32, i32, i32) {
    %c0_i32 = arith.constant 0 : i32
    %c0_i32_0 = arith.constant 0 : i32
    %c0_i32_1 = arith.constant 0 : i32
    return %arg0, %c0_i32, %c0_i32_0 : i32, i32, i32
  }
  func.func @transform_3(%arg0: i32) -> (i32, i32) {
    %c0_i32 = arith.constant 0 : i32
    %c0_i32_0 = arith.constant 0 : i32
    %c0_i32_1 = arith.constant 0 : i32
    return %c0_i32, %c0_i32_0 : i32, i32
  }
  func.func @transform_4(%arg0: i32) -> (i32, i32) {
    %c0_i32 = arith.constant 0 : i32
    %c0_i32_0 = arith.constant 0 : i32
    %c0_i32_1 = arith.constant 0 : i32
    return %c0_i32, %c0_i32_0 : i32, i32
  }
}

</mosaic_0001>

<sc_bundles>
// kernel: kernel.4.cloned.1.call-start
scs
__scs_entry_jumppad:
0x0: {  	(pc) =	sbr.rel $0x88, $3  }
0x1: {  	(tag) =	ssettag $0x0;
	lr =	simm.s32 $0x1  }
0x2: {  	[smem:$0x3F9E] =	sst lr;
	_ =	strace $0xD0000000  }
0x3: {  	_ = 	snop  }
0x4: {  	_ = 	snop  }
0x5: {  	_ = 	snop  }
0x6: {  	_ = 	snop  }
0x7: {  	_ = 	snop  }
__scs_overlays_trampoline_lowered:
0x8: {  	[smem:$0x3FAD] =	sst s0  }
0x9: {  	[smem:$0x3FAE] =	sst s1  }
0xa: {  	[smem:$0x3FAF] =	sst s2  }
0xb: {  	[smem:$0x3FB0] =	sst s3  }
0xc: {  	[smem:$0x3FB1] =	sst s4  }
0xd: {  	[smem:$0x3FB2] =	sst s5  }
0xe: {  	[smem:$0x3FB3] =	sst s6  }
0xf: {  	[smem:$0x3FB4] =	sst s7  }
0x10: {  	[smem:$0x3FB5] =	sst s8  }
0x11: {  	[smem:$0x3FB6] =	sst s9;
	s0 =	simm.s32 @!p0 $0x0  }
0x12: {  	s1 =	sld [smem:$0x3F9C];
	s0 =	simm.s32 @p0 $0x1  }
0x13: {  	[smem:$0x3FB7] =	sst s0;
	s0 =	simm.s32 @!p1 $0x0  }
0x14: {  	s2 =	sld [smem:$0x3F9B];
	s0 =	simm.s32 @p1 $0x1  }
0x15: {  	[smem:$0x3FB8] =	sst s0;
	s0 =	simm.s32 @!p2 $0x0  }
0x16: {  	s3 =	sld [smem:$0x3FDB];
	s0 =	simm.s32 @p2 $0x1  }
0x17: {  	s4 =	simm.s32 $0x1BF5;
	[smem:$0x3FBA] =	sst s0  }
0x18: {  	s0 =	sld [smem:$0x3F9D];
	_ =	swait.ge [sflag:s4], $0x0  }
0x19: {  	s7 =	sld [smem:$0x3F9E]  }
0x1a: {  	s8 =	sadd.s32 $0xFFFFE003, lr  }
0x1b: {  	s9 =	sadd.s32 $0xFFFFFEF7, lr;
	s5 =	simm.s32 $0xFFFFFFFF;
	p2 =	slt.u32 s8, $0xFFFFF086  }
0x1c: {  	p1 =	slt.u32 s9, $0xF7A;
	s5 =	simm.s32 @!p2 $0x0  }
0x1d: {  	s5 =	simm.s32 @p1 $0x1;
	p0 =	seq.s32 s7, s2  }
0x1e: {  	s7 =	smul.u32 @!p0 $0xF7A, s2;
	p2 =	seq.s32 @!p0 s5, $0x0  }
0x1f: {  	s9 =	smul.u32 $0xF7A, s1;
	s8 =	simm.s32 @!p0 $0x1BF5;
	p2 =	por !p2, p0  }
0x20: {  	[sflag:s8] =	ssyncset.s32 @!p0 $0xFFFFF086;
	s6 =	sadd.s32 @!p0 s3, s7;
	s7 =	simm.s32 @!p0 $0x108  }
0x21: {  	s3 =	sadd.s32 s3, s9;
	s6 =	sadd.s32 @!p0 $0x88, s6;
	s7 =	simm.s32 @p2 $0x1082  }
0x22: {  	[simem:s7], [sflag:s8] =	dma.local @!p0 [hbm:s6], $0xF7A  }
0x23: {  	s9 =	sor.u32 $0xD0000000, s2;
	s6 =	simm.s32 $0x108;
	_ =	swait.ge @!p0 [sflag:s8], $0x0  }
0x24: {  	s3 =	sadd.s32 $0x88, s3;
	s6 =	simm.s32 @!p1 $0x1082;
	[sflag:s4] =	ssyncset.s32 $0xFFFFF086  }
0x25: {  	[simem:s6], [sflag:s4] =	dma.local [hbm:s3], $0xF7A  }
0x26: {  	[smem:$0x3F9E] =	sst s1;
	(tag) =	ssettag s2;
	_ =	strace s9  }
0x27: {  	s1 =	sld [smem:$0x3FAE]  }
0x28: {  	s2 =	sld [smem:$0x3FAF]  }
0x29: {  	s4 =	sld [smem:$0x3FB1]  }
0x2a: {  	p0 =	seq.s32 s5, $0x0;
	s5 =	sld [smem:$0x3FB2]  }
0x2b: {  	s6 =	sld [smem:$0x3FB3]  }
0x2c: {  	s7 =	sld [smem:$0x3FB4]  }
0x2d: {  	s3 =	simm.s32 $0x108;
	s8 =	sld [smem:$0x3FB5]  }
0x2e: {  	s3 =	simm.s32 @!p0 $0x1082;
	s9 =	sld [smem:$0x3FB6]  }
0x2f: {  	lr =	sadd.s32 s0, s3;
	s0 =	sld [smem:$0x3FAD]  }
0x30: {  	s3 =	sld [smem:$0x3FB0]  }
0x31: {  	[smem:$0x3FB9] =	sst s10  }
0x32: {  	s10 =	sld [smem:$0x3FB7];
	_ =	sdelay $0x3  }
0x33: {  	p0 =	seq.s32 s10, $0x1;
	s10 =	sld [smem:$0x3FB9];
	_ =	sdelay $0x3  }
0x34: {  	[smem:$0x3FB9] =	sst s10  }
0x35: {  	s10 =	sld [smem:$0x3FB8];
	_ =	sdelay $0x3  }
0x36: {  	p1 =	seq.s32 s10, $0x1;
	s10 =	sld [smem:$0x3FB9];
	_ =	sdelay $0x3  }
0x37: {  	[smem:$0x3FB9] =	sst s10  }
0x38: {  	s10 =	sld [smem:$0x3FBA]  }
0x39: {  	_ = 	snop;
	(pc) =	sbr.ind lr, $3  }
0x3a: {  	_ = 	snop  }
0x3b: {  	_ = 	snop  }
0x3c: {  	p2 =	seq.s32 s10, $0x1;
	s10 =	sld [smem:$0x3FB9]  }
0x3d: {  	_ =	shalt  }
0x3e: {  	_ =	shalt  }
0x3f: {  	_ =	shalt  }
0x40: {  	_ =	shalt  }
0x41: {  	_ =	shalt  }
0x42: {  	_ =	shalt  }
0x43: {  	_ =	shalt  }
0x44: {  	_ =	shalt  }
0x45: {  	_ =	shalt  }
0x46: {  	_ =	shalt  }
0x47: {  	_ =	shalt  }
0x48: {  	_ =	shalt  }
0x49: {  	_ =	shalt  }
0x4a: {  	_ =	shalt  }
0x4b: {  	_ =	shalt  }
0x4c: {  	_ =	shalt  }
0x4d: {  	_ =	shalt  }
0x4e: {  	_ =	shalt  }
0x4f: {  	_ =	shalt  }
0x50: {  	_ =	shalt  }
0x51: {  	_ =	shalt  }
0x52: {  	_ =	shalt  }
0x53: {  	_ =	shalt  }
0x54: {  	_ =	shalt  }
0x55: {  	_ =	shalt  }
0x56: {  	_ =	shalt  }
0x57: {  	_ =	shalt  }
0x58: {  	_ =	shalt  }
0x59: {  	_ =	shalt  }
0x5a: {  	_ =	shalt  }
0x5b: {  	_ =	shalt  }
0x5c: {  	_ =	shalt  }
0x5d: {  	_ =	shalt  }
0x5e: {  	_ =	shalt  }
0x5f: {  	_ =	shalt  }
0x60: {  	_ =	shalt  }
0x61: {  	_ =	shalt  }
0x62: {  	_ =	shalt  }
0x63: {  	_ =	shalt  }
0x64: {  	_ =	shalt  }
0x65: {  	_ =	shalt  }
0x66: {  	_ =	shalt  }
0x67: {  	_ =	shalt  }
0x68: {  	_ =	shalt  }
0x69: {  	_ =	shalt  }
0x6a: {  	_ =	shalt  }
0x6b: {  	_ =	shalt  }
0x6c: {  	_ =	shalt  }
0x6d: {  	_ =	shalt  }
0x6e: {  	_ =	shalt  }
0x6f: {  	_ =	shalt  }
0x70: {  	_ =	shalt  }
0x71: {  	_ =	shalt  }
0x72: {  	_ =	shalt  }
0x73: {  	_ =	shalt  }
0x74: {  	_ =	shalt  }
0x75: {  	_ =	shalt  }
0x76: {  	_ =	shalt  }
0x77: {  	_ =	shalt  }
0x78: {  	_ =	shalt  }
0x79: {  	_ =	shalt  }
0x7a: {  	_ =	shalt  }
0x7b: {  	_ =	shalt  }
0x7c: {  	_ =	shalt  }
0x7d: {  	_ =	shalt  }
0x7e: {  	_ =	shalt  }
0x7f: {  	_ =	shalt  }
0x80: {  	_ =	shalt  }
0x81: {  	_ =	shalt  }
0x82: {  	_ =	shalt  }
0x83: {  	_ =	shalt  }
0x84: {  	_ =	shalt  }
0x85: {  	_ =	shalt  }
0x86: {  	_ =	shalt  }
0x87: {  	_ =	shalt  }
.Lfunc_end0:
.L_simem_size_0:
called_computation_lowered:
.L_overlay_start_0:
0x88: {  	s2 =	sld [smem:$0x3FD9]  }
0x89: {  	s3 =	sld [smem:$0x3FFE];
	_ =	sdelay $0x1  }
0x8a: {  	s1 =	srdreg.scid  }
0x8b: {  	s0 =	sand.u32 $0x1, s1  }
0x8c: {  	s14 =	sshll.u32 s0, $0xA;
	s2 =	sadd.s32 s3, s2  }
0x8d: {  	s2 =	sadd.s32 s2, s14  }
0x8e: {  	[smem:$0x3FC5] =	sst s2  }
0x8f: {  	_ = 	snop  }
0x90: {  	s2 =	sld [smem:$0x3FD0];
	_ =	sdelay $0x2  }
0x91: {  	s15 =	simm.s32 $0xA;
	s4 =	simm.s32 $0x10  }
0x92: {  	[smem:s4], [sflag:s15] =	dma.local [hbm:s2], $0x1  }
0x93: {  	_ =	swait.eq [sflag:s15], $0x1  }
0x94: {  	[sflag:s15] =	ssyncset.done $0x0  }
0x95: {  	[sflag:s15] =	ssyncadd.s32 $0xFFFFFFFF  }
0x96: {  	s16 =	sld [smem:$0x11];
	(tm) =	ssettm $0x1  }
0x97: {  	s17 =	sld [smem:$0x3FFB];
	_ =	sdelay $0x3  }
0x98: {  	_ =	strace s17  }
0x99: {  	s3 =	sld [smem:$0x3FFC];
	_ =	sdelay $0x3  }
0x9a: {  	_ =	strace s3  }
0x9b: {  	s3 =	sld [smem:$0x3FFD];
	_ =	sdelay $0x3  }
0x9c: {  	_ =	strace s3  }
0x9d: {  	_ =	strace $0x8FFFFFFF  }
0x9e: {  	s18 =	sld [smem:$0x3FDB];
	_ =	sdelay $0x1  }
0x9f: {  	s19 =	simm.s32 $_scs_section_size  }
0xa0: {  	s5 =	simm.s32 $_size__tile_overlayer_lowered;
	s6 =	simm.s32 $_tile_overlayer_lowered  }
0xa1: {  	s22 =	simm.s32 $0x1BFF;
	s21 =	sshll.u32 s6, $0x1;
	s3 =	sadd.s32 s19, s18  }
0xa2: {  	s7 =	simm.s32 $0x0;
	s20 =	sshll.u32 s5, $0x1;
	s5 =	sadd.s32 s21, s3  }
0xa3: {  	[timem:s7], [sflag:s22] =	dma.local [hbm:s5], s20  }
0xa4: {  	_ =	swait.ge [sflag:s22], s20  }
0xa5: {  	s4 =	ssub.s32 $0x0, s20;
	[sflag:s22] =	ssyncset.done $0x0  }
0xa6: {  	[sflag:s22] =	ssyncadd.s32 s4;
	_ =	sdelay $0x1  }
0xa7: {  	s23 =	simm.s32 $0x1B8B  }
0xa8: {  	_ =	swait.ge [sflag:s23], $0x1  }
0xa9: {  	[sflag:s23] =	ssyncset.done $0x0  }
0xaa: {  	s25 =	simm.s32 $0x1B8E;
	s24 =	sld [smem:$0x3FFE];
	[sflag:s23] =	ssyncadd.s32 $0xFFFFFFFF  }
0xab: {  	s26 =	simm.s32 $execute0_lowered;
	[smem:$0x3FD2] =	sst s25  }
0xac: {  	s5 =	sshll.u32 s26, $0x1;
	_ =	strace $0x80000046;
	[dreg:$0x1] =	wrdreg $0xFFFFFFFF  }
0xad: {  	s28 =	simm.s32 $_size_execute0_lowered;
	s3 =	sadd.s32 s3, s5;
	[dreg:$0x0] =	wrdreg $0x0  }
0xae: {  	s5 =	sshll.u32 s28, $0x1;
	[dreg:$0x2] =	wrdreg s3  }
0xaf: {  	[dreg:$0x3] =	wrdreg s5  }
0xb0: {  	[dreg:$0x4] =	wrdreg $0xC0  }
0xb1: {  	_ =	task [dreg:s7], $0x5FFFF  }
0xb2: {  	[dreg:$0x1] =	wrdreg $0xFFFFFFFF  }
0xb3: {  	[dreg:$0x0] =	wrdreg $0x60  }
0xb4: {  	[dreg:$0x2] =	wrdreg s24  }
0xb5: {  	[dreg:$0x3] =	wrdreg s16  }
0xb6: {  	[dreg:$0x4] =	wrdreg $0x9  }
0xb7: {  	_ =	task.clear_ibuf [dreg:s7], $0x5FFFF;
	_ =	strace $0x90000046  }
0xb8: {  	s29 =	simm.s32 $0x9;
	_ =	strace $0x80000048  }
0xb9: {  	_ =	swait.ge [sflag:s29], $0x1  }
0xba: {  	[sflag:s29] =	ssyncadd.s32 $0xFFFFFFFF  }
0xbb: {  	_ =	strace $0x90000048  }
0xbc: {  	_ =	sfence  }
0xbd: {  	s30 =	sld [smem:$0x0];
	_ =	sdelay $0x2  }
0xbe: {  	s31 =	sshll.u32 s1, $0xD;
	s1 =	sshrl.u32 s1, $0x2  }
0xbf: {  	s3 =	sand.u32 $0x4000, s31;
	s1 =	sadd.s32 s1, s30  }
0xc0: {  	s0 =	sor.u32 s3, s0;
	s1 =	sshll.u32 s1, $0x11  }
0xc1: {  	s0 =	sor.u32 s1, s0  }
0xc2: {  	s0 =	sadd.s32 $0x8F2B, s0  }
0xc3: {  	[sflag:s0] =	ssyncadd.remote.s32 $0x1  }
0xc4: {  	_ =	sfence.sel $0xFFFF  }
0xc5: {  	[dreg:$0x0] =	wrdreg $0xFFFFFFFF;
	(pc) =	sbr.abs _section_cstart, $3  }
0xc6: {  	[dreg:$0x1] =	wrdreg $0xFFFFFFFF  }
0xc7: {  	_ =	task.clear_ibuf [dreg:s7], $0x2FFFF;
	_ =	strace $0x9FFFFFFF  }
0xc8: {  	(tm) =	ssettm $0x7FFFFFFF  }
0xc9: {  	_ =	shalt  }
tec
execute0_lowered:
.L_overlay_start_1:
0x0: {  	(tag) =	ssettag $0x1  }
0x1: {  	s4 =	rddreg [dreg:$0x0];
	s1 =	srdreg.scid  }
0x2: {  	s0 =	stileid.u32;
	s2 =	rddreg [dreg:$0x1];
	s10 =	simm.s32 $0x1400  }
0x3: {  	s11 =	simm.s32 $0x3;
	s12 =	simm.s32 $0x1;
	s13 =	simm.s32 $0x2  }
0x4: {  	s14 =	simm.s32 $0x600;
	s15 =	simm.s32 $0x1480;
	s16 =	simm.s32 $0x0  }
0x5: {  	s5 =	sand.u32 $0x1, s1;
	s3 =	sshll.u32 s0, $0x1;
	s1 =	rddreg [dreg:$0x2]  }
0x6: {  	s7 =	sshrl.u32 s0, $0x2;
	s6 =	sor.u32 s5, s3;
	s3 =	simm.s32 $0x0  }
0x7: {  	s9 =	smul.u32 $0x3000, s7;
	s7 =	sshll.u32 s7, $0xA;
	s8 =	sshll.u32 s6, $0x7  }
0x8: {  	s5 =	ssub.s32 $0x2, s5;
	[smem:$0x7FF] =	sst s3;
	s8 =	sand.u32 $0x380, s8  }
0x9: {  	s31 =	sshrl.u32 s5, $0x1;
	s9 =	sor.u32 s9, s8;
	s7 =	sor.u32 s7, s8  }
0xa: {  	vm0 =	vcmask $0x300;
	vm1 =	vcmask $0x704;
	_ =	strace $0x80000047;
	s9 =	sshrl.u32 s9, $0x3;
	s7 =	sshrl.u32 s7, $0x3  }
0xb: {  	vm2 =	vcmask $0xB08;
	v9 =	vimm.s32 $0x8;
	v10 =	vimm.s32 $0x9;
	s8 =	ssub.s32 s5, s31;
	s30 =	sadd.s32 s9, s4;
	s7 =	sadd.s32 s7, s4  }
0xc: {  	v11 =	vimm.s32 $0xA;
	v12 =	vimm.s32 $0xB;
	v0 =	vmov s6;
	s9 =	simm.s32 $0x400;
	s4 =	sadd.s32 $0x2000, s30;
	s5 =	sadd.s32 $0x800, s30  }
0xd: {  	v13 =	vimm.s32 $0xC;
	v14 =	vimm.s32 $0xD;
	v15 =	vimm.s32 $0xE;
	[tilespmem:$0x1FFF0] =	vst v0;
	s6 =	sadd.s32 $0x3800, s7;
	s7 =	smax.u32 s8, $0x1;
	s8 =	simm.s32 $0x80  }
.LBB2_1:
0xe: {  	[tilespmem:s3], [sflag:$0x1] =	stream.strided.gather [hbm4b:s4+s8], $0x600, s9, s8, $0x38;
	[tilespmem:$0x1500] =	vst v63  }
0xf: {  	_ = 	snop  }
0x10: {  	[tilespmem:s14], [sflag:$0x2] =	stream.strided.gather [hbm4b:s5+s8], $0x600, s9, s8, $0x38;
	[tilespmem:$0x1500] =	vst v63  }
0x11: {  	_ = 	snop  }
0x12: {  	[tilespmem:s10], [sflag:$0x3] =	stream.linear.gather [hbm4b:s2+s3], $0x80, $0x38;
	[tilespmem:$0x1500] =	vst v63  }
0x13: {  	_ =	swait.ge [sflag:s11], $0x80  }
0x14: {  	[sflag:s11] =	ssyncset.done $0x0  }
0x15: {  	[sflag:s11] =	ssyncadd.s32 $0xFFFFFF80  }
0x16: {  	_ =	swait.ge [sflag:s12], $0x600  }
0x17: {  	[sflag:s12] =	ssyncset.done $0x0  }
0x18: {  	[sflag:s12] =	ssyncadd.s32 $0xFFFFFA00  }
0x19: {  	_ =	swait.ge [sflag:s13], $0x600  }
0x1a: {  	[sflag:s13] =	ssyncset.done $0x0  }
0x1b: {  	[sflag:s13] =	ssyncadd.s32 $0xFFFFFA00  }
0x1c: {  	s17 =	sand.u32 $0x1F0, s3;
	v17 =	vld [tilespmem:s14+$0x0]  }
0x1d: {  	v18 =	vld [tilespmem:s17+$0x800];
	_ =	sdelay $0x1  }
0x1e: {  	v19 =	vld [tilespmem:s17+$0xA00];
	_ =	sdelay $0x1  }
0x1f: {  	v20 =	vmul.f32 $-2.000000000e+00, v17  }
0x20: {  	v17 =	vmul.f32 v17, v17;
	v21 =	vmul.f32 v18, v18  }
0x21: {  	v18 =	vmul.f32 $-2.000000000e+00, v18  }
0x22: {  	s17 =	simm.s32 $0xC00;
	v63 =	vmul.f32 $-2.000000000e+00, v19;
	v19 =	vmul.f32 v19, v19;
	v17 =	vadd.f32 v21, v17  }
0x23: {  	s18 =	simm.s32 $0xE00;
	[tilespmem:s17+$0x0] =	vst v20  }
0x24: {  	s20 =	simm.s32 $0x1000;
	s23 =	simm.s32 $0x1200;
	s19 =	simm.s32 $0x10;
	[tilespmem:s18+$0x0] =	vst v18;
	v17 =	vadd.f32 v19, v17  }
0x25: {  	s21 =	simm.s32 $0x1210;
	s22 =	simm.s32 $0x600;
	[tilespmem:s20+$0x0] =	vst v63;
	s20 =	simm.s32 $0x1010  }
.LBB2_2:
0x26: {  	[tilespmem:s23+$0x0] =	vst v17;
	s22 =	sadd.s32 $0x10, s22;
	s17 =	sadd.s32 $0x10, s17;
	s18 =	sadd.s32 $0x10, s18  }
0x27: {  	s24 =	sand.u32 $0x1F0, s19;
	p0 =	sne.s32 s19, $0x1F0;
	s19 =	sadd.s32 $0x10, s19;
	v17 =	vld [tilespmem:s22+$0x0]  }
0x28: {  	s23 =	smov.u32 s21;
	v18 =	vld [tilespmem:s24+$0x800];
	_ =	sdelay $0x1  }
0x29: {  	v19 =	vld [tilespmem:s24+$0xA00];
	_ =	sdelay $0x1  }
0x2a: {  	v20 =	vmul.f32 $-2.000000000e+00, v17  }
0x2b: {  	v17 =	vmul.f32 v17, v17;
	v21 =	vmul.f32 v18, v18  }
.Ltmp0:
0x2c: {  	v18 =	vmul.f32 $-2.000000000e+00, v18;
	[tilespmem:s17+$0x0] =	vst v20;
	(pc) =	sbr.rel @p0 .LBB2_2-.Ltmp0, $4  }
0x2d: {  	v20 =	vmul.f32 $-2.000000000e+00, v19;
	v17 =	vadd.f32 v21, v17;
	v19 =	vmul.f32 v19, v19  }
0x2e: {  	[tilespmem:s18+$0x0] =	vst v18  }
0x2f: {  	[tilespmem:s20+$0x0] =	vst v20;
	v17 =	vadd.f32 v19, v17  }
0x30: {  	s21 =	sadd.s32 $0x10, s21;
	s20 =	sadd.s32 $0x10, s20  }
0x31: {  	[tilespmem:s23+$0x0] =	vst v17;
	s17 =	simm.s32 $0x0;
	v4 =	vimm.f32 $0.0e+00  }
.LBB2_4:
0x32: {  	s18 =	sshll.u32 s17, $0x7  }
0x33: {  	s20 =	sand.u32 $0x3FFFFF80, s18  }
0x34: {  	v39 =	vld [tilespmem:s20+$0x0]  }
0x35: {  	v36 =	vld [tilespmem:s20+$0x10]  }
0x36: {  	v34 =	vld [tilespmem:s20+$0x20]  }
0x37: {  	v30 =	vld [tilespmem:s20+$0x30]  }
0x38: {  	v28 =	vld [tilespmem:s20+$0x40]  }
0x39: {  	v23 =	vld [tilespmem:s20+$0x50]  }
0x3a: {  	v21 =	vld [tilespmem:s20+$0x60]  }
0x3b: {  	v17 =	vld [tilespmem:s20+$0x70]  }
0x3c: {  	v40 =	vld [tilespmem:s20+$0x200]  }
0x3d: {  	v38 =	vld [tilespmem:s20+$0x210]  }
0x3e: {  	v33 =	vld [tilespmem:s20+$0x220]  }
0x3f: {  	v31 =	vld [tilespmem:s20+$0x230]  }
0x40: {  	v29 =	vld [tilespmem:s20+$0x240]  }
0x41: {  	v25 =	vld [tilespmem:s20+$0x250]  }
0x42: {  	v20 =	vld [tilespmem:s20+$0x260]  }
0x43: {  	v18 =	vld [tilespmem:s20+$0x270]  }
0x44: {  	v41 =	vld [tilespmem:s20+$0x400]  }
0x45: {  	v37 =	vld [tilespmem:s20+$0x410]  }
0x46: {  	v52 =	vimm.f32 $+Inf;
	v35 =	vld [tilespmem:s20+$0x420]  }
0x47: {  	v47 =	vimm.s32 $0x0;
	v48 =	vimm.s32 $0x0;
	v49 =	vimm.s32 $0x0;
	v32 =	vld [tilespmem:s20+$0x430]  }
0x48: {  	v50 =	vimm.s32 $0x0;
	v51 =	vimm.s32 $0x0;
	v53 =	vimm.s32 $0x0;
	v27 =	vld [tilespmem:s20+$0x440]  }
0x49: {  	v59 =	vimm.s32 $0x0;
	v62 =	vimm.s32 $0x0;
	v54 =	vimm.f32 $+Inf;
	v24 =	vld [tilespmem:s20+$0x450]  }
0x4a: {  	s19 =	simm.s32 $0xE00;
	v55 =	vimm.f32 $+Inf;
	v56 =	vimm.f32 $+Inf;
	v57 =	vimm.f32 $+Inf;
	s21 =	simm.s32 $0x1200;
	v22 =	vld [tilespmem:s20+$0x460]  }
0x4b: {  	[tilespmem:$0x1FFE0] =	vst v4;
	s22 =	simm.s32 $0x0;
	v58 =	vimm.f32 $+Inf;
	v60 =	vimm.f32 $+Inf;
	v61 =	vimm.f32 $+Inf;
	s18 =	simm.s32 $0xC00;
	v19 =	vld [tilespmem:s20+$0x470];
	s20 =	simm.s32 $0x1000  }
.LBB2_5:
0x4c: {  	v45 =	vld [tilespmem:s18+$0x0]  }
0x4d: {  	v46 =	vld [tilespmem:s19+$0x0]  }
0x4e: {  	v44 =	vld [tilespmem:s20+$0x0];
	_ =	sdelay $0x2  }
0x4f: {  	v4 =	vimm.s32 $0x0  }
0x50: {  	v43 =	vld [tilespmem:s21+$0x0];
	v63 =	vperm.xlane v45, v4;
	v0 =	vperm.xlane v46, v4  }
0x51: {  	v26 =	vperm.xlane v44, v4  }
0x52: {  	v42 =	vmul.f32 v63, v39;
	v1 =	vmul.f32 v0, v40  }
0x53: {  	v2 =	vmul.f32 v63, v36  }
0x54: {  	v3 =	vmul.f32 v0, v38;
	v1 =	vadd.f32 v1, v42;
	v42 =	vmul.f32 v26, v41  }
0x55: {  	v4 =	vperm.xlane v43, v4;
	v5 =	vmul.f32 v0, v33  }
0x56: {  	v2 =	vadd.f32 v3, v2;
	v3 =	vmul.f32 v63, v34;
	v1 =	vadd.f32 v42, v1  }
0x57: {  	v8 =	vimm.s32 $0x1;
	v16 =	vimm.s32 $0x2;
	v42 =	vmul.f32 v26, v37  }
0x58: {  	v3 =	vadd.f32 v5, v3;
	v5 =	vmul.f32 v26, v35;
	v1 =	vadd.f32 v1, v4  }
0x59: {  	v6 =	vmul.f32 v0, v31;
	v7 =	vmul.f32 v0, v29;
	v2 =	vadd.f32 v42, v2  }
0x5a: {  	v3 =	vadd.f32 v5, v3;
	vm3 =	vlt.f32 v1, v61;
	v1 =	vmin.f32 v1, v61  }
0x5b: {  	v2 =	vadd.f32 v2, v4;
	v61 =	vsel vm3, s22, v62;
	v62 =	vmul.f32 v63, v30  }
0x5c: {  	v42 =	vmov s22;
	v5 =	vmul.f32 v26, v32;
	v3 =	vadd.f32 v3, v4  }
0x5d: {  	vm3 =	vlt.f32 v2, v60;
	v6 =	vadd.f32 v6, v62;
	v62 =	vmul.f32 v63, v28  }
0x5e: {  	v2 =	vmin.f32 v2, v60;
	v60 =	vmul.f32 v63, v23;
	v59 =	vsel vm3, s22, v59  }
0x5f: {  	v5 =	vadd.f32 v5, v6;
	v6 =	vadd.f32 v7, v62;
	v7 =	vmul.f32 v26, v27  }
0x60: {  	vm3 =	vlt.f32 v3, v58;
	v3 =	vmin.f32 v3, v58;
	v62 =	vmul.f32 v0, v25  }
0x61: {  	v58 =	vperm.xlane v46, v8;
	v5 =	vadd.f32 v5, v4;
	v6 =	vadd.f32 v7, v6  }
0x62: {  	v7 =	vsel vm3, s22, v53;
	v62 =	vadd.f32 v62, v60;
	v60 =	vmul.f32 v26, v24  }
0x63: {  	vm3 =	vlt.f32 v5, v57;
	v5 =	vmin.f32 v5, v57;
	v6 =	vadd.f32 v6, v4  }
0x64: {  	v53 =	vadd.f32 v60, v62;
	v62 =	vmul.f32 v63, v21;
	v60 =	vmul.f32 v0, v20  }
0x65: {  	v0 =	vmul.f32 v0, v18;
	v51 =	vsel vm3, s22, v51;
	vm3 =	vlt.f32 v6, v56  }
0x66: {  	v6 =	vmin.f32 v6, v56;
	v56 =	vadd.f32 v60, v62;
	v62 =	vmul.f32 v26, v22  }
0x67: {  	v57 =	vperm.xlane v45, v8;
	v53 =	vadd.f32 v53, v4;
	v60 =	vmul.f32 v63, v17  }
0x68: {  	v26 =	vmul.f32 v26, v19;
	v50 =	vsel vm3, s22, v50;
	v56 =	vadd.f32 v62, v56  }
0x69: {  	vm3 =	vlt.f32 v53, v55;
	v0 =	vadd.f32 v0, v60;
	v53 =	vmin.f32 v53, v55  }
0x6a: {  	v60 =	vmul.f32 v58, v40;
	v62 =	vperm.xlane v43, v8;
	v55 =	vadd.f32 v56, v4  }
0x6b: {  	v56 =	vperm.xlane v44, v8;
	v0 =	vadd.f32 v26, v0;
	v26 =	vmul.f32 v57, v39  }
0x6c: {  	v49 =	vsel vm3, s22, v49;
	v8 =	vmul.f32 v58, v31;
	vm3 =	vlt.f32 v55, v54  }
0x6d: {  	v0 =	vadd.f32 v0, v4;
	v4 =	vadd.f32 v60, v26;
	v26 =	vmul.f32 v56, v41  }
0x6e: {  	v54 =	vmin.f32 v55, v54;
	v55 =	vmul.f32 v57, v36;
	v60 =	vmul.f32 v58, v38  }
0x6f: {  	v48 =	vsel vm3, s22, v48;
	vm3 =	vlt.f32 v0, v52;
	v4 =	vadd.f32 v26, v4  }
0x70: {  	v0 =	vmin.f32 v0, v52;
	v26 =	vadd.f32 v60, v55;
	v52 =	vmul.f32 v56, v37  }
0x71: {  	v63 =	vor.u32 $0x1, v42;
	v55 =	vmul.f32 v57, v34;
	v60 =	vmul.f32 v58, v33  }
0x72: {  	v47 =	vsel vm3, s22, v47;
	v4 =	vadd.f32 v4, v62;
	v26 =	vadd.f32 v52, v26  }
0x73: {  	v52 =	vadd.f32 v60, v55;
	v55 =	vmul.f32 v56, v35;
	v60 =	vmul.f32 v57, v30  }
0x74: {  	vm3 =	vlt.f32 v4, v1;
	v26 =	vadd.f32 v26, v62;
	v1 =	vmin.f32 v4, v1  }
0x75: {  	v52 =	vadd.f32 v55, v52;
	v8 =	vadd.f32 v8, v60;
	v55 =	vmul.f32 v56, v32  }
0x76: {  	v60 =	vmul.f32 v57, v28;
	v4 =	vsel vm3, v63, v61;
	v61 =	vmul.f32 v58, v29  }
0x77: {  	vm3 =	vlt.f32 v26, v2;
	v52 =	vadd.f32 v52, v62;
	v2 =	vmin.f32 v26, v2  }
0x78: {  	v8 =	vadd.f32 v55, v8;
	v26 =	vsel vm3, v63, v59;
	v59 =	vmul.f32 v56, v27  }
0x79: {  	v55 =	vadd.f32 v61, v60;
	v60 =	vmul.f32 v57, v23;
	v61 =	vmul.f32 v58, v25  }
0x7a: {  	vm3 =	vlt.f32 v52, v3;
	v8 =	vadd.f32 v8, v62;
	v3 =	vmin.f32 v52, v3  }
0x7b: {  	v7 =	vsel vm3, v63, v7;
	v52 =	vadd.f32 v59, v55;
	v59 =	vmul.f32 v56, v24  }
0x7c: {  	v55 =	vadd.f32 v61, v60;
	v60 =	vmul.f32 v57, v21;
	v61 =	vmul.f32 v58, v20  }
0x7d: {  	vm3 =	vlt.f32 v8, v5;
	v5 =	vmin.f32 v8, v5;
	v52 =	vadd.f32 v52, v62  }
0x7e: {  	v8 =	vsel vm3, v63, v51;
	v61 =	vadd.f32 v61, v60;
	v60 =	vmul.f32 v56, v22  }
0x7f: {  	v51 =	vadd.f32 v59, v55;
	v55 =	vmul.f32 v57, v17;
	v57 =	vmul.f32 v58, v18  }
0x80: {  	v58 =	vperm.xlane v45, v16;
	v59 =	vperm.xlane v46, v16  }
0x81: {  	v56 =	vmul.f32 v56, v19;
	vm3 =	vlt.f32 v52, v6;
	v6 =	vmin.f32 v52, v6  }
0x82: {  	v51 =	vadd.f32 v51, v62;
	v61 =	vadd.f32 v60, v61;
	v60 =	vperm.xlane v44, v16  }
0x83: {  	v55 =	vadd.f32 v57, v55;
	v57 =	vmul.f32 v58, v39;
	v50 =	vsel vm3, v63, v50  }
0x84: {  	vm3 =	vlt.f32 v51, v53;
	v52 =	vadd.f32 v61, v62;
	v61 =	vmul.f32 v59, v40  }
0x85: {  	v51 =	vmin.f32 v51, v53;
	v53 =	vadd.f32 v56, v55;
	v56 =	vmul.f32 v60, v41  }
0x86: {  	v49 =	vsel vm3, v63, v49;
	vm3 =	vlt.f32 v52, v54;
	v55 =	vadd.f32 v61, v57  }
0x87: {  	v52 =	vmin.f32 v52, v54;
	v54 =	vmul.f32 v58, v36;
	v57 =	vmul.f32 v59, v38  }
0x88: {  	v53 =	vadd.f32 v53, v62;
	v61 =	vperm.xlane v43, v16;
	v62 =	vmul.f32 v60, v37  }
0x89: {  	v16 =	vimm.s32 $0x3;
	v55 =	vadd.f32 v56, v55;
	v54 =	vadd.f32 v57, v54  }
0x8a: {  	v48 =	vsel vm3, v63, v48;
	vm3 =	vlt.f32 v53, v0;
	v0 =	vmin.f32 v53, v0  }
0x8b: {  	v57 =	vmul.f32 v58, v30;
	v53 =	vadd.f32 v55, v61;
	v54 =	vadd.f32 v62, v54  }
0x8c: {  	v47 =	vsel vm3, v63, v47;
	v63 =	vmul.f32 v59, v33;
	v62 =	vmul.f32 v58, v34  }
0x8d: {  	vm3 =	vlt.f32 v53, v1;
	v1 =	vmin.f32 v53, v1;
	v53 =	vadd.f32 v54, v61  }
0x8e: {  	v55 =	vor.u32 $0x2, v42;
	v54 =	vmul.f32 v60, v35;
	v56 =	vadd.f32 v63, v62  }
0x8f: {  	v62 =	vmul.f32 v59, v31;
	v4 =	vsel vm3, v55, v4;
	vm3 =	vlt.f32 v53, v2  }
0x90: {  	v2 =	vmin.f32 v53, v2;
	v53 =	vadd.f32 v54, v56;
	v56 =	vmul.f32 v60, v32  }
0x91: {  	v54 =	vadd.f32 v62, v57;
	v57 =	vmul.f32 v58, v28;
	v62 =	vmul.f32 v59, v29  }
0x92: {  	v63 =	vmul.f32 v59, v25;
	v26 =	vsel vm3, v55, v26;
	v53 =	vadd.f32 v53, v61  }
0x93: {  	v54 =	vadd.f32 v56, v54;
	v56 =	vmul.f32 v60, v27;
	v57 =	vadd.f32 v62, v57  }
0x94: {  	v62 =	vmul.f32 v58, v23;
	vm3 =	vlt.f32 v53, v3;
	v3 =	vmin.f32 v53, v3  }
0x95: {  	v53 =	vadd.f32 v54, v61;
	v54 =	vadd.f32 v56, v57;
	v57 =	vmul.f32 v60, v24  }
0x96: {  	v56 =	vadd.f32 v63, v62;
	v62 =	vmul.f32 v58, v21;
	v63 =	vmul.f32 v59, v20  }
0x97: {  	v7 =	vsel vm3, v55, v7;
	vm3 =	vlt.f32 v53, v5;
	v54 =	vadd.f32 v54, v61  }
0x98: {  	v56 =	vadd.f32 v57, v56;
	v62 =	vadd.f32 v63, v62;
	v63 =	vmul.f32 v60, v22  }
0x99: {  	v5 =	vmin.f32 v53, v5;
	v57 =	vmul.f32 v60, v19;
	v60 =	vperm.xlane v44, v16  }
0x9a: {  	v8 =	vsel vm3, v55, v8;
	vm3 =	vlt.f32 v54, v6;
	v56 =	vadd.f32 v56, v61  }
0x9b: {  	v53 =	vadd.f32 v63, v62;
	v62 =	vmul.f32 v58, v17;
	v63 =	vmul.f32 v59, v18  }
0x9c: {  	v6 =	vmin.f32 v54, v6;
	v58 =	vperm.xlane v45, v16;
	v59 =	vperm.xlane v46, v16  }
0x9d: {  	v50 =	vsel vm3, v55, v50;
	vm3 =	vlt.f32 v56, v51;
	v53 =	vadd.f32 v53, v61  }
0x9e: {  	v54 =	vadd.f32 v63, v62;
	v51 =	vmin.f32 v56, v51;
	v56 =	vmul.f32 v58, v39  }
0x9f: {  	v62 =	vmul.f32 v59, v40;
	v63 =	vmul.f32 v60, v37  }
0xa0: {  	v49 =	vsel vm3, v55, v49;
	vm3 =	vlt.f32 v53, v52;
	v54 =	vadd.f32 v57, v54  }
0xa1: {  	v52 =	vmin.f32 v53, v52;
	v53 =	vadd.f32 v62, v56;
	v56 =	vmul.f32 v60, v41  }
0xa2: {  	v57 =	vmul.f32 v58, v36;
	v54 =	vadd.f32 v54, v61;
	v61 =	vmul.f32 v59, v38  }
0xa3: {  	v62 =	vperm.xlane v43, v16;
	v16 =	vimm.s32 $0x4;
	v53 =	vadd.f32 v56, v53  }
0xa4: {  	v48 =	vsel vm3, v55, v48;
	vm3 =	vlt.f32 v54, v0;
	v61 =	vadd.f32 v61, v57  }
0xa5: {  	v0 =	vmin.f32 v54, v0;
	v53 =	vadd.f32 v53, v62;
	v57 =	vor.u32 $0x3, v42  }
0xa6: {  	v54 =	vadd.f32 v63, v61;
	v61 =	vmul.f32 v58, v34;
	v63 =	vmul.f32 v59, v33  }
0xa7: {  	v47 =	vsel vm3, v55, v47;
	v55 =	vmul.f32 v60, v35;
	vm3 =	vlt.f32 v53, v1  }
0xa8: {  	v1 =	vmin.f32 v53, v1;
	v53 =	vadd.f32 v54, v62;
	v54 =	vadd.f32 v63, v61  }
0xa9: {  	v56 =	vmul.f32 v58, v30;
	v4 =	vsel vm3, v57, v4;
	v61 =	vmul.f32 v59, v31  }
0xaa: {  	v63 =	vmul.f32 v59, v29;
	vm3 =	vlt.f32 v53, v2;
	v54 =	vadd.f32 v55, v54  }
0xab: {  	v55 =	vmul.f32 v60, v32;
	v56 =	vadd.f32 v61, v56;
	v61 =	vmul.f32 v58, v28  }
0xac: {  	v2 =	vmin.f32 v53, v2;
	v26 =	vsel vm3, v57, v26;
	v53 =	vadd.f32 v54, v62  }
0xad: {  	v54 =	vadd.f32 v55, v56;
	v55 =	vadd.f32 v63, v61;
	v56 =	vmul.f32 v60, v27  }
0xae: {  	v61 =	vmul.f32 v58, v23;
	v63 =	vmul.f32 v59, v25;
	vm3 =	vlt.f32 v53, v3  }
0xaf: {  	v3 =	vmin.f32 v53, v3;
	v53 =	vadd.f32 v54, v62;
	v54 =	vadd.f32 v56, v55  }
0xb0: {  	v61 =	vadd.f32 v63, v61;
	v63 =	vmul.f32 v60, v24;
	v56 =	vmul.f32 v58, v17  }
0xb1: {  	v7 =	vsel vm3, v57, v7;
	vm3 =	vlt.f32 v53, v5;
	v5 =	vmin.f32 v53, v5  }
0xb2: {  	v53 =	vadd.f32 v54, v62;
	v54 =	vadd.f32 v63, v61;
	v61 =	vmul.f32 v58, v21  }
0xb3: {  	v63 =	vmul.f32 v59, v20;
	v58 =	vperm.xlane v45, v16  }
0xb4: {  	v8 =	vsel vm3, v57, v8;
	vm3 =	vlt.f32 v53, v6;
	v6 =	vmin.f32 v53, v6  }
0xb5: {  	v53 =	vadd.f32 v54, v62;
	v54 =	vadd.f32 v63, v61;
	v61 =	vmul.f32 v60, v22  }
0xb6: {  	v63 =	vmul.f32 v59, v18;
	v59 =	vperm.xlane v46, v16;
	v50 =	vsel vm3, v57, v50  }
0xb7: {  	vm3 =	vlt.f32 v53, v51;
	v54 =	vadd.f32 v61, v54;
	v61 =	vmul.f32 v60, v19  }
0xb8: {  	v56 =	vadd.f32 v63, v56;
	v51 =	vmin.f32 v53, v51;
	v60 =	vmul.f32 v59, v40  }
0xb9: {  	v63 =	vmul.f32 v59, v31;
	v49 =	vsel vm3, v57, v49;
	v53 =	vadd.f32 v54, v62  }
0xba: {  	v54 =	vperm.xlane v44, v16;
	v55 =	vadd.f32 v61, v56;
	v56 =	vmul.f32 v58, v39  }
0xbb: {  	v61 =	vmul.f32 v59, v38;
	vm3 =	vlt.f32 v53, v52;
	v52 =	vmin.f32 v53, v52  }
0xbc: {  	v53 =	vadd.f32 v55, v62;
	v55 =	vadd.f32 v60, v56;
	v56 =	vmul.f32 v54, v41  }
0xbd: {  	v60 =	vmul.f32 v58, v36;
	v62 =	vperm.xlane v43, v16;
	v16 =	vimm.s32 $0x5  }
0xbe: {  	v48 =	vsel vm3, v57, v48;
	vm3 =	vlt.f32 v53, v0;
	v55 =	vadd.f32 v56, v55  }
0xbf: {  	v0 =	vmin.f32 v53, v0;
	v53 =	vadd.f32 v61, v60;
	v56 =	vmul.f32 v54, v37  }
0xc0: {  	v60 =	vmul.f32 v58, v34;
	v61 =	vmul.f32 v59, v33;
	v47 =	vsel vm3, v57, v47  }
0xc1: {  	v57 =	vor.u32 $0x4, v42;
	v55 =	vadd.f32 v55, v62;
	v53 =	vadd.f32 v56, v53  }
0xc2: {  	v56 =	vadd.f32 v61, v60;
	v60 =	vmul.f32 v54, v35;
	v61 =	vmul.f32 v58, v30  }
0xc3: {  	vm3 =	vlt.f32 v55, v1;
	v53 =	vadd.f32 v53, v62;
	v1 =	vmin.f32 v55, v1  }
0xc4: {  	v55 =	vadd.f32 v60, v56;
	v56 =	vadd.f32 v63, v61;
	v60 =	vmul.f32 v54, v32  }
0xc5: {  	v61 =	vmul.f32 v58, v28;
	v63 =	vmul.f32 v59, v29;
	v4 =	vsel vm3, v57, v4  }
0xc6: {  	vm3 =	vlt.f32 v53, v2;
	v55 =	vadd.f32 v55, v62;
	v2 =	vmin.f32 v53, v2  }
0xc7: {  	v53 =	vadd.f32 v60, v56;
	v56 =	vadd.f32 v63, v61;
	v60 =	vmul.f32 v54, v27  }
0xc8: {  	v61 =	vmul.f32 v58, v23;
	v63 =	vmul.f32 v59, v25;
	v26 =	vsel vm3, v57, v26  }
0xc9: {  	vm3 =	vlt.f32 v55, v3;
	v53 =	vadd.f32 v53, v62;
	v3 =	vmin.f32 v55, v3  }
0xca: {  	v55 =	vadd.f32 v60, v56;
	v56 =	vadd.f32 v63, v61;
	v60 =	vmul.f32 v54, v24  }
0xcb: {  	v61 =	vmul.f32 v58, v21;
	v63 =	vmul.f32 v59, v20;
	v7 =	vsel vm3, v57, v7  }
0xcc: {  	vm3 =	vlt.f32 v53, v5;
	v55 =	vadd.f32 v55, v62;
	v5 =	vmin.f32 v53, v5  }
0xcd: {  	v53 =	vadd.f32 v60, v56;
	v56 =	vadd.f32 v63, v61;
	v60 =	vmul.f32 v54, v22  }
0xce: {  	v54 =	vmul.f32 v54, v19;
	v61 =	vperm.xlane v44, v16;
	v8 =	vsel vm3, v57, v8  }
0xcf: {  	vm3 =	vlt.f32 v55, v6;
	v6 =	vmin.f32 v55, v6;
	v53 =	vadd.f32 v53, v62  }
0xd0: {  	v55 =	vadd.f32 v60, v56;
	v56 =	vmul.f32 v58, v17;
	v58 =	vmul.f32 v59, v18  }
0xd1: {  	v59 =	vperm.xlane v45, v16;
	v60 =	vperm.xlane v46, v16  }
0xd2: {  	v50 =	vsel vm3, v57, v50;
	vm3 =	vlt.f32 v53, v51;
	v55 =	vadd.f32 v55, v62  }
0xd3: {  	v56 =	vadd.f32 v58, v56;
	v58 =	vmul.f32 v59, v39;
	v63 =	vmul.f32 v60, v40  }
0xd4: {  	v51 =	vmin.f32 v53, v51;
	v49 =	vsel vm3, v57, v49;
	vm3 =	vlt.f32 v55, v52  }
0xd5: {  	v53 =	vadd.f32 v54, v56;
	v54 =	vadd.f32 v63, v58;
	v56 =	vmul.f32 v61, v41  }
0xd6: {  	v52 =	vmin.f32 v55, v52;
	v55 =	vmul.f32 v59, v36;
	v58 =	vmul.f32 v60, v38  }
0xd7: {  	v63 =	vmul.f32 v61, v37;
	v53 =	vadd.f32 v53, v62  }
0xd8: {  	v62 =	vperm.xlane v43, v16;
	v54 =	vadd.f32 v56, v54;
	v55 =	vadd.f32 v58, v55  }
0xd9: {  	v48 =	vsel vm3, v57, v48;
	v56 =	vmul.f32 v59, v34;
	vm3 =	vlt.f32 v53, v0  }
0xda: {  	v0 =	vmin.f32 v53, v0;
	v53 =	vadd.f32 v54, v62;
	v55 =	vadd.f32 v63, v55  }
0xdb: {  	v54 =	vor.u32 $0x5, v42;
	v63 =	vmul.f32 v60, v33;
	v47 =	vsel vm3, v57, v47  }
0xdc: {  	vm3 =	vlt.f32 v53, v1;
	v1 =	vmin.f32 v53, v1;
	v53 =	vadd.f32 v55, v62  }
0xdd: {  	v57 =	vmul.f32 v59, v30;
	v55 =	vmul.f32 v61, v35;
	v56 =	vadd.f32 v63, v56  }
0xde: {  	v63 =	vmul.f32 v60, v31;
	v4 =	vsel vm3, v54, v4;
	vm3 =	vlt.f32 v53, v2  }
0xdf: {  	v2 =	vmin.f32 v53, v2;
	v53 =	vadd.f32 v55, v56;
	v56 =	vmul.f32 v61, v32  }
0xe0: {  	v55 =	vadd.f32 v63, v57;
	v57 =	vmul.f32 v59, v28;
	v63 =	vmul.f32 v60, v29  }
0xe1: {  	v58 =	vmul.f32 v59, v23;
	v16 =	vimm.s32 $0x6;
	v53 =	vadd.f32 v53, v62  }
0xe2: {  	v55 =	vadd.f32 v56, v55;
	v56 =	vmul.f32 v61, v27;
	v57 =	vadd.f32 v63, v57  }
0xe3: {  	v26 =	vsel vm3, v54, v26;
	v63 =	vmul.f32 v60, v25;
	vm3 =	vlt.f32 v53, v3  }
0xe4: {  	v3 =	vmin.f32 v53, v3;
	v53 =	vadd.f32 v55, v62;
	v55 =	vadd.f32 v56, v57  }
0xe5: {  	v56 =	vadd.f32 v63, v58;
	v57 =	vmul.f32 v61, v24;
	v58 =	vmul.f32 v59, v21  }
0xe6: {  	v63 =	vmul.f32 v60, v20;
	v60 =	vmul.f32 v60, v18;
	v7 =	vsel vm3, v54, v7  }
0xe7: {  	vm3 =	vlt.f32 v53, v5;
	v55 =	vadd.f32 v55, v62;
	v56 =	vadd.f32 v57, v56  }
0xe8: {  	v5 =	vmin.f32 v53, v5;
	v53 =	vadd.f32 v63, v58;
	v63 =	vmul.f32 v61, v22  }
0xe9: {  	v58 =	vperm.xlane v45, v16;
	v57 =	vmul.f32 v61, v19;
	v8 =	vsel vm3, v54, v8  }
0xea: {  	vm3 =	vlt.f32 v55, v6;
	v56 =	vadd.f32 v56, v62;
	v53 =	vadd.f32 v63, v53  }
0xeb: {  	v6 =	vmin.f32 v55, v6;
	v63 =	vmul.f32 v59, v17;
	v59 =	vperm.xlane v46, v16  }
0xec: {  	v50 =	vsel vm3, v54, v50;
	vm3 =	vlt.f32 v56, v51;
	v53 =	vadd.f32 v53, v62  }
0xed: {  	v55 =	vadd.f32 v60, v63;
	v60 =	vperm.xlane v44, v16;
	v51 =	vmin.f32 v56, v51  }
0xee: {  	v56 =	vmul.f32 v58, v39;
	v61 =	vmul.f32 v59, v40;
	v49 =	vsel vm3, v54, v49  }
0xef: {  	vm3 =	vlt.f32 v53, v52;
	v55 =	vadd.f32 v57, v55;
	v52 =	vmin.f32 v53, v52  }
0xf0: {  	v53 =	vadd.f32 v61, v56;
	v56 =	vmul.f32 v60, v41;
	v57 =	vmul.f32 v58, v36  }
0xf1: {  	v61 =	vmul.f32 v59, v38;
	v63 =	vmul.f32 v60, v37;
	v55 =	vadd.f32 v55, v62  }
0xf2: {  	v48 =	vsel vm3, v54, v48;
	v62 =	vperm.xlane v43, v16;
	v53 =	vadd.f32 v56, v53  }
0xf3: {  	v61 =	vadd.f32 v61, v57;
	v57 =	vor.u32 $0x6, v42;
	vm3 =	vlt.f32 v55, v0  }
0xf4: {  	v56 =	vmul.f32 v58, v30;
	v53 =	vadd.f32 v53, v62;
	v47 =	vsel vm3, v54, v47  }
0xf5: {  	v54 =	vadd.f32 v63, v61;
	v61 =	vmul.f32 v58, v34;
	v63 =	vmul.f32 v59, v33  }
0xf6: {  	v0 =	vmin.f32 v55, v0;
	v55 =	vmul.f32 v60, v35;
	vm3 =	vlt.f32 v53, v1  }
0xf7: {  	v1 =	vmin.f32 v53, v1;
	v53 =	vadd.f32 v54, v62;
	v54 =	vadd.f32 v63, v61  }
0xf8: {  	v16 =	vimm.s32 $0x7;
	v4 =	vsel vm3, v57, v4;
	v61 =	vmul.f32 v59, v31  }
0xf9: {  	v63 =	vmul.f32 v59, v29;
	vm3 =	vlt.f32 v53, v2;
	v54 =	vadd.f32 v55, v54  }
0xfa: {  	v55 =	vmul.f32 v60, v32;
	v56 =	vadd.f32 v61, v56;
	v61 =	vmul.f32 v58, v28  }
0xfb: {  	v2 =	vmin.f32 v53, v2;
	v26 =	vsel vm3, v57, v26;
	v53 =	vadd.f32 v54, v62  }
0xfc: {  	v54 =	vadd.f32 v55, v56;
	v55 =	vadd.f32 v63, v61;
	v56 =	vmul.f32 v60, v27  }
0xfd: {  	v61 =	vmul.f32 v58, v23;
	v63 =	vmul.f32 v59, v25;
	vm3 =	vlt.f32 v53, v3  }
0xfe: {  	v3 =	vmin.f32 v53, v3;
	v53 =	vadd.f32 v54, v62;
	v54 =	vadd.f32 v56, v55  }
0xff: {  	v61 =	vadd.f32 v63, v61;
	v63 =	vmul.f32 v60, v24;
	v56 =	vmul.f32 v58, v17  }
0x100: {  	v7 =	vsel vm3, v57, v7;
	vm3 =	vlt.f32 v53, v5;
	v5 =	vmin.f32 v53, v5  }
0x101: {  	v53 =	vadd.f32 v54, v62;
	v54 =	vadd.f32 v63, v61;
	v61 =	vmul.f32 v58, v21  }
0x102: {  	v63 =	vmul.f32 v59, v20;
	v58 =	vperm.xlane v45, v16  }
0x103: {  	v8 =	vsel vm3, v57, v8;
	vm3 =	vlt.f32 v53, v6;
	v6 =	vmin.f32 v53, v6  }
0x104: {  	v53 =	vadd.f32 v54, v62;
	v54 =	vadd.f32 v63, v61;
	v61 =	vmul.f32 v60, v22  }
0x105: {  	v63 =	vmul.f32 v59, v18;
	v59 =	vperm.xlane v46, v16;
	v50 =	vsel vm3, v57, v50  }
0x106: {  	vm3 =	vlt.f32 v53, v51;
	v54 =	vadd.f32 v61, v54;
	v61 =	vmul.f32 v60, v19  }
0x107: {  	v56 =	vadd.f32 v63, v56;
	v51 =	vmin.f32 v53, v51;
	v60 =	vmul.f32 v59, v40  }
0x108: {  	v63 =	vmul.f32 v59, v31;
	v49 =	vsel vm3, v57, v49;
	v53 =	vadd.f32 v54, v62  }
0x109: {  	v54 =	vperm.xlane v44, v16;
	v55 =	vadd.f32 v61, v56;
	v56 =	vmul.f32 v58, v39  }
0x10a: {  	v61 =	vmul.f32 v59, v38;
	vm3 =	vlt.f32 v53, v52;
	v52 =	vmin.f32 v53, v52  }
0x10b: {  	v53 =	vadd.f32 v55, v62;
	v55 =	vadd.f32 v60, v56;
	v56 =	vmul.f32 v54, v41  }
0x10c: {  	v60 =	vmul.f32 v58, v36;
	v62 =	vperm.xlane v43, v16  }
0x10d: {  	v48 =	vsel vm3, v57, v48;
	vm3 =	vlt.f32 v53, v0;
	v55 =	vadd.f32 v56, v55  }
0x10e: {  	v0 =	vmin.f32 v53, v0;
	v53 =	vadd.f32 v61, v60;
	v56 =	vmul.f32 v54, v37  }
0x10f: {  	v60 =	vmul.f32 v58, v34;
	v61 =	vmul.f32 v59, v33;
	v47 =	vsel vm3, v57, v47  }
0x110: {  	v57 =	vor.u32 $0x7, v42;
	v55 =	vadd.f32 v55, v62;
	v53 =	vadd.f32 v56, v53  }
0x111: {  	v56 =	vadd.f32 v61, v60;
	v60 =	vmul.f32 v54, v35;
	v61 =	vmul.f32 v58, v30  }
0x112: {  	vm3 =	vlt.f32 v55, v1;
	v53 =	vadd.f32 v53, v62;
	v1 =	vmin.f32 v55, v1  }
0x113: {  	v55 =	vadd.f32 v60, v56;
	v56 =	vadd.f32 v63, v61;
	v60 =	vmul.f32 v54, v32  }
0x114: {  	v61 =	vmul.f32 v58, v28;
	v63 =	vmul.f32 v59, v29;
	v4 =	vsel vm3, v57, v4  }
0x115: {  	vm3 =	vlt.f32 v53, v2;
	v55 =	vadd.f32 v55, v62;
	v2 =	vmin.f32 v53, v2  }
0x116: {  	v53 =	vadd.f32 v60, v56;
	v56 =	vadd.f32 v63, v61;
	v60 =	vmul.f32 v54, v27  }
0x117: {  	v61 =	vmul.f32 v58, v23;
	v63 =	vmul.f32 v59, v25;
	v26 =	vsel vm3, v57, v26  }
0x118: {  	vm3 =	vlt.f32 v55, v3;
	v53 =	vadd.f32 v53, v62;
	v3 =	vmin.f32 v55, v3  }
0x119: {  	v55 =	vadd.f32 v60, v56;
	v56 =	vadd.f32 v63, v61;
	v60 =	vmul.f32 v54, v24  }
0x11a: {  	v61 =	vmul.f32 v58, v21;
	v63 =	vmul.f32 v59, v20;
	v7 =	vsel vm3, v57, v7  }
0x11b: {  	vm3 =	vlt.f32 v53, v5;
	v55 =	vadd.f32 v55, v62;
	v5 =	vmin.f32 v53, v5  }
0x11c: {  	v53 =	vadd.f32 v60, v56;
	v56 =	vadd.f32 v63, v61;
	v60 =	vmul.f32 v54, v22  }
0x11d: {  	v54 =	vmul.f32 v54, v19;
	v61 =	vperm.xlane v44, v9;
	v8 =	vsel vm3, v57, v8  }
0x11e: {  	vm3 =	vlt.f32 v55, v6;
	v6 =	vmin.f32 v55, v6;
	v53 =	vadd.f32 v53, v62  }
0x11f: {  	v55 =	vadd.f32 v60, v56;
	v56 =	vmul.f32 v58, v17;
	v58 =	vmul.f32 v59, v18  }
0x120: {  	v59 =	vperm.xlane v45, v9;
	v60 =	vperm.xlane v46, v9  }
0x121: {  	v50 =	vsel vm3, v57, v50;
	vm3 =	vlt.f32 v53, v51;
	v55 =	vadd.f32 v55, v62  }
0x122: {  	v56 =	vadd.f32 v58, v56;
	v58 =	vmul.f32 v59, v39;
	v63 =	vmul.f32 v60, v40  }
0x123: {  	v51 =	vmin.f32 v53, v51;
	v49 =	vsel vm3, v57, v49;
	vm3 =	vlt.f32 v55, v52  }
0x124: {  	v53 =	vadd.f32 v54, v56;
	v54 =	vadd.f32 v63, v58;
	v56 =	vmul.f32 v61, v41  }
0x125: {  	v52 =	vmin.f32 v55, v52;
	v55 =	vmul.f32 v59, v36;
	v58 =	vmul.f32 v60, v38  }
0x126: {  	v63 =	vmul.f32 v61, v37;
	v53 =	vadd.f32 v53, v62  }
0x127: {  	v62 =	vperm.xlane v43, v9;
	v54 =	vadd.f32 v56, v54;
	v55 =	vadd.f32 v58, v55  }
0x128: {  	v48 =	vsel vm3, v57, v48;
	v56 =	vmul.f32 v59, v34;
	vm3 =	vlt.f32 v53, v0  }
0x129: {  	v0 =	vmin.f32 v53, v0;
	v53 =	vadd.f32 v54, v62;
	v55 =	vadd.f32 v63, v55  }
0x12a: {  	v54 =	vor.u32 $0x8, v42;
	v63 =	vmul.f32 v60, v33;
	v47 =	vsel vm3, v57, v47  }
0x12b: {  	vm3 =	vlt.f32 v53, v1;
	v1 =	vmin.f32 v53, v1;
	v53 =	vadd.f32 v55, v62  }
0x12c: {  	v57 =	vmul.f32 v59, v30;
	v55 =	vmul.f32 v61, v35;
	v56 =	vadd.f32 v63, v56  }
0x12d: {  	v63 =	vmul.f32 v60, v31;
	v4 =	vsel vm3, v54, v4;
	vm3 =	vlt.f32 v53, v2  }
0x12e: {  	v2 =	vmin.f32 v53, v2;
	v53 =	vadd.f32 v55, v56;
	v56 =	vmul.f32 v61, v32  }
0x12f: {  	v55 =	vadd.f32 v63, v57;
	v57 =	vmul.f32 v59, v28;
	v63 =	vmul.f32 v60, v29  }
0x130: {  	v58 =	vmul.f32 v59, v23;
	v53 =	vadd.f32 v53, v62  }
0x131: {  	v55 =	vadd.f32 v56, v55;
	v56 =	vmul.f32 v61, v27;
	v57 =	vadd.f32 v63, v57  }
0x132: {  	v26 =	vsel vm3, v54, v26;
	v63 =	vmul.f32 v60, v25;
	vm3 =	vlt.f32 v53, v3  }
0x133: {  	v3 =	vmin.f32 v53, v3;
	v53 =	vadd.f32 v55, v62;
	v55 =	vadd.f32 v56, v57  }
0x134: {  	v56 =	vadd.f32 v63, v58;
	v57 =	vmul.f32 v61, v24;
	v58 =	vmul.f32 v59, v21  }
0x135: {  	v63 =	vmul.f32 v60, v20;
	v60 =	vmul.f32 v60, v18;
	v7 =	vsel vm3, v54, v7  }
0x136: {  	vm3 =	vlt.f32 v53, v5;
	v55 =	vadd.f32 v55, v62;
	v56 =	vadd.f32 v57, v56  }
0x137: {  	v5 =	vmin.f32 v53, v5;
	v53 =	vadd.f32 v63, v58;
	v63 =	vmul.f32 v61, v22  }
0x138: {  	v58 =	vperm.xlane v45, v10;
	v57 =	vmul.f32 v61, v19  }
0x139: {  	v8 =	vsel vm3, v54, v8;
	vm3 =	vlt.f32 v55, v6;
	v56 =	vadd.f32 v56, v62  }
0x13a: {  	v6 =	vmin.f32 v55, v6;
	v53 =	vadd.f32 v63, v53;
	v63 =	vmul.f32 v59, v17  }
0x13b: {  	v59 =	vperm.xlane v46, v10;
	v50 =	vsel vm3, v54, v50;
	vm3 =	vlt.f32 v56, v51  }
0x13c: {  	v53 =	vadd.f32 v53, v62;
	v55 =	vadd.f32 v60, v63;
	v60 =	vperm.xlane v44, v10  }
0x13d: {  	v51 =	vmin.f32 v56, v51;
	v56 =	vmul.f32 v58, v39;
	v61 =	vmul.f32 v59, v40  }
0x13e: {  	v49 =	vsel vm3, v54, v49;
	vm3 =	vlt.f32 v53, v52;
	v55 =	vadd.f32 v57, v55  }
0x13f: {  	v52 =	vmin.f32 v53, v52;
	v53 =	vadd.f32 v61, v56;
	v56 =	vmul.f32 v60, v41  }
0x140: {  	v57 =	vmul.f32 v58, v36;
	v61 =	vmul.f32 v59, v38;
	v55 =	vadd.f32 v55, v62  }
0x141: {  	v63 =	vmul.f32 v60, v37;
	v62 =	vperm.xlane v43, v10;
	v53 =	vadd.f32 v56, v53  }
0x142: {  	v48 =	vsel vm3, v54, v48;
	v61 =	vadd.f32 v61, v57;
	vm3 =	vlt.f32 v55, v0  }
0x143: {  	v57 =	vor.u32 $0x9, v42;
	v53 =	vadd.f32 v53, v62;
	v47 =	vsel vm3, v54, v47  }
0x144: {  	v54 =	vadd.f32 v63, v61;
	v61 =	vmul.f32 v58, v34;
	v63 =	vmul.f32 v59, v33  }
0x145: {  	v0 =	vmin.f32 v55, v0;
	v55 =	vmul.f32 v60, v35;
	vm3 =	vlt.f32 v53, v1  }
0x146: {  	v1 =	vmin.f32 v53, v1;
	v53 =	vadd.f32 v54, v62;
	v54 =	vadd.f32 v63, v61  }
0x147: {  	v56 =	vmul.f32 v58, v30;
	v4 =	vsel vm3, v57, v4;
	v61 =	vmul.f32 v59, v31  }
0x148: {  	v63 =	vmul.f32 v59, v29;
	vm3 =	vlt.f32 v53, v2;
	v54 =	vadd.f32 v55, v54  }
0x149: {  	v55 =	vmul.f32 v60, v32;
	v56 =	vadd.f32 v61, v56;
	v61 =	vmul.f32 v58, v28  }
0x14a: {  	v2 =	vmin.f32 v53, v2;
	v26 =	vsel vm3, v57, v26;
	v53 =	vadd.f32 v54, v62  }
0x14b: {  	v54 =	vadd.f32 v55, v56;
	v55 =	vadd.f32 v63, v61;
	v56 =	vmul.f32 v60, v27  }
0x14c: {  	v61 =	vmul.f32 v58, v23;
	v63 =	vmul.f32 v59, v25;
	vm3 =	vlt.f32 v53, v3  }
0x14d: {  	v3 =	vmin.f32 v53, v3;
	v53 =	vadd.f32 v54, v62;
	v54 =	vadd.f32 v56, v55  }
0x14e: {  	v61 =	vadd.f32 v63, v61;
	v63 =	vmul.f32 v60, v24;
	v56 =	vmul.f32 v58, v17  }
0x14f: {  	v7 =	vsel vm3, v57, v7;
	vm3 =	vlt.f32 v53, v5;
	v5 =	vmin.f32 v53, v5  }
0x150: {  	v53 =	vadd.f32 v54, v62;
	v54 =	vadd.f32 v63, v61;
	v61 =	vmul.f32 v58, v21  }
0x151: {  	v63 =	vmul.f32 v59, v20;
	v58 =	vperm.xlane v45, v11  }
0x152: {  	v8 =	vsel vm3, v57, v8;
	vm3 =	vlt.f32 v53, v6;
	v6 =	vmin.f32 v53, v6  }
0x153: {  	v53 =	vadd.f32 v54, v62;
	v54 =	vadd.f32 v63, v61;
	v61 =	vmul.f32 v60, v22  }
0x154: {  	v63 =	vmul.f32 v59, v18;
	v59 =	vperm.xlane v46, v11;
	v50 =	vsel vm3, v57, v50  }
0x155: {  	vm3 =	vlt.f32 v53, v51;
	v54 =	vadd.f32 v61, v54;
	v61 =	vmul.f32 v60, v19  }
0x156: {  	v56 =	vadd.f32 v63, v56;
	v51 =	vmin.f32 v53, v51;
	v60 =	vmul.f32 v59, v40  }
0x157: {  	v63 =	vmul.f32 v59, v31;
	v49 =	vsel vm3, v57, v49;
	v53 =	vadd.f32 v54, v62  }
0x158: {  	v54 =	vperm.xlane v44, v11;
	v55 =	vadd.f32 v61, v56;
	v56 =	vmul.f32 v58, v39  }
0x159: {  	v61 =	vmul.f32 v59, v38;
	vm3 =	vlt.f32 v53, v52;
	v52 =	vmin.f32 v53, v52  }
0x15a: {  	v53 =	vadd.f32 v55, v62;
	v55 =	vadd.f32 v60, v56;
	v56 =	vmul.f32 v54, v41  }
0x15b: {  	v60 =	vmul.f32 v58, v36;
	v62 =	vperm.xlane v43, v11  }
0x15c: {  	v48 =	vsel vm3, v57, v48;
	vm3 =	vlt.f32 v53, v0;
	v55 =	vadd.f32 v56, v55  }
0x15d: {  	v0 =	vmin.f32 v53, v0;
	v53 =	vadd.f32 v61, v60;
	v56 =	vmul.f32 v54, v37  }
0x15e: {  	v60 =	vmul.f32 v58, v34;
	v61 =	vmul.f32 v59, v33;
	v47 =	vsel vm3, v57, v47  }
0x15f: {  	v57 =	vor.u32 $0xA, v42;
	v55 =	vadd.f32 v55, v62;
	v53 =	vadd.f32 v56, v53  }
0x160: {  	v56 =	vadd.f32 v61, v60;
	v60 =	vmul.f32 v54, v35;
	v61 =	vmul.f32 v58, v30  }
0x161: {  	vm3 =	vlt.f32 v55, v1;
	v53 =	vadd.f32 v53, v62;
	v1 =	vmin.f32 v55, v1  }
0x162: {  	v55 =	vadd.f32 v60, v56;
	v56 =	vadd.f32 v63, v61;
	v60 =	vmul.f32 v54, v32  }
0x163: {  	v61 =	vmul.f32 v58, v28;
	v63 =	vmul.f32 v59, v29;
	v4 =	vsel vm3, v57, v4  }
0x164: {  	vm3 =	vlt.f32 v53, v2;
	v55 =	vadd.f32 v55, v62;
	v2 =	vmin.f32 v53, v2  }
0x165: {  	v53 =	vadd.f32 v60, v56;
	v56 =	vadd.f32 v63, v61;
	v60 =	vmul.f32 v54, v27  }
0x166: {  	v61 =	vmul.f32 v58, v23;
	v63 =	vmul.f32 v59, v25;
	v26 =	vsel vm3, v57, v26  }
0x167: {  	vm3 =	vlt.f32 v55, v3;
	v53 =	vadd.f32 v53, v62;
	v3 =	vmin.f32 v55, v3  }
0x168: {  	v55 =	vadd.f32 v60, v56;
	v56 =	vadd.f32 v63, v61;
	v60 =	vmul.f32 v54, v24  }
0x169: {  	v61 =	vmul.f32 v58, v21;
	v63 =	vmul.f32 v59, v20;
	v7 =	vsel vm3, v57, v7  }
0x16a: {  	vm3 =	vlt.f32 v53, v5;
	v55 =	vadd.f32 v55, v62;
	v5 =	vmin.f32 v53, v5  }
0x16b: {  	v53 =	vadd.f32 v60, v56;
	v56 =	vadd.f32 v63, v61;
	v60 =	vmul.f32 v54, v22  }
0x16c: {  	v54 =	vmul.f32 v54, v19;
	v61 =	vperm.xlane v44, v12;
	v8 =	vsel vm3, v57, v8  }
0x16d: {  	vm3 =	vlt.f32 v55, v6;
	v6 =	vmin.f32 v55, v6;
	v53 =	vadd.f32 v53, v62  }
0x16e: {  	v55 =	vadd.f32 v60, v56;
	v56 =	vmul.f32 v58, v17;
	v58 =	vmul.f32 v59, v18  }
0x16f: {  	v59 =	vperm.xlane v45, v12;
	v60 =	vperm.xlane v46, v12  }
0x170: {  	v50 =	vsel vm3, v57, v50;
	vm3 =	vlt.f32 v53, v51;
	v55 =	vadd.f32 v55, v62  }
0x171: {  	v56 =	vadd.f32 v58, v56;
	v58 =	vmul.f32 v59, v39;
	v63 =	vmul.f32 v60, v40  }
0x172: {  	v51 =	vmin.f32 v53, v51;
	v49 =	vsel vm3, v57, v49;
	vm3 =	vlt.f32 v55, v52  }
0x173: {  	v53 =	vadd.f32 v54, v56;
	v54 =	vadd.f32 v63, v58;
	v56 =	vmul.f32 v61, v41  }
0x174: {  	v52 =	vmin.f32 v55, v52;
	v55 =	vmul.f32 v59, v36;
	v58 =	vmul.f32 v60, v38  }
0x175: {  	v63 =	vmul.f32 v61, v37;
	v53 =	vadd.f32 v53, v62  }
0x176: {  	v62 =	vperm.xlane v43, v12;
	v54 =	vadd.f32 v56, v54;
	v55 =	vadd.f32 v58, v55  }
0x177: {  	v48 =	vsel vm3, v57, v48;
	v56 =	vmul.f32 v59, v34;
	vm3 =	vlt.f32 v53, v0  }
0x178: {  	v0 =	vmin.f32 v53, v0;
	v53 =	vadd.f32 v54, v62;
	v55 =	vadd.f32 v63, v55  }
0x179: {  	v54 =	vor.u32 $0xB, v42;
	v63 =	vmul.f32 v60, v33;
	v47 =	vsel vm3, v57, v47  }
0x17a: {  	vm3 =	vlt.f32 v53, v1;
	v1 =	vmin.f32 v53, v1;
	v53 =	vadd.f32 v55, v62  }
0x17b: {  	v57 =	vmul.f32 v59, v30;
	v55 =	vmul.f32 v61, v35;
	v56 =	vadd.f32 v63, v56  }
0x17c: {  	v63 =	vmul.f32 v60, v31;
	v4 =	vsel vm3, v54, v4;
	vm3 =	vlt.f32 v53, v2  }
0x17d: {  	v2 =	vmin.f32 v53, v2;
	v53 =	vadd.f32 v55, v56;
	v56 =	vmul.f32 v61, v32  }
0x17e: {  	v55 =	vadd.f32 v63, v57;
	v57 =	vmul.f32 v59, v28;
	v63 =	vmul.f32 v60, v29  }
0x17f: {  	v58 =	vmul.f32 v59, v23;
	v53 =	vadd.f32 v53, v62  }
0x180: {  	v55 =	vadd.f32 v56, v55;
	v56 =	vmul.f32 v61, v27;
	v57 =	vadd.f32 v63, v57  }
0x181: {  	v26 =	vsel vm3, v54, v26;
	v63 =	vmul.f32 v60, v25;
	vm3 =	vlt.f32 v53, v3  }
0x182: {  	v3 =	vmin.f32 v53, v3;
	v53 =	vadd.f32 v55, v62;
	v55 =	vadd.f32 v56, v57  }
0x183: {  	v56 =	vadd.f32 v63, v58;
	v57 =	vmul.f32 v61, v24;
	v58 =	vmul.f32 v59, v21  }
0x184: {  	v63 =	vmul.f32 v60, v20;
	v60 =	vmul.f32 v60, v18;
	v7 =	vsel vm3, v54, v7  }
0x185: {  	vm3 =	vlt.f32 v53, v5;
	v55 =	vadd.f32 v55, v62;
	v56 =	vadd.f32 v57, v56  }
0x186: {  	v5 =	vmin.f32 v53, v5;
	v53 =	vadd.f32 v63, v58;
	v63 =	vmul.f32 v61, v22  }
0x187: {  	v58 =	vperm.xlane v45, v13;
	v57 =	vmul.f32 v61, v19  }
0x188: {  	v8 =	vsel vm3, v54, v8;
	vm3 =	vlt.f32 v55, v6;
	v56 =	vadd.f32 v56, v62  }
0x189: {  	v6 =	vmin.f32 v55, v6;
	v53 =	vadd.f32 v63, v53;
	v63 =	vmul.f32 v59, v17  }
0x18a: {  	v59 =	vperm.xlane v46, v13;
	v50 =	vsel vm3, v54, v50;
	vm3 =	vlt.f32 v56, v51  }
0x18b: {  	v53 =	vadd.f32 v53, v62;
	v55 =	vadd.f32 v60, v63;
	v60 =	vperm.xlane v44, v13  }
0x18c: {  	v51 =	vmin.f32 v56, v51;
	v56 =	vmul.f32 v58, v39;
	v61 =	vmul.f32 v59, v40  }
0x18d: {  	v49 =	vsel vm3, v54, v49;
	vm3 =	vlt.f32 v53, v52;
	v55 =	vadd.f32 v57, v55  }
0x18e: {  	v52 =	vmin.f32 v53, v52;
	v53 =	vadd.f32 v61, v56;
	v56 =	vmul.f32 v60, v41  }
0x18f: {  	v57 =	vmul.f32 v58, v36;
	v61 =	vmul.f32 v59, v38;
	v55 =	vadd.f32 v55, v62  }
0x190: {  	v48 =	vsel vm3, v54, v48;
	v62 =	vperm.xlane v43, v13;
	v53 =	vadd.f32 v56, v53  }
0x191: {  	v63 =	vadd.f32 v61, v57;
	v61 =	vmul.f32 v60, v37;
	vm3 =	vlt.f32 v55, v0  }
0x192: {  	v53 =	vadd.f32 v53, v62;
	v47 =	vsel vm3, v54, v47  }
0x193: {  	v54 =	vadd.f32 v61, v63;
	v63 =	vmul.f32 v58, v34;
	v61 =	vmul.f32 v59, v33  }
0x194: {  	v0 =	vmin.f32 v55, v0;
	v55 =	vmul.f32 v60, v35;
	vm3 =	vlt.f32 v53, v1  }
0x195: {  	v1 =	vmin.f32 v53, v1;
	v53 =	vadd.f32 v54, v62;
	v54 =	vadd.f32 v61, v63  }
0x196: {  	v57 =	vor.u32 $0xC, v42;
	v56 =	vmul.f32 v58, v30;
	v61 =	vmul.f32 v59, v31  }
0x197: {  	v4 =	vsel vm3, v57, v4;
	vm3 =	vlt.f32 v53, v2;
	v63 =	vadd.f32 v55, v54  }
0x198: {  	v2 =	vmin.f32 v53, v2;
	v54 =	vadd.f32 v61, v56;
	v55 =	vmul.f32 v60, v32  }
0x199: {  	v56 =	vmul.f32 v58, v28;
	v61 =	vmul.f32 v59, v29;
	v53 =	vadd.f32 v63, v62  }
0x19a: {  	v54 =	vadd.f32 v55, v54;
	v55 =	vmul.f32 v58, v23;
	v63 =	vmul.f32 v59, v25  }
0x19b: {  	v26 =	vsel vm3, v57, v26;
	v56 =	vadd.f32 v61, v56;
	v61 =	vmul.f32 v60, v27  }
0x19c: {  	vm3 =	vlt.f32 v53, v3;
	v3 =	vmin.f32 v53, v3;
	v53 =	vadd.f32 v63, v55  }
0x19d: {  	v63 =	vmul.f32 v60, v24;
	v54 =	vadd.f32 v54, v62;
	v56 =	vadd.f32 v61, v56  }
0x19e: {  	v55 =	vmul.f32 v58, v21;
	v61 =	vmul.f32 v59, v20;
	v7 =	vsel vm3, v57, v7  }
0x19f: {  	v53 =	vadd.f32 v63, v53;
	vm3 =	vlt.f32 v54, v5;
	v5 =	vmin.f32 v54, v5  }
0x1a0: {  	v63 =	vadd.f32 v56, v62;
	v55 =	vadd.f32 v61, v55;
	v61 =	vmul.f32 v60, v22  }
0x1a1: {  	v56 =	vperm.xlane v45, v14;
	v8 =	vsel vm3, v57, v8;
	v53 =	vadd.f32 v53, v62  }
0x1a2: {  	vm3 =	vlt.f32 v63, v6;
	v6 =	vmin.f32 v63, v6;
	v63 =	vmul.f32 v58, v17  }
0x1a3: {  	v54 =	vadd.f32 v61, v55;
	v61 =	vmul.f32 v59, v18;
	v58 =	vperm.xlane v46, v14  }
0x1a4: {  	v55 =	vmul.f32 v60, v19;
	v59 =	vperm.xlane v44, v14  }
0x1a5: {  	v60 =	vmul.f32 v56, v39;
	v50 =	vsel vm3, v57, v50;
	vm3 =	vlt.f32 v53, v51  }
0x1a6: {  	v51 =	vmin.f32 v53, v51;
	v54 =	vadd.f32 v54, v62;
	v53 =	vadd.f32 v61, v63  }
0x1a7: {  	v61 =	vmul.f32 v58, v40;
	v63 =	vmul.f32 v58, v38;
	v49 =	vsel vm3, v57, v49  }
0x1a8: {  	vm3 =	vlt.f32 v54, v52;
	v53 =	vadd.f32 v55, v53;
	v55 =	vmul.f32 v59, v41  }
0x1a9: {  	v60 =	vadd.f32 v61, v60;
	v61 =	vmul.f32 v56, v36;
	v52 =	vmin.f32 v54, v52  }
0x1aa: {  	v54 =	vperm.xlane v43, v14;
	v48 =	vsel vm3, v57, v48;
	v53 =	vadd.f32 v53, v62  }
0x1ab: {  	v55 =	vadd.f32 v55, v60;
	v60 =	vadd.f32 v63, v61;
	v61 =	vmul.f32 v59, v37  }
0x1ac: {  	v62 =	vmul.f32 v58, v31;
	v63 =	vmul.f32 v58, v29;
	vm3 =	vlt.f32 v53, v0  }
0x1ad: {  	v0 =	vmin.f32 v53, v0;
	v53 =	vadd.f32 v55, v54;
	v55 =	vadd.f32 v61, v60  }
0x1ae: {  	v60 =	vmul.f32 v56, v34;
	v61 =	vmul.f32 v58, v33;
	v47 =	vsel vm3, v57, v47  }
0x1af: {  	vm3 =	vlt.f32 v53, v1;
	v1 =	vmin.f32 v53, v1;
	v53 =	vadd.f32 v55, v54  }
0x1b0: {  	v57 =	vor.u32 $0xD, v42;
	v55 =	vadd.f32 v61, v60;
	v60 =	vmul.f32 v59, v35  }
0x1b1: {  	v61 =	vmul.f32 v56, v30;
	v4 =	vsel vm3, v57, v4;
	vm3 =	vlt.f32 v53, v2  }
0x1b2: {  	v55 =	vadd.f32 v60, v55;
	v60 =	vmul.f32 v56, v28;
	v2 =	vmin.f32 v53, v2  }
0x1b3: {  	v53 =	vadd.f32 v62, v61;
	v61 =	vmul.f32 v59, v32;
	v62 =	vmul.f32 v59, v27  }
0x1b4: {  	v26 =	vsel vm3, v57, v26;
	v55 =	vadd.f32 v55, v54;
	v60 =	vadd.f32 v63, v60  }
0x1b5: {  	v53 =	vadd.f32 v61, v53;
	v61 =	vmul.f32 v56, v23;
	v63 =	vmul.f32 v58, v25  }
0x1b6: {  	vm3 =	vlt.f32 v55, v3;
	v60 =	vadd.f32 v62, v60;
	v3 =	vmin.f32 v55, v3  }
0x1b7: {  	v55 =	vadd.f32 v63, v61;
	v61 =	vmul.f32 v59, v24;
	v53 =	vadd.f32 v53, v54  }
0x1b8: {  	v62 =	vmul.f32 v58, v20;
	v7 =	vsel vm3, v57, v7;
	v60 =	vadd.f32 v60, v54  }
0x1b9: {  	v55 =	vadd.f32 v61, v55;
	v61 =	vmul.f32 v56, v21;
	vm3 =	vlt.f32 v53, v5  }
0x1ba: {  	v5 =	vmin.f32 v53, v5;
	v8 =	vsel vm3, v57, v8;
	vm4 =	vlt.f32 v60, v6  }
0x1bb: {  	v53 =	vadd.f32 v55, v54;
	v55 =	vadd.f32 v62, v61;
	v61 =	vmul.f32 v59, v22  }
0x1bc: {  	v6 =	vmin.f32 v60, v6;
	v60 =	vperm.xlane v46, v15;
	v50 =	vsel vm4, v57, v50  }
0x1bd: {  	vm3 =	vlt.f32 v53, v51;
	v62 =	vadd.f32 v61, v55;
	v55 =	vmul.f32 v56, v17  }
0x1be: {  	v51 =	vmin.f32 v53, v51;
	v56 =	vmul.f32 v58, v18;
	v58 =	vperm.xlane v45, v15  }
0x1bf: {  	v63 =	vmul.f32 v60, v33;
	v49 =	vsel vm3, v57, v49;
	v53 =	vadd.f32 v62, v54  }
0x1c0: {  	v55 =	vadd.f32 v56, v55;
	v56 =	vmul.f32 v59, v19;
	v59 =	vperm.xlane v44, v15  }
0x1c1: {  	v61 =	vmul.f32 v58, v39;
	v62 =	vmul.f32 v60, v40;
	vm3 =	vlt.f32 v53, v52  }
0x1c2: {  	v52 =	vmin.f32 v53, v52;
	v53 =	vadd.f32 v56, v55;
	v55 =	vmul.f32 v59, v41  }
0x1c3: {  	v56 =	vadd.f32 v62, v61;
	v61 =	vmul.f32 v58, v36;
	v62 =	vmul.f32 v60, v38  }
0x1c4: {  	v48 =	vsel vm3, v57, v48;
	v53 =	vadd.f32 v53, v54;
	v54 =	vmul.f32 v58, v34  }
0x1c5: {  	v55 =	vadd.f32 v55, v56;
	v56 =	vperm.xlane v43, v15;
	v61 =	vadd.f32 v62, v61  }
0x1c6: {  	v62 =	vmul.f32 v59, v37;
	v54 =	vadd.f32 v63, v54;
	v63 =	vmul.f32 v59, v35  }
0x1c7: {  	vm3 =	vlt.f32 v53, v0;
	v55 =	vadd.f32 v55, v56;
	v0 =	vmin.f32 v53, v0  }
0x1c8: {  	v53 =	vadd.f32 v62, v61;
	v61 =	vmul.f32 v60, v31;
	v62 =	vmul.f32 v58, v21  }
0x1c9: {  	v47 =	vsel vm3, v57, v47;
	v57 =	vmul.f32 v58, v30;
	v54 =	vadd.f32 v63, v54  }
0x1ca: {  	vm3 =	vlt.f32 v55, v1;
	v53 =	vadd.f32 v53, v56;
	v1 =	vmin.f32 v55, v1  }
0x1cb: {  	v55 =	vmul.f32 v58, v28;
	v63 =	vadd.f32 v61, v57;
	v61 =	vmul.f32 v59, v32  }
0x1cc: {  	v57 =	vmul.f32 v60, v29;
	v54 =	vadd.f32 v54, v56;
	vm11 =	vlt.f32 v53, v2  }
0x1cd: {  	v2 =	vmin.f32 v53, v2;
	v53 =	vadd.f32 v61, v63;
	v61 =	vmul.f32 v60, v25  }
0x1ce: {  	v63 =	vmul.f32 v60, v20;
	v55 =	vadd.f32 v57, v55;
	v57 =	vmul.f32 v59, v27  }
0x1cf: {  	vm5 =	vlt.f32 v54, v3;
	v3 =	vmin.f32 v54, v3;
	v54 =	vmul.f32 v58, v23  }
0x1d0: {  	v60 =	vmul.f32 v60, v18;
	v58 =	vmul.f32 v58, v17;
	v53 =	vadd.f32 v53, v56  }
0x1d1: {  	v62 =	vadd.f32 v63, v62;
	v63 =	vmul.f32 v59, v22;
	v54 =	vadd.f32 v61, v54  }
0x1d2: {  	v61 =	vmul.f32 v59, v24;
	vm6 =	vlt.f32 v53, v5;
	v5 =	vmin.f32 v53, v5  }
0x1d3: {  	v53 =	vadd.f32 v57, v55;
	v55 =	vadd.f32 v63, v62;
	v57 =	vor.u32 $0xE, v42  }
0x1d4: {  	v62 =	vadd.f32 v60, v58;
	v63 =	vmul.f32 v59, v19;
	v54 =	vadd.f32 v61, v54  }
0x1d5: {  	v61 =	vimm.s32 $0xF;
	v4 =	vsel vm3, v57, v4;
	v26 =	vsel vm11, v57, v26  }
0x1d6: {  	v7 =	vsel vm5, v57, v7;
	v8 =	vsel vm6, v57, v8;
	v53 =	vadd.f32 v53, v56  }
0x1d7: {  	v55 =	vadd.f32 v55, v56;
	v45 =	vperm.xlane v45, v61;
	v46 =	vperm.xlane v46, v61  }
0x1d8: {  	v44 =	vperm.xlane v44, v61;
	v43 =	vperm.xlane v43, v61;
	v54 =	vadd.f32 v54, v56  }
0x1d9: {  	vm3 =	vlt.f32 v53, v6;
	v6 =	vmin.f32 v53, v6;
	v60 =	vmul.f32 v45, v39  }
0x1da: {  	v53 =	vadd.f32 v63, v62;
	v62 =	vmul.f32 v46, v40;
	v63 =	vmul.f32 v44, v41  }
0x1db: {  	vm12 =	vlt.f32 v55, v52;
	v61 =	vmul.f32 v46, v33;
	v58 =	vmul.f32 v44, v35  }
0x1dc: {  	v52 =	vmin.f32 v55, v52;
	v55 =	vmul.f32 v45, v30;
	v59 =	vmul.f32 v46, v31  }
0x1dd: {  	v50 =	vsel vm3, v57, v50;
	vm3 =	vlt.f32 v54, v51;
	v51 =	vmin.f32 v54, v51  }
0x1de: {  	v48 =	vsel vm12, v57, v48;
	v53 =	vadd.f32 v53, v56;
	v49 =	vsel vm3, v57, v49  }
0x1df: {  	v54 =	vadd.f32 v62, v60;
	v60 =	vmul.f32 v45, v36;
	v62 =	vmul.f32 v46, v38  }
0x1e0: {  	v55 =	vadd.f32 v59, v55;
	v59 =	vmul.f32 v45, v23;
	vm3 =	vlt.f32 v53, v0  }
0x1e1: {  	v0 =	vmin.f32 v53, v0;
	v53 =	vadd.f32 v62, v60;
	v60 =	vmul.f32 v45, v34  }
0x1e2: {  	v54 =	vadd.f32 v63, v54;
	v63 =	vmul.f32 v44, v37;
	v62 =	vmul.f32 v44, v32  }
0x1e3: {  	v47 =	vsel vm3, v57, v47;
	v57 =	vmul.f32 v45, v28;
	v56 =	vadd.f32 v61, v60  }
0x1e4: {  	v54 =	vadd.f32 v54, v43;
	v53 =	vadd.f32 v63, v53;
	v60 =	vmul.f32 v46, v29  }
0x1e5: {  	v55 =	vadd.f32 v62, v55;
	v62 =	vmul.f32 v44, v24;
	v56 =	vadd.f32 v58, v56  }
0x1e6: {  	v57 =	vadd.f32 v60, v57;
	v58 =	vmul.f32 v44, v27;
	v60 =	vmul.f32 v46, v25  }
0x1e7: {  	vm3 =	vlt.f32 v54, v1;
	v63 =	vadd.f32 v53, v43;
	v55 =	vadd.f32 v55, v43  }
0x1e8: {  	v61 =	vmin.f32 v54, v1;
	v53 =	vadd.f32 v58, v57;
	v54 =	vadd.f32 v60, v59  }
0x1e9: {  	v57 =	vmul.f32 v45, v21;
	v58 =	vmul.f32 v46, v20;
	vm13 =	vlt.f32 v63, v2  }
0x1ea: {  	v45 =	vmul.f32 v45, v17;
	v46 =	vmul.f32 v46, v18;
	v60 =	vmin.f32 v63, v2  }
0x1eb: {  	v1 =	vadd.f32 v56, v43;
	v63 =	vmul.f32 v44, v22;
	v44 =	vmul.f32 v44, v19  }
0x1ec: {  	vm15 =	vlt.f32 v55, v5;
	v2 =	vadd.f32 v58, v57;
	v45 =	vadd.f32 v46, v45  }
0x1ed: {  	vm14 =	vlt.f32 v1, v3;
	v58 =	vmin.f32 v1, v3;
	v54 =	vadd.f32 v62, v54  }
0x1ee: {  	v57 =	vmin.f32 v55, v5;
	v46 =	vor.u32 $0xF, v42;
	v2 =	vadd.f32 v63, v2  }
0x1ef: {  	v59 =	vsel vm13, v46, v26;
	v62 =	vadd.f32 v44, v45;
	v63 =	vadd.f32 v53, v43  }
0x1f0: {  	p0 =	sne.s32 s22, $0x1F0;
	v1 =	vadd.f32 v54, v43;
	v53 =	vsel vm14, v46, v7;
	v2 =	vadd.f32 v2, v43  }
.Ltmp1:
0x1f1: {  	vm7 =	vlt.f32 v63, v6;
	v56 =	vmin.f32 v63, v6;
	v3 =	vadd.f32 v62, v43;
	(pc) =	sbr.rel @p0 .LBB2_5-.Ltmp1, $4  }
0x1f2: {  	vm8 =	vlt.f32 v1, v51;
	v55 =	vmin.f32 v1, v51;
	v62 =	vsel vm3, v46, v4  }
0x1f3: {  	v51 =	vsel vm15, v46, v8;
	v50 =	vsel vm7, v46, v50;
	v49 =	vsel vm8, v46, v49  }
0x1f4: {  	s18 =	sadd.s32 $0x10, s18;
	s19 =	sadd.s32 $0x10, s19;
	vm9 =	vlt.f32 v2, v52;
	v54 =	vmin.f32 v2, v52;
	vm10 =	vlt.f32 v3, v0  }
0x1f5: {  	s20 =	sadd.s32 $0x10, s20;
	s21 =	sadd.s32 $0x10, s21;
	s22 =	sadd.s32 $0x10, s22;
	v52 =	vmin.f32 v3, v0;
	v48 =	vsel vm9, v46, v48;
	v47 =	vsel vm10, v46, v47  }
0x1f6: {  	_ =	sdelay $0x2  }
0x1f7: {  	v0 =	vadd.s32 $0x200, v62  }
0x1f8: {  	v1 =	vld.idx.msk [tilespmem:v62+s14+$0x0], $0xffff;
	_ =	sdelay $0x1  }
0x1f9: {  	v2 =	vadd.s32 $0x400, v62;
	_ =	sdelay $0x1  }
0x1fa: {  	v3 =	vadd.s32 $0x200, v59;
	v0 =	vld.idx.msk [tilespmem:v0+s14+$0x0], $0xffff  }
0x1fb: {  	v7 =	vadd.s32 $0x400, v59;
	v1 =	vsub.f32 v39, v1  }
0x1fc: {  	v6 =	vld.idx.msk [tilespmem:v59+s14+$0x0], $0xffff  }
0x1fd: {  	v2 =	vld.idx.msk [tilespmem:v2+s14+$0x0], $0xffff;
	v4 =	vmul.f32 $5.000000000e-01, v1  }
0x1fe: {  	v5 =	vand.u32 $0x7FFFFFFF, v1  }
0x1ff: {  	v3 =	vld.idx.msk [tilespmem:v3+s14+$0x0], $0xffff;
	v8 =	vadd.f32 $-5.000000000e-01, v5;
	v1 =	vmul.f32 v4, v1;
	v0 =	vsub.f32 v40, v0  }
0x200: {  	v7 =	vld.idx.msk [tilespmem:v7+s14+$0x0], $0xffff;
	vm3 =	vlt.f32 v5, $1.000000000e+00  }
0x201: {  	v6 =	vsub.f32 v36, v6;
	v1 =	vsel vm3, v1, v8;
	v8 =	vld [tilespmem:$0x1FFE0];
	v4 =	vmul.f32 $5.000000000e-01, v0  }
0x202: {  	v60 =	vadd.s32 $0x200, v53;
	v2 =	vsub.f32 v41, v2;
	v26 =	vand.u32 $0x7FFFFFFF, v0  }
0x203: {  	v61 =	vand.u32 $0x7FFFFFFF, v6;
	v0 =	vmul.f32 v4, v0;
	v4 =	vadd.f32 $-5.000000000e-01, v26  }
0x204: {  	v3 =	vsub.f32 v38, v3;
	v5 =	vmul.f32 $5.000000000e-01, v2;
	vm3 =	vlt.f32 v26, $1.000000000e+00  }
0x205: {  	v7 =	vsub.f32 v37, v7;
	v0 =	vsel vm3, v0, v4;
	v4 =	vand.u32 $0x7FFFFFFF, v2  }
0x206: {  	v1 =	vadd.f32 v1, v8;
	v2 =	vmul.f32 v5, v2;
	v5 =	vadd.f32 $-5.000000000e-01, v4  }
0x207: {  	v62 =	vmul.f32 $5.000000000e-01, v3;
	vm3 =	vlt.f32 v4, $1.000000000e+00;
	v4 =	vmul.f32 $5.000000000e-01, v6  }
0x208: {  	v8 =	vadd.s32 $0x400, v53;
	v0 =	vadd.f32 v0, v1;
	v2 =	vsel vm3, v2, v5;
	v5 =	vld.idx.msk [tilespmem:v53+s14+$0x0], $0xffff  }
0x209: {  	v63 =	vand.u32 $0x7FFFFFFF, v3;
	v4 =	vmul.f32 v4, v6;
	v6 =	vadd.f32 $-5.000000000e-01, v61  }
0x20a: {  	v36 =	vmul.f32 $5.000000000e-01, v7;
	vm3 =	vlt.f32 v61, $1.000000000e+00;
	v0 =	vadd.f32 v2, v0  }
0x20b: {  	v3 =	vmul.f32 v62, v3;
	v1 =	vld.idx.msk [tilespmem:v60+s14+$0x0], $0xffff;
	v4 =	vsel vm3, v4, v6;
	v6 =	vadd.f32 $-5.000000000e-01, v63  }
0x20c: {  	v2 =	vmul.f32 v36, v7;
	vm3 =	vlt.f32 v63, $1.000000000e+00;
	v0 =	vadd.f32 v4, v0  }
0x20d: {  	v4 =	vand.u32 $0x7FFFFFFF, v7;
	v3 =	vsel vm3, v3, v6;
	v6 =	vld.idx.msk [tilespmem:v8+s14+$0x0], $0xffff;
	v5 =	vsub.f32 v34, v5  }
0x20e: {  	v7 =	vadd.s32 $0x200, v51;
	v0 =	vadd.f32 v3, v0;
	v3 =	vadd.f32 $-5.000000000e-01, v4  }
0x20f: {  	vm3 =	vlt.f32 v4, $1.000000000e+00;
	v4 =	vmul.f32 $5.000000000e-01, v5  }
0x210: {  	v1 =	vsub.f32 v33, v1;
	v2 =	vsel vm3, v2, v3;
	v3 =	vand.u32 $0x7FFFFFFF, v5  }
0x211: {  	vm3 =	vlt.f32 v3, $1.000000000e+00;
	v3 =	vadd.f32 $-5.000000000e-01, v3;
	v4 =	vmul.f32 v4, v5  }
0x212: {  	v37 =	vadd.s32 $0x400, v51;
	v8 =	vld.idx.msk [tilespmem:v51+s14+$0x0], $0xffff;
	v5 =	vmul.f32 $5.000000000e-01, v1;
	v6 =	vsub.f32 v35, v6  }
0x213: {  	v0 =	vadd.f32 v2, v0;
	v7 =	vld.idx.msk [tilespmem:v7+s14+$0x0], $0xffff;
	v38 =	vsel vm3, v4, v3  }
0x214: {  	v3 =	vand.u32 $0x7FFFFFFF, v1;
	v1 =	vmul.f32 v5, v1;
	v5 =	vmul.f32 $5.000000000e-01, v6  }
0x215: {  	v39 =	vand.u32 $0x7FFFFFFF, v6;
	v4 =	vadd.f32 $-5.000000000e-01, v3  }
0x216: {  	v0 =	vadd.f32 v38, v0;
	vm3 =	vlt.f32 v3, $1.000000000e+00;
	v3 =	vmul.f32 v5, v6  }
0x217: {  	v40 =	vld.idx.msk [tilespmem:v37+s14+$0x0], $0xffff;
	v5 =	vsub.f32 v30, v8;
	v1 =	vsel vm3, v1, v4;
	v4 =	vadd.f32 $-5.000000000e-01, v39  }
0x218: {  	v6 =	vadd.s32 $0x200, v50;
	v7 =	vsub.f32 v31, v7;
	vm3 =	vlt.f32 v39, $1.000000000e+00  }
0x219: {  	v41 =	vsel vm3, v3, v4;
	v3 =	vand.u32 $0x7FFFFFFF, v5;
	v4 =	vmul.f32 $5.000000000e-01, v5  }
0x21a: {  	v42 =	vld.idx.msk [tilespmem:v50+s14+$0x0], $0xffff;
	v43 =	vadd.s32 $0x400, v50;
	v0 =	vadd.f32 v1, v0;
	vm3 =	vlt.f32 v3, $1.000000000e+00  }
0x21b: {  	v3 =	vadd.f32 $-5.000000000e-01, v3;
	v4 =	vmul.f32 v4, v5;
	v5 =	vmul.f32 $5.000000000e-01, v7  }
0x21c: {  	v2 =	vsub.f32 v32, v40;
	v8 =	vand.u32 $0x7FFFFFFF, v7;
	v0 =	vadd.f32 v41, v0  }
0x21d: {  	v6 =	vld.idx.msk [tilespmem:v6+s14+$0x0], $0xffff;
	v3 =	vsel vm3, v4, v3;
	v4 =	vmul.f32 v5, v7;
	v5 =	vadd.f32 $-5.000000000e-01, v8  }
0x21e: {  	vm3 =	vlt.f32 v8, $1.000000000e+00;
	v0 =	vadd.f32 v3, v0;
	v3 =	vmul.f32 $5.000000000e-01, v2  }
0x21f: {  	v1 =	vsub.f32 v28, v42;
	v4 =	vsel vm3, v4, v5;
	v5 =	vand.u32 $0x7FFFFFFF, v2  }
0x220: {  	v2 =	vmul.f32 v3, v2;
	v3 =	vadd.f32 $-5.000000000e-01, v5  }
0x221: {  	v7 =	vmul.f32 $5.000000000e-01, v1;
	v8 =	vadd.s32 $0x200, v49;
	vm3 =	vlt.f32 v5, $1.000000000e+00  }
0x222: {  	v5 =	vld.idx.msk [tilespmem:v43+s14+$0x0], $0xffff;
	v6 =	vsub.f32 v29, v6;
	v2 =	vsel vm3, v2, v3;
	v3 =	vand.u32 $0x7FFFFFFF, v1  }
0x223: {  	v0 =	vadd.f32 v4, v0;
	v1 =	vmul.f32 v7, v1;
	v4 =	vadd.f32 $-5.000000000e-01, v3  }
0x224: {  	v7 =	vmul.f32 $5.000000000e-01, v6;
	vm3 =	vlt.f32 v3, $1.000000000e+00  }
0x225: {  	v44 =	vand.u32 $0x7FFFFFFF, v6;
	v1 =	vsel vm3, v1, v4;
	v4 =	vld.idx.msk [tilespmem:v49+s14+$0x0], $0xffff  }
0x226: {  	v0 =	vadd.f32 v2, v0;
	v3 =	vmul.f32 v7, v6;
	v7 =	vld.idx.msk [tilespmem:v8+s14+$0x0], $0xffff;
	v8 =	vadd.s32 $0x400, v49  }
0x227: {  	v6 =	vadd.f32 $-5.000000000e-01, v44;
	v5 =	vsub.f32 v27, v5  }
0x228: {  	v52 =	vadd.s32 $0x400, v48;
	vm3 =	vlt.f32 v44, $1.000000000e+00  }
0x229: {  	v0 =	vadd.f32 v1, v0;
	v45 =	vsel vm3, v3, v6;
	v46 =	vmul.f32 $5.000000000e-01, v5  }
0x22a: {  	v6 =	vadd.s32 $0x200, v48;
	v49 =	vand.u32 $0x7FFFFFFF, v5;
	v4 =	vsub.f32 v23, v4  }
0x22b: {  	v3 =	vadd.f32 $-5.000000000e-01, v49;
	v2 =	vmul.f32 v46, v5;
	v50 =	vld.idx.msk [tilespmem:v8+s14+$0x0], $0xffff;
	v5 =	vsub.f32 v25, v7  }
0x22c: {  	v0 =	vadd.f32 v45, v0;
	vm3 =	vlt.f32 v49, $1.000000000e+00;
	v7 =	vmul.f32 $5.000000000e-01, v4  }
0x22d: {  	v8 =	vld.idx.msk [tilespmem:v48+s14+$0x0], $0xffff;
	v2 =	vsel vm3, v2, v3;
	v51 =	vmul.f32 $5.000000000e-01, v5;
	v3 =	vand.u32 $0x7FFFFFFF, v4  }
0x22e: {  	vm3 =	vlt.f32 v3, $1.000000000e+00;
	v3 =	vadd.f32 $-5.000000000e-01, v3;
	v4 =	vmul.f32 v7, v4  }
0x22f: {  	v0 =	vadd.f32 v2, v0;
	v2 =	vmul.f32 v51, v5;
	v7 =	vand.u32 $0x7FFFFFFF, v5  }
0x230: {  	v1 =	vsub.f32 v24, v50;
	v5 =	vadd.f32 $-5.000000000e-01, v7;
	v3 =	vsel vm3, v4, v3;
	v4 =	vld.idx.msk [tilespmem:v6+s14+$0x0], $0xffff  }
0x231: {  	vm3 =	vlt.f32 v7, $1.000000000e+00  }
0x232: {  	v6 =	vsub.f32 v21, v8;
	v2 =	vsel vm3, v2, v5;
	v5 =	vmul.f32 $5.000000000e-01, v1  }
0x233: {  	v7 =	vadd.s32 $0x200, v47;
	v0 =	vadd.f32 v3, v0;
	v3 =	vand.u32 $0x7FFFFFFF, v1  }
0x234: {  	v53 =	vld.idx.msk [tilespmem:v52+s14+$0x0], $0xffff;
	vm3 =	vlt.f32 v3, $1.000000000e+00;
	v1 =	vmul.f32 v5, v1;
	v5 =	vmul.f32 $5.000000000e-01, v6  }
0x235: {  	v54 =	vld.idx.msk [tilespmem:v47+s14+$0x0], $0xffff;
	v3 =	vadd.f32 $-5.000000000e-01, v3;
	v8 =	vand.u32 $0x7FFFFFFF, v6;
	v4 =	vsub.f32 v20, v4  }
0x236: {  	v55 =	vadd.s32 $0x400, v47;
	v5 =	vmul.f32 v5, v6;
	v6 =	vadd.f32 $-5.000000000e-01, v8  }
0x237: {  	v1 =	vsel vm3, v1, v3;
	vm3 =	vlt.f32 v8, $1.000000000e+00;
	v3 =	vmul.f32 $5.000000000e-01, v4  }
0x238: {  	v0 =	vadd.f32 v2, v0;
	v56 =	vsel vm3, v5, v6;
	v5 =	vand.u32 $0x7FFFFFFF, v4  }
0x239: {  	v2 =	vsub.f32 v22, v53;
	v6 =	vld.idx.msk [tilespmem:v7+s14+$0x0], $0xffff;
	v3 =	vmul.f32 v3, v4;
	v4 =	vadd.f32 $-5.000000000e-01, v5  }
0x23a: {  	v0 =	vadd.f32 v1, v0;
	vm3 =	vlt.f32 v5, $1.000000000e+00;
	v5 =	vsub.f32 v17, v54  }
0x23b: {  	v57 =	vsel vm3, v3, v4;
	v3 =	vmul.f32 $5.000000000e-01, v2;
	v4 =	vld.idx.msk [tilespmem:v55+s14+$0x0], $0xffff  }
0x23c: {  	v58 =	vand.u32 $0x7FFFFFFF, v2;
	v0 =	vadd.f32 v56, v0;
	v7 =	vmul.f32 $5.000000000e-01, v5  }
0x23d: {  	vm3 =	vlt.f32 v58, $1.000000000e+00;
	v2 =	vmul.f32 v3, v2;
	v3 =	vadd.f32 $-5.000000000e-01, v58  }
0x23e: {  	v59 =	vand.u32 $0x7FFFFFFF, v5;
	v0 =	vadd.f32 v57, v0;
	v6 =	vsub.f32 v18, v6  }
0x23f: {  	v2 =	vsel vm3, v2, v3;
	v3 =	vmul.f32 v7, v5;
	v5 =	vadd.f32 $-5.000000000e-01, v59  }
0x240: {  	v60 =	vmul.f32 $5.000000000e-01, v6;
	vm3 =	vlt.f32 v59, $1.000000000e+00;
	v4 =	vsub.f32 v19, v4  }
0x241: {  	s17 =	sadd.s32 $0x1, s17;
	v0 =	vadd.f32 v2, v0;
	v61 =	vsel vm3, v3, v5;
	v3 =	vand.u32 $0x7FFFFFFF, v6  }
0x242: {  	p0 =	sne.s32 s17, $0x4;
	v1 =	vmul.f32 v60, v6;
	v5 =	vadd.f32 $-5.000000000e-01, v3;
	v6 =	vmul.f32 $5.000000000e-01, v4  }
.Ltmp2:
0x243: {  	v0 =	vadd.f32 v61, v0;
	vm3 =	vlt.f32 v3, $1.000000000e+00;
	v62 =	vand.u32 $0x7FFFFFFF, v4;
	(pc) =	sbr.rel @p0 .LBB2_4-.Ltmp2, $4  }
0x244: {  	v1 =	vsel vm3, v1, v5;
	v3 =	vmul.f32 v6, v4;
	v4 =	vadd.f32 $-5.000000000e-01, v62  }
0x245: {  	vm3 =	vlt.f32 v62, $1.000000000e+00;
	v0 =	vadd.f32 v1, v0  }
0x246: {  	v63 =	vsel vm3, v3, v4  }
0x247: {  	v4 =	vadd.f32 v63, v0  }
0x248: {  	v0 =	vld [tilespmem:$0x1FFF0];
	_ =	sdelay $0x1  }
0x249: {  	s17 =	simm.s32 $0x0  }
0x24a: {  	v18 =	vld [tilespmem:s17+$0xA00]  }
0x24b: {  	v22 =	vld [tilespmem:s17+$0x0]  }
0x24c: {  	v21 =	vld [tilespmem:s17+$0x200]  }
0x24d: {  	v20 =	vld [tilespmem:s17+$0x400]  }
0x24e: {  	v19 =	vimm.f32 $0.0e+00;
	v25 =	vimm.f32 $0.0e+00;
	v24 =	vimm.f32 $0.0e+00;
	v29 =	vld [tilespmem:s17+$0x600]  }
0x24f: {  	s18 =	simm.s32 $0x40;
	v23 =	vimm.f32 $0.0e+00;
	v28 =	vimm.f32 $0.0e+00;
	v27 =	vimm.f32 $0.0e+00;
	v17 =	vld.idx.msk [tilespmem:v0+s10+$0x0], $0xffff  }
.LBB2_8:
0x250: {  	p0 =	sne.s32 s18, $0x7C0;
	v0 =	vld [tilespmem:s17+$0x800];
	s17 =	sshra.s32 s18, $0x2;
	s18 =	sadd.s32 $0x40, s18;
	v19 =	vadd.f32 v18, v19  }
.Ltmp3:
0x251: {  	v18 =	vld [tilespmem:s17+$0xA00];
	v25 =	vadd.f32 v22, v25;
	(pc) =	sbr.rel @p0 .LBB2_8-.Ltmp3, $4  }
0x252: {  	v22 =	vld [tilespmem:s17+$0x0];
	v24 =	vadd.f32 v21, v24  }
0x253: {  	v21 =	vld [tilespmem:s17+$0x200];
	v23 =	vadd.f32 v20, v23  }
0x254: {  	v20 =	vld [tilespmem:s17+$0x400];
	v28 =	vadd.f32 v29, v28  }
0x255: {  	v29 =	vld [tilespmem:s17+$0x600];
	v27 =	vadd.f32 v0, v27  }
0x256: {  	_ = 	snop  }
0x257: {  	v0 =	vld [tilespmem:s17+$0x800];
	_ =	sdelay $0x1  }
0x258: {  	v1 =	vadd.f32 v22, v25  }
0x259: {  	v2 =	vadd.f32 v29, v28  }
0x25a: {  	v3 =	vadd.f32 v21, v24;
	(xrf2) =	vadd.scan.msk.f32 $0xffff, v1  }
0x25b: {  	v0 =	vadd.f32 v0, v27;
	(xrf2) =	vadd.scan.msk.f32 $0xffff, v2  }
0x25c: {  	v48 =	vadd.f32 v20, v23;
	(xrf2) =	vadd.scan.msk.f32 $0xffff, v3  }
0x25d: {  	v49 =	vadd.f32 v18, v19;
	(xrf2) =	vadd.scan.msk.f32 $0xffff, v0  }
0x25e: {  	(xrf2) =	vadd.scan.msk.f32 $0xffff, v48  }
0x25f: {  	(xrf2) =	vadd.scan.msk.f32 $0xffff, v49;
	_ =	sdelay $0x4  }
0x260: {  	v50, _, _ =	vpop (xrf2)  }
0x261: {  	(v2sf) =	vpush v50, $0xF;
	v51, _, _ =	vpop (xrf2)  }
0x262: {  	v52, _, _ =	vpop (xrf2);
	(v2sf) =	vpush v51, $0xF  }
0x263: {  	v53, _, _ =	vpop (xrf2);
	(v2sf) =	vpush v52, $0xF  }
0x264: {  	(v2sf) =	vpush v53, $0xF;
	v54, _, _ =	vpop (xrf2)  }
0x265: {  	(v2sf) =	vpush v54, $0xF;
	v55, _, _ =	vpop (xrf2)  }
0x266: {  	(v2sf) =	vpush v55, $0xF;
	_ =	sdelay $0x9  }
0x267: {  	s25 =	spop (v2sf)  }
0x268: {  	s18 =	spop (v2sf)  }
0x269: {  	s19 =	spop (v2sf);
	s17 =	ssub.f32 s25, s18  }
0x26a: {  	s26 =	spop (v2sf)  }
0x26b: {  	s17 =	smul.f32 $1.953125000e-03, s17;
	s20 =	spop (v2sf)  }
0x26c: {  	s18 =	ssub.f32 s19, s26;
	s28 =	spop (v2sf)  }
0x26d: {  	s19 =	ssub.f32 s20, s28  }
0x26e: {  	s18 =	smul.f32 $1.953125000e-03, s18;
	v56 =	vmov s17  }
0x26f: {  	v0 =	vnsel vm0, $0x0, v56;
	s29 =	smul.f32 $1.953125000e-03, s19  }
0x270: {  	v0 =	vsel vm1, s18, v0  }
0x271: {  	v0 =	vsel vm2, s29, v0  }
0x272: {  	v57 =	vmul.f32 $5.000000000e-01, v0  }
0x273: {  	v58 =	vmul.f32 v17, v4;
	v59 =	vand.u32 $0x7FFFFFFF, v0  }
0x274: {  	v60 =	vadd.f32 $-5.000000000e-01, v59;
	v0 =	vmul.f32 v57, v0  }
0x275: {  	(xrf2) =	vadd.scan.msk.f32 $0xffff, v58;
	vm3 =	vlt.f32 v59, $1.000000000e+00  }
0x276: {  	v0 =	vsel vm3, v0, v60  }
0x277: {  	(xrf2) =	vadd.scan.msk.f32 $0xffff, v0;
	_ =	sdelay $0x7  }
0x278: {  	v61, _, _ =	vpop (xrf2)  }
0x279: {  	(v2sf) =	vpush v61, $0xF  }
0x27a: {  	v62, _, _ =	vpop (xrf2)  }
0x27b: {  	(v2sf) =	vpush v62, $0xF;
	_ =	sdelay $0xc  }
0x27c: {  	s30 =	spop (v2sf)  }
0x27d: {  	s17 =	smul.f32 $1.627604220e-04, s30  }
0x27e: {  	s31 =	spop (v2sf)  }
0x27f: {  	v63 =	vmov s17;
	s18 =	smul.f32 $8.333333580e-02, s31  }
0x280: {  	s16 =	sadd.s32 $0x1, s16;
	v0 =	vnsel vm0, $0x0, v63  }
0x281: {  	p0 =	sne.s32 s16, s7;
	v0 =	vsel vm1, s18, v0  }
.Ltmp4:
0x282: {  	[tilespmem:$0x1480] =	vst v0;
	(pc) =	sbr.rel @p0 .LBB2_1-.Ltmp4, $4  }
0x283: {  	[hbm4b:s6+s3] =	stream.linear.scatter [tilespmem:s15], [sflag:$0x3], $0x80, $0x38;
	[tilespmem:$0x1500] =	vst v63  }
0x284: {  	_ =	swait.ge [sflag:s11], $0x80  }
0x285: {  	[sflag:s11] =	ssyncset.done $0x0  }
0x286: {  	[sflag:s11] =	ssyncadd.s32 $0xFFFFFF80  }
0x287: {  	_ =	sfence.sel $0x180000  }
0x288: {  	[bflag:$0x0] =	sbarrier.arrive $0xFFFF  }
0x289: {  	p0 =	sne.s32 s0, $0x0;
	_ =	strace $0x90000047  }
0x28a: {  	s0 =	sadd.s32 @!p0 $0x100000, s1;
	[bflag:$0x2] =	sbarrier.arrive $0xFFFF  }
0x28b: {  	[sflag:s0] =	ssyncadd.tile.s32 @!p0 $0x1;
	_ =	shalt  }
.Lfunc_end2:
_tile_overlayer_lowered:
.L_overlay_start_2:
0x28c: {  	(tag) =	ssettag $0x2  }
0x28d: {  	s0 =	rddreg [dreg:$0x0];
	s2 =	stileid.u32  }
0x28e: {  	s1 =	rddreg [dreg:$0x1];
	p0 =	sne.s32 s2, $0x0  }
0x28f: {  	s3 =	rddreg [dreg:$0x2];
	[bflag:$0x3] =	sbarrier.arrive $0xFFFF;
	s2 =	simm.s32 @!p0 $0x1C03  }
0x290: {  	[timem:s3], [sflag:s2] =	dma.local @!p0 [hbm:s0], s1  }
0x291: {  	s0 =	simm.s32 @!p0 $0x3  }
0x292: {  	_ =	swait.ge @!p0 [sflag:s0], s1  }
0x293: {  	s1 =	ssub.s32 @!p0 $0x0, s1;
	[sflag:s0] =	ssyncset.done @!p0 $0x0  }
0x294: {  	[sflag:s0] =	ssyncadd.s32 @!p0 s1  }
0x295: {  	[bflag:$0x3] =	sbarrier.arrive $0xFFFF  }
0x296: {  	_ =	shalt  }

</sc_bundles>
